<compile_context>
chip_gen: v7x
topology: tpu7x:2x2x1
jax: 0.10.2.dev20260603
libtpu: 0.0.44.dev20260713+nightly
codegen_flags: <defaults>
</compile_context>

<pallas_src>
import functools

import jax
import jax.numpy as jnp
from jax import lax
from jax.experimental import pallas as pl
from jax.experimental.pallas import tpu as pltpu
from jax.experimental.pallas import tpu_sc as plsc

_NC = 2
_NS = 16
_EB = 1536
_RB = 1024


def _mesh():
  return plsc.VectorSubcoreMesh(
      core_axis_name="c", subcore_axis_name="s",
      num_cores=_NC, num_subcores=_NS)


def _fill2(ref, val):
  v = jnp.full((16,), val, ref.dtype)

  def body(i, _):
    ref[i] = v
    return 0

  lax.fori_loop(0, ref.shape[0], body, 0)


def _fill1(ref, val):
  v = jnp.full((16,), val, ref.dtype)

  def body(i, _):
    ref[pl.ds(pl.multiple_of(i * 16, 16), 16)] = v
    return 0

  lax.fori_loop(0, ref.shape[0] // 16, body, 0)


def _zero_slice2(agg_s, zero_v, row0, rpt):
  nz = rpt // _EB
  rem = rpt - nz * _EB
  for j in range(nz):
    pltpu.sync_copy(zero_v, agg_s.at[pl.ds(row0 + j * _EB, _EB)])
  if rem:
    pltpu.sync_copy(zero_v.at[pl.ds(0, rem)],
                    agg_s.at[pl.ds(row0 + nz * _EB, rem)])




@functools.cache
def _deg_kernel(EP, NP):
  ept = EP // _NS
  nblk = ept // _EB
  rpt = NP // _NS

  @functools.partial(
      pl.kernel,
      out_type=jax.ShapeDtypeStruct((_NC * NP,), jnp.float32),
      mesh=_mesh(),
      compiler_params=pltpu.CompilerParams(use_tc_tiling_on_sc=False),
      scratch_types=[
          pltpu.VMEM((_EB,), jnp.int32),
          pltpu.VMEM((_EB,), jnp.float32),
          pltpu.VMEM((rpt,), jnp.float32),
          pltpu.VMEM_SHARED((NP,), jnp.float32),
      ],
  )
  def k(ei_hbm, out_hbm, idx_v, ones_v, zb_v, deg_s):
    c = lax.axis_index("c")
    s = lax.axis_index("s")
    _fill1(ones_v, 1.0)
    _fill1(zb_v, 0.0)
    row0 = pl.multiple_of(s * rpt, 128)
    pltpu.sync_copy(zb_v, deg_s.at[pl.ds(row0, rpt)])
    plsc.subcore_barrier()

    def blk(i, _):
      e0 = pl.multiple_of(c * EP + s * ept + i * _EB, 128)
      pltpu.sync_copy(ei_hbm.at[pl.ds(e0, _EB)], idx_v)
      pltpu.sync_copy(ones_v, deg_s.at[idx_v], add=True)
      return 0

    lax.fori_loop(0, nblk, blk, 0)
    plsc.subcore_barrier()
    out0 = pl.multiple_of(c * NP + row0, 128)
    pltpu.sync_copy(deg_s.at[pl.ds(row0, rpt)], out_hbm.at[pl.ds(out0, rpt)])

  return k


@functools.cache
def _agg16_kernel(EP, NP):
  ept = EP // (_NC * _NS)
  nblk = ept // _EB
  rpt = NP // _NS

  @functools.partial(
      pl.kernel,
      out_type=jax.ShapeDtypeStruct((_NC, NP, 16), jnp.float32),
      mesh=_mesh(),
      compiler_params=pltpu.CompilerParams(use_tc_tiling_on_sc=False),
      scratch_types=[
          pltpu.VMEM((_EB,), jnp.int32),
          pltpu.VMEM((_EB,), jnp.int32),
          pltpu.VMEM((_EB, 16), jnp.float32),
          pltpu.VMEM_SHARED((NP, 16), jnp.float32),
      ],
  )
  def k(tbl_hbm, ei_hbm, out_hbm, src_v, dst_v, rows_v, agg_s):
    c = lax.axis_index("c")
    s = lax.axis_index("s")
    _fill2(rows_v, 0.0)
    row0 = pl.multiple_of(s * rpt, 8)
    _zero_slice2(agg_s, rows_v, row0, rpt)
    plsc.subcore_barrier()
    base = pl.multiple_of(c * (EP // 2) + s * ept, 128)

    def blk(i, _):
      e0 = pl.multiple_of(base + i * _EB, 128)
      pltpu.sync_copy(ei_hbm.at[pl.ds(e0, _EB)], src_v)
      pltpu.sync_copy(ei_hbm.at[pl.ds(EP + e0, _EB)], dst_v)
      pltpu.sync_copy(tbl_hbm.at[src_v], rows_v)
      pltpu.sync_copy(rows_v, agg_s.at[dst_v], add=True)
      return 0

    lax.fori_loop(0, nblk, blk, 0)
    plsc.subcore_barrier()
    pltpu.sync_copy(agg_s.at[pl.ds(row0, rpt)], out_hbm.at[c, pl.ds(row0, rpt)])

  return k


@functools.cache
def _agg128_kernel(EP, NP):
  ept = EP // _NS
  nblk = ept // _EB
  rpt = NP // _NS
  nch = 4 // _NC

  @functools.partial(
      pl.kernel,
      out_type=jax.ShapeDtypeStruct((NP, 128), jnp.bfloat16),
      mesh=_mesh(),
      compiler_params=pltpu.CompilerParams(use_tc_tiling_on_sc=False),
      scratch_types=[
          pltpu.VMEM((_EB,), jnp.int32),
          pltpu.VMEM((_EB,), jnp.int32),
          pltpu.VMEM((_EB, 32), jnp.bfloat16),
          pltpu.VMEM_SHARED((NP, 32), jnp.bfloat16),
      ],
  )
  def k(h_hbm, idx8_hbm, ei_hbm, z_hbm, out_hbm, idx_v, dst_v, rows_v, agg_s):
    c = lax.axis_index("c")
    s = lax.axis_index("s")
    row0 = pl.multiple_of(s * rpt, 8)
    base = pl.multiple_of(s * ept, 128)
    for cc in range(nch):
      ch = c * nch + cc
      colo = pl.multiple_of(ch * 32, 32)
      pltpu.sync_copy(z_hbm.at[pl.ds(row0, rpt)], agg_s.at[pl.ds(row0, rpt)])
      plsc.subcore_barrier()

      def blk(i, _):
        e0 = pl.multiple_of(base + i * _EB, 128)
        pltpu.sync_copy(idx8_hbm.at[pl.ds(ch * EP + e0, _EB)], idx_v)
        pltpu.sync_copy(ei_hbm.at[pl.ds(EP + e0, _EB)], dst_v)
        pltpu.sync_copy(h_hbm.at[idx_v], rows_v)
        pltpu.sync_copy(rows_v, agg_s.at[dst_v], add=True)
        return 0

      lax.fori_loop(0, nblk, blk, 0)
      plsc.subcore_barrier()
      pltpu.sync_copy(agg_s.at[pl.ds(row0, rpt)],
                      out_hbm.at[pl.ds(row0, rpt), pl.ds(colo, 32)])

  return k




def _norm(deg_blk):
  return lax.rsqrt(jnp.maximum(deg_blk, 1.0))


def _leaky(z):
  return jnp.where(z >= 0, z, 0.01 * z)


def _scale_x_tc(xp, dego):
  NP = xp.shape[0]

  def body(x_ref, d_ref, o_ref):
    o_ref[...] = x_ref[...] * _norm(d_ref[...])

  return pl.pallas_call(
      body,
      grid=(NP // _RB,),
      in_specs=[
          pl.BlockSpec((_RB, 16), lambda i: (i, 0)),
          pl.BlockSpec((_RB, 1), lambda i: (i, 0)),
      ],
      out_specs=pl.BlockSpec((_RB, 16), lambda i: (i, 0)),
      out_shape=jax.ShapeDtypeStruct((NP, 16), jnp.float32),
  )(xp, dego)


def _layer1_tc(p, degi, dego, W1p, b1):
  NP = p.shape[1]

  def body(p_ref, di_ref, do_ref, w_ref, b_ref, o_ref):
    agg = (p_ref[0] + p_ref[1]) * _norm(di_ref[...])
    z = jnp.dot(agg, w_ref[...], preferred_element_type=jnp.float32)
    z = z + b_ref[...]
    o_ref[...] = (_leaky(z) * _norm(do_ref[...])).astype(jnp.bfloat16)

  return pl.pallas_call(
      body,
      grid=(NP // _RB,),
      in_specs=[
          pl.BlockSpec((2, _RB, 16), lambda i: (0, i, 0)),
          pl.BlockSpec((_RB, 1), lambda i: (i, 0)),
          pl.BlockSpec((_RB, 1), lambda i: (i, 0)),
          pl.BlockSpec((16, 128), lambda i: (0, 0)),
          pl.BlockSpec((1, 128), lambda i: (0, 0)),
      ],
      out_specs=pl.BlockSpec((_RB, 128), lambda i: (i, 0)),
      out_shape=jax.ShapeDtypeStruct((NP, 128), jnp.bfloat16),
  )(p, degi, dego, W1p, b1)


def _mid_tc(agg, degi, dego, W, b):
  NP = agg.shape[0]

  def body(a_ref, di_ref, do_ref, w_ref, b_ref, o_ref):
    a = a_ref[...].astype(jnp.float32) * _norm(di_ref[...])
    z = jnp.dot(a, w_ref[...], preferred_element_type=jnp.float32)
    z = z + b_ref[...]
    o_ref[...] = (_leaky(z) * _norm(do_ref[...])).astype(jnp.bfloat16)

  return pl.pallas_call(
      body,
      grid=(NP // _RB,),
      in_specs=[
          pl.BlockSpec((_RB, 128), lambda i: (i, 0)),
          pl.BlockSpec((_RB, 1), lambda i: (i, 0)),
          pl.BlockSpec((_RB, 1), lambda i: (i, 0)),
          pl.BlockSpec((128, 128), lambda i: (0, 0)),
          pl.BlockSpec((1, 128), lambda i: (0, 0)),
      ],
      out_specs=pl.BlockSpec((_RB, 128), lambda i: (i, 0)),
      out_shape=jax.ShapeDtypeStruct((NP, 128), jnp.bfloat16),
  )(agg, degi, dego, W, b)


def _layer4_tc(agg, degi, dego, W4, b4, W5p):
  NP = agg.shape[0]

  def body(a_ref, di_ref, do_ref, w4_ref, b4_ref, w5_ref, o_ref):
    a = a_ref[...].astype(jnp.float32) * _norm(di_ref[...])
    z = jnp.dot(a, w4_ref[...], preferred_element_type=jnp.float32)
    z = z + b4_ref[...]
    h4 = _leaky(z) * _norm(do_ref[...])
    o_ref[...] = jnp.dot(h4, w5_ref[...], preferred_element_type=jnp.float32)

  return pl.pallas_call(
      body,
      grid=(NP // _RB,),
      in_specs=[
          pl.BlockSpec((_RB, 128), lambda i: (i, 0)),
          pl.BlockSpec((_RB, 1), lambda i: (i, 0)),
          pl.BlockSpec((_RB, 1), lambda i: (i, 0)),
          pl.BlockSpec((128, 128), lambda i: (0, 0)),
          pl.BlockSpec((1, 128), lambda i: (0, 0)),
          pl.BlockSpec((128, 16), lambda i: (0, 0)),
      ],
      out_specs=pl.BlockSpec((_RB, 16), lambda i: (i, 0)),
      out_shape=jax.ShapeDtypeStruct((NP, 16), jnp.float32),
  )(agg, degi, dego, W4, b4, W5p)


def _final_tc(p, degi, b5p):
  NP = p.shape[1]

  def body(p_ref, di_ref, b_ref, o_ref):
    o_ref[...] = (p_ref[0] + p_ref[1]) * _norm(di_ref[...]) + b_ref[...]

  return pl.pallas_call(
      body,
      grid=(NP // _RB,),
      in_specs=[
          pl.BlockSpec((2, _RB, 16), lambda i: (0, i, 0)),
          pl.BlockSpec((_RB, 1), lambda i: (i, 0)),
          pl.BlockSpec((1, 16), lambda i: (0, 0)),
      ],
      out_specs=pl.BlockSpec((_RB, 16), lambda i: (i, 0)),
      out_shape=jax.ShapeDtypeStruct((NP, 16), jnp.float32),
  )(p, degi, b5p)




def kernel(x, edge_index, W1, b1, W2, b2, W3, b3, W4, b4, W5, b5):
  N, Fin = x.shape
  E = edge_index.shape[1]
  NP = ((N + _RB - 1) // _RB) * _RB
  eb_all = _NC * _NS * _EB
  EP = ((E + eb_all - 1) // eb_all) * eb_all
  assert NP % (_NS * 128) == 0

  npad = EP - E
  fill = N + (jnp.arange(npad, dtype=jnp.int32) % (NP - N))
  ei_flat = jnp.concatenate(
      [edge_index[0], fill, edge_index[1], fill])
  src4 = jnp.concatenate([edge_index[0], fill]) * 4
  idx4 = jnp.concatenate([src4 + cc for cc in range(4)])

  deg = _deg_kernel(EP, NP)(ei_flat).reshape(_NC, NP)
  dego = deg[0].reshape(NP, 1)
  degi = deg[1].reshape(NP, 1)

  xp = jnp.pad(x, ((0, NP - N), (0, 16 - Fin)))
  xs = _scale_x_tc(xp, dego)
  p = _agg16_kernel(EP, NP)(xs, ei_flat)

  W1p = jnp.pad(W1, ((0, 16 - Fin), (0, 0)))
  h = _layer1_tc(p, degi, dego, W1p, b1.reshape(1, 128))

  z32 = jnp.zeros((NP, 32), jnp.bfloat16)
  for W, b in ((W2, b2), (W3, b3)):
    a = _agg128_kernel(EP, NP)(h.reshape(NP * 4, 32), idx4, ei_flat, z32)
    h = _mid_tc(a, degi, dego, W, b.reshape(1, 128))

  a = _agg128_kernel(EP, NP)(h.reshape(NP * 4, 32), idx4, ei_flat, z32)
  W5p = jnp.pad(W5, ((0, 0), (0, 16 - W5.shape[1])))
  g = _layer4_tc(a, degi, dego, W4, b4.reshape(1, 128), W5p)

  p = _agg16_kernel(EP, NP)(g, ei_flat)
  b5p = jnp.pad(b5, (0, 16 - b5.shape[0])).reshape(1, 16)
  out16 = _final_tc(p, degi, b5p)
  return out16[:N, :3]

# --- scband reference (transcript-rebuilt; emitter-appended) ---
"""Pipeline reference for scband-deepwide-net-76390288327751 (READ-ONLY COPY).

The authoritative reference and input builder live on the scoring server;
editing this copy changes nothing except your own understanding.
"""

import jax, jax.numpy as jnp
import numpy as np

N = 100000
E = 1600000

def setup_inputs(seed: int = 0) -> dict:
    key = jax.random.key(seed)
    ks = jax.random.split(key, 8)
    x = jax.random.normal(ks[0], (N, 4), dtype=jnp.float32)
    edge_index = jax.random.randint(ks[1], (2, E), 0, N, dtype=jnp.int32)
    def lin(k, fi, fo):
        return jax.random.normal(k, (fi, fo), dtype=jnp.float32) * (1.0 / np.sqrt(fi))
    W1 = lin(ks[2], 4, 128); b1 = jnp.zeros((128,), jnp.float32)
    W2 = lin(ks[3], 128, 128); b2 = jnp.zeros((128,), jnp.float32)
    W3 = lin(ks[4], 128, 128); b3 = jnp.zeros((128,), jnp.float32)
    W4 = lin(ks[5], 128, 128); b4 = jnp.zeros((128,), jnp.float32)
    W5 = lin(ks[6], 128, 3); b5 = jnp.zeros((3,), jnp.float32)
    return {"x": x, "edge_index": edge_index,
            "W1": W1, "b1": b1, "W2": W2, "b2": b2, "W3": W3, "b3": b3,
            "W4": W4, "b4": b4, "W5": W5, "b5": b5}

def _gcn_layer(h, W, b, src, dst, norm_src, norm_dst):
    # DGL GraphConv with norm='both': h' = D_dst^{-1/2} A D_src^{-1/2} h W + b
    h = h * norm_src
    m = jnp.take(h, src, axis=0)
    agg = jax.ops.segment_sum(m, dst, num_segments=h.shape[0])
    agg = agg * norm_dst
    return agg @ W + b

def reference(x, edge_index, W1, b1, W2, b2, W3, b3, W4, b4, W5, b5):
    src = edge_index[0]
    dst = edge_index[1]
    n = x.shape[0]
    ones = jnp.ones((src.shape[0],), jnp.float32)
    deg_out = jax.ops.segment_sum(ones, src, num_segments=n)
    deg_in = jax.ops.segment_sum(ones, dst, num_segments=n)
    norm_src = jax.lax.rsqrt(jnp.clip(deg_out, 1.0, None))[:, None]
    norm_dst = jax.lax.rsqrt(jnp.clip(deg_in, 1.0, None))[:, None]
    h = jax.nn.leaky_relu(_gcn_layer(x, W1, b1, src, dst, norm_src, norm_dst), 0.01)
    h = jax.nn.leaky_relu(_gcn_layer(h, W2, b2, src, dst, norm_src, norm_dst), 0.01)
    h = jax.nn.leaky_relu(_gcn_layer(h, W3, b3, src, dst, norm_src, norm_dst), 0.01)
    h = jax.nn.leaky_relu(_gcn_layer(h, W4, b4, src, dst, norm_src, norm_dst), 0.01)
    h = _gcn_layer(h, W5, b5, src, dst, norm_src, norm_dst)
    return h

if __name__ == "__main__":
    import jax
    _d = setup_inputs()
    print(jax.jit(kernel)(*tuple(_d.values())))

</pallas_src>

<mosaic_0001>
#map = affine_map<(d0, d1) -> (0, 0)>
#map1 = affine_map<(d0, d1) -> (0)>
#map2 = affine_map<(d0, d1) -> (0, 0, 0)>
module attributes {stable_mosaic.version = 14 : i64} {
  func.func @k(%arg0: i32, %arg1: i32, %arg2: memref<100352x16xf32, #tpu.memory_space<hbm>>, %arg3: memref<3244032xi32, #tpu.memory_space<hbm>>, %arg4: memref<2x100352x16xf32, #tpu.memory_space<hbm>>, %arg5: memref<1536xi32, #tpu.memory_space<vmem>>, %arg6: memref<1536xi32, #tpu.memory_space<vmem>>, %arg7: memref<1536x16xf32, #tpu.memory_space<vmem>>, %arg8: memref<100352x16xf32, #tpu.memory_space<vmem_shared>>) attributes {dimension_semantics = [#tpu.dimension_semantics<core_parallel>, #tpu.dimension_semantics<subcore_parallel>], iteration_bounds = array<i64: 2, 16>, scalar_prefetch = 0 : i64, scratch_operands = 4 : i64, tpu.core_type = #tpu.core_type<sc_vector_subcore>, window_params = [{transform_indices = #map}, {transform_indices = #map1}, {transform_indices = #map2}]} {
    %broadcast_in_dim3A = arith.constant 0.000000e+00 : f32
    %broadcast_in_dim3A_0 = vector.broadcast %broadcast_in_dim3A : f32 to vector<16xf32>
    %scan3A = arith.constant 0 : i32
    %scan3A_1 = arith.constant 0 : i32
    %scan3A_2 = arith.constant 1536 : i32
    %scan3A_3 = arith.addi %scan3A_1, %scan3A_2 : i32
    %scan3A_4 = arith.constant 1 : i32
    %scan3A_5 = scf.for %scan3A_31 = %scan3A_1 to %scan3A_3 step %scan3A_4 iter_args(%scan3A_32 = %scan3A) -> (i32)  : i32 {
      %swap3A = arith.index_cast %scan3A_31 : i32 to index
      %swap3A_33 = arith.constant 0 : index
      %swap3A_34 = tpu.vector_load %arg7[%swap3A, %swap3A_33] {strides = array<i32>} : memref<1536x16xf32, #tpu.memory_space<vmem>>, vector<1x16xf32>,
      %swap3A_35 = vector.shape_cast %swap3A_34 : vector<1x16xf32> to vector<16xf32>
      %swap3A_36 = vector.shape_cast %broadcast_in_dim3A_0 : vector<16xf32> to vector<1x16xf32>
      tpu.vector_store %arg7[%swap3A, %swap3A_33], %swap3A_36 {strides = array<i32>} : memref<1536x16xf32, #tpu.memory_space<vmem>>, vector<1x16xf32>,
      %scan3A_37 = arith.constant 0 : i32
      scf.yield %scan3A_37 : i32
    }
    %scan3A_6 = arith.constant 1536 : i32
    %mul3A = arith.constant 6272 : i32
    %mul3A_7 = arith.muli %arg1, %mul3A : i32
    %multiple_of3A = tpu.assume_multiple %mul3A_7, 8 : i32
    %add3A = arith.constant 0 : i32
    %add3A_8 = arith.addi %multiple_of3A, %add3A : i32
    "tpu.region"() ({
      %run_scoped3A = tpu.sem_alloc : memref<!tpu.dma_semaphore, #tpu.memory_space<semaphore_mem>>
      %dma_start3A = arith.constant 0 : i32
      %dma_start3A_31 = tpu.memref_slice %arg8[%add3A_8, %dma_start3A] : memref<100352x16xf32, #tpu.memory_space<vmem_shared>> -> memref<1536x16xf32, #tpu.memory_space<vmem_shared>>
      %dma_start3A_32 = arith.constant 0 : i32
      %dma_start3A_33 = tpu.memref_slice %arg8[%add3A_8, %dma_start3A_32] : memref<100352x16xf32, #tpu.memory_space<vmem_shared>> -> memref<1536x16xf32, #tpu.memory_space<vmem_shared>>
      tpu.enqueue_dma source(%arg7 : memref<1536x16xf32, #tpu.memory_space<vmem>>) target(%dma_start3A_33 : memref<1536x16xf32, #tpu.memory_space<vmem_shared>>) target_semaphore(%run_scoped3A : memref<!tpu.dma_semaphore, #tpu.memory_space<semaphore_mem>>)
      %dma_wait3A = arith.constant 0 : i32
      %dma_wait3A_34 = tpu.memref_slice %arg8[%add3A_8, %dma_wait3A] : memref<100352x16xf32, #tpu.memory_space<vmem_shared>> -> memref<1536x16xf32, #tpu.memory_space<vmem_shared>>
      %dma_wait3A_35 = arith.constant 0 : i32
      %dma_wait3A_36 = tpu.memref_slice %arg8[%add3A_8, %dma_wait3A_35] : memref<100352x16xf32, #tpu.memory_space<vmem_shared>> -> memref<1536x16xf32, #tpu.memory_space<vmem_shared>>
      tpu.wait_dma2 semaphore(%run_scoped3A : memref<!tpu.dma_semaphore, #tpu.memory_space<semaphore_mem>>) src(%arg7 : memref<1536x16xf32, #tpu.memory_space<vmem>>) dst(%dma_wait3A_36 : memref<1536x16xf32, #tpu.memory_space<vmem_shared>>)
      tpu.yield
    }) : () -> ()
    %add3A_9 = arith.constant 1536 : i32
    %add3A_10 = arith.addi %multiple_of3A, %add3A_9 : i32
    "tpu.region"() ({
      %run_scoped3A = tpu.sem_alloc : memref<!tpu.dma_semaphore, #tpu.memory_space<semaphore_mem>>
      %dma_start3A = arith.constant 0 : i32
      %dma_start3A_31 = tpu.memref_slice %arg8[%add3A_10, %dma_start3A] : memref<100352x16xf32, #tpu.memory_space<vmem_shared>> -> memref<1536x16xf32, #tpu.memory_space<vmem_shared>>
      %dma_start3A_32 = arith.constant 0 : i32
      %dma_start3A_33 = tpu.memref_slice %arg8[%add3A_10, %dma_start3A_32] : memref<100352x16xf32, #tpu.memory_space<vmem_shared>> -> memref<1536x16xf32, #tpu.memory_space<vmem_shared>>
      tpu.enqueue_dma source(%arg7 : memref<1536x16xf32, #tpu.memory_space<vmem>>) target(%dma_start3A_33 : memref<1536x16xf32, #tpu.memory_space<vmem_shared>>) target_semaphore(%run_scoped3A : memref<!tpu.dma_semaphore, #tpu.memory_space<semaphore_mem>>)
      %dma_wait3A = arith.constant 0 : i32
      %dma_wait3A_34 = tpu.memref_slice %arg8[%add3A_10, %dma_wait3A] : memref<100352x16xf32, #tpu.memory_space<vmem_shared>> -> memref<1536x16xf32, #tpu.memory_space<vmem_shared>>
      %dma_wait3A_35 = arith.constant 0 : i32
      %dma_wait3A_36 = tpu.memref_slice %arg8[%add3A_10, %dma_wait3A_35] : memref<100352x16xf32, #tpu.memory_space<vmem_shared>> -> memref<1536x16xf32, #tpu.memory_space<vmem_shared>>
      tpu.wait_dma2 semaphore(%run_scoped3A : memref<!tpu.dma_semaphore, #tpu.memory_space<semaphore_mem>>) src(%arg7 : memref<1536x16xf32, #tpu.memory_space<vmem>>) dst(%dma_wait3A_36 : memref<1536x16xf32, #tpu.memory_space<vmem_shared>>)
      tpu.yield
    }) : () -> ()
    %add3A_11 = arith.constant 3072 : i32
    %add3A_12 = arith.addi %multiple_of3A, %add3A_11 : i32
    "tpu.region"() ({
      %run_scoped3A = tpu.sem_alloc : memref<!tpu.dma_semaphore, #tpu.memory_space<semaphore_mem>>
      %dma_start3A = arith.constant 0 : i32
      %dma_start3A_31 = tpu.memref_slice %arg8[%add3A_12, %dma_start3A] : memref<100352x16xf32, #tpu.memory_space<vmem_shared>> -> memref<1536x16xf32, #tpu.memory_space<vmem_shared>>
      %dma_start3A_32 = arith.constant 0 : i32
      %dma_start3A_33 = tpu.memref_slice %arg8[%add3A_12, %dma_start3A_32] : memref<100352x16xf32, #tpu.memory_space<vmem_shared>> -> memref<1536x16xf32, #tpu.memory_space<vmem_shared>>
      tpu.enqueue_dma source(%arg7 : memref<1536x16xf32, #tpu.memory_space<vmem>>) target(%dma_start3A_33 : memref<1536x16xf32, #tpu.memory_space<vmem_shared>>) target_semaphore(%run_scoped3A : memref<!tpu.dma_semaphore, #tpu.memory_space<semaphore_mem>>)
      %dma_wait3A = arith.constant 0 : i32
      %dma_wait3A_34 = tpu.memref_slice %arg8[%add3A_12, %dma_wait3A] : memref<100352x16xf32, #tpu.memory_space<vmem_shared>> -> memref<1536x16xf32, #tpu.memory_space<vmem_shared>>
      %dma_wait3A_35 = arith.constant 0 : i32
      %dma_wait3A_36 = tpu.memref_slice %arg8[%add3A_12, %dma_wait3A_35] : memref<100352x16xf32, #tpu.memory_space<vmem_shared>> -> memref<1536x16xf32, #tpu.memory_space<vmem_shared>>
      tpu.wait_dma2 semaphore(%run_scoped3A : memref<!tpu.dma_semaphore, #tpu.memory_space<semaphore_mem>>) src(%arg7 : memref<1536x16xf32, #tpu.memory_space<vmem>>) dst(%dma_wait3A_36 : memref<1536x16xf32, #tpu.memory_space<vmem_shared>>)
      tpu.yield
    }) : () -> ()
    %add3A_13 = arith.constant 4608 : i32
    %add3A_14 = arith.addi %multiple_of3A, %add3A_13 : i32
    "tpu.region"() ({
      %run_scoped3A = tpu.sem_alloc : memref<!tpu.dma_semaphore, #tpu.memory_space<semaphore_mem>>
      %dma_start3A = arith.constant 0 : i32
      %dma_start3A_31 = tpu.memref_slice %arg8[%add3A_14, %dma_start3A] : memref<100352x16xf32, #tpu.memory_space<vmem_shared>> -> memref<1536x16xf32, #tpu.memory_space<vmem_shared>>
      %dma_start3A_32 = arith.constant 0 : i32
      %dma_start3A_33 = tpu.memref_slice %arg8[%add3A_14, %dma_start3A_32] : memref<100352x16xf32, #tpu.memory_space<vmem_shared>> -> memref<1536x16xf32, #tpu.memory_space<vmem_shared>>
      tpu.enqueue_dma source(%arg7 : memref<1536x16xf32, #tpu.memory_space<vmem>>) target(%dma_start3A_33 : memref<1536x16xf32, #tpu.memory_space<vmem_shared>>) target_semaphore(%run_scoped3A : memref<!tpu.dma_semaphore, #tpu.memory_space<semaphore_mem>>)
      %dma_wait3A = arith.constant 0 : i32
      %dma_wait3A_34 = tpu.memref_slice %arg8[%add3A_14, %dma_wait3A] : memref<100352x16xf32, #tpu.memory_space<vmem_shared>> -> memref<1536x16xf32, #tpu.memory_space<vmem_shared>>
      %dma_wait3A_35 = arith.constant 0 : i32
      %dma_wait3A_36 = tpu.memref_slice %arg8[%add3A_14, %dma_wait3A_35] : memref<100352x16xf32, #tpu.memory_space<vmem_shared>> -> memref<1536x16xf32, #tpu.memory_space<vmem_shared>>
      tpu.wait_dma2 semaphore(%run_scoped3A : memref<!tpu.dma_semaphore, #tpu.memory_space<semaphore_mem>>) src(%arg7 : memref<1536x16xf32, #tpu.memory_space<vmem>>) dst(%dma_wait3A_36 : memref<1536x16xf32, #tpu.memory_space<vmem_shared>>)
      tpu.yield
    }) : () -> ()
    %add3A_15 = arith.constant 6144 : i32
    %add3A_16 = arith.addi %multiple_of3A, %add3A_15 : i32
    "tpu.region"() ({
      %run_scoped3A = tpu.sem_alloc : memref<!tpu.dma_semaphore, #tpu.memory_space<semaphore_mem>>
      %dma_start3A = arith.constant 0 : i32
      %dma_start3A_31 = arith.constant 0 : i32
      %dma_start3A_32 = tpu.memref_slice %arg7[%dma_start3A, %dma_start3A_31] : memref<1536x16xf32, #tpu.memory_space<vmem>> -> memref<128x16xf32, #tpu.memory_space<vmem>>
      %dma_start3A_33 = arith.constant 0 : i32
      %dma_start3A_34 = tpu.memref_slice %arg8[%add3A_16, %dma_start3A_33] : memref<100352x16xf32, #tpu.memory_space<vmem_shared>> -> memref<128x16xf32, #tpu.memory_space<vmem_shared>>
      %dma_start3A_35 = arith.constant 0 : i32
      %dma_start3A_36 = tpu.memref_slice %arg8[%add3A_16, %dma_start3A_35] : memref<100352x16xf32, #tpu.memory_space<vmem_shared>> -> memref<128x16xf32, #tpu.memory_space<vmem_shared>>
      %dma_start3A_37 = arith.constant 0 : i32
      %dma_start3A_38 = arith.constant 0 : i32
      %dma_start3A_39 = tpu.memref_slice %arg7[%dma_start3A_37, %dma_start3A_38] : memref<1536x16xf32, #tpu.memory_space<vmem>> -> memref<128x16xf32, #tpu.memory_space<vmem>>
      tpu.enqueue_dma source(%dma_start3A_39 : memref<128x16xf32, #tpu.memory_space<vmem>>) target(%dma_start3A_36 : memref<128x16xf32, #tpu.memory_space<vmem_shared>>) target_semaphore(%run_scoped3A : memref<!tpu.dma_semaphore, #tpu.memory_space<semaphore_mem>>)
      %dma_wait3A = arith.constant 0 : i32
      %dma_wait3A_40 = arith.constant 0 : i32
      %dma_wait3A_41 = tpu.memref_slice %arg7[%dma_wait3A, %dma_wait3A_40] : memref<1536x16xf32, #tpu.memory_space<vmem>> -> memref<128x16xf32, #tpu.memory_space<vmem>>
      %dma_wait3A_42 = arith.constant 0 : i32
      %dma_wait3A_43 = tpu.memref_slice %arg8[%add3A_16, %dma_wait3A_42] : memref<100352x16xf32, #tpu.memory_space<vmem_shared>> -> memref<128x16xf32, #tpu.memory_space<vmem_shared>>
      %dma_wait3A_44 = arith.constant 0 : i32
      %dma_wait3A_45 = tpu.memref_slice %arg8[%add3A_16, %dma_wait3A_44] : memref<100352x16xf32, #tpu.memory_space<vmem_shared>> -> memref<128x16xf32, #tpu.memory_space<vmem_shared>>
      %dma_wait3A_46 = arith.constant 0 : i32
      %dma_wait3A_47 = arith.constant 0 : i32
      %dma_wait3A_48 = tpu.memref_slice %arg7[%dma_wait3A_46, %dma_wait3A_47] : memref<1536x16xf32, #tpu.memory_space<vmem>> -> memref<128x16xf32, #tpu.memory_space<vmem>>
      tpu.wait_dma2 semaphore(%run_scoped3A : memref<!tpu.dma_semaphore, #tpu.memory_space<semaphore_mem>>) src(%dma_wait3A_48 : memref<128x16xf32, #tpu.memory_space<vmem>>) dst(%dma_wait3A_45 : memref<128x16xf32, #tpu.memory_space<vmem_shared>>)
      tpu.yield
    }) : () -> ()
    %barrier3A = arith.constant 0 : index
    tpu.barrier barrier_id(%barrier3A)
    %mul3A_17 = arith.constant 811008 : i32
    %mul3A_18 = arith.muli %arg0, %mul3A_17 : i32
    %mul3A_19 = arith.constant 50688 : i32
    %mul3A_20 = arith.muli %arg1, %mul3A_19 : i32
    %add3A_21 = arith.addi %mul3A_18, %mul3A_20 : i32
    %multiple_of3A_22 = tpu.assume_multiple %add3A_21, 128 : i32
    %scan3A_23 = arith.constant 0 : i32
    %scan3A_24 = arith.constant 0 : i32
    %scan3A_25 = arith.constant 33 : i32
    %scan3A_26 = arith.addi %scan3A_24, %scan3A_25 : i32
    %scan3A_27 = arith.constant 1 : i32
    %scan3A_28 = scf.for %scan3A_31 = %scan3A_24 to %scan3A_26 step %scan3A_27 iter_args(%scan3A_32 = %scan3A_23) -> (i32)  : i32 {
      %mul3A_33 = arith.constant 1536 : i32
      %mul3A_34 = arith.muli %scan3A_31, %mul3A_33 : i32
      %add3A_35 = arith.addi %multiple_of3A_22, %mul3A_34 : i32
      %multiple_of3A_36 = tpu.assume_multiple %add3A_35, 128 : i32
      "tpu.region"() ({
        %run_scoped3A = tpu.sem_alloc : memref<!tpu.dma_semaphore, #tpu.memory_space<semaphore_mem>>
        %dma_start3A = tpu.memref_slice %arg3[%multiple_of3A_36] : memref<3244032xi32, #tpu.memory_space<hbm>> -> memref<1536xi32, #tpu.memory_space<hbm>>
        %dma_start3A_40 = tpu.memref_slice %arg3[%multiple_of3A_36] : memref<3244032xi32, #tpu.memory_space<hbm>> -> memref<1536xi32, #tpu.memory_space<hbm>>
        tpu.enqueue_dma source(%dma_start3A_40 : memref<1536xi32, #tpu.memory_space<hbm>>) target(%arg5 : memref<1536xi32, #tpu.memory_space<vmem>>) target_semaphore(%run_scoped3A : memref<!tpu.dma_semaphore, #tpu.memory_space<semaphore_mem>>)
        %dma_wait3A = tpu.memref_slice %arg3[%multiple_of3A_36] : memref<3244032xi32, #tpu.memory_space<hbm>> -> memref<1536xi32, #tpu.memory_space<hbm>>
        %dma_wait3A_41 = tpu.memref_slice %arg3[%multiple_of3A_36] : memref<3244032xi32, #tpu.memory_space<hbm>> -> memref<1536xi32, #tpu.memory_space<hbm>>
        tpu.wait_dma2 semaphore(%run_scoped3A : memref<!tpu.dma_semaphore, #tpu.memory_space<semaphore_mem>>) src(%dma_wait3A_41 : memref<1536xi32, #tpu.memory_space<hbm>>) dst(%arg5 : memref<1536xi32, #tpu.memory_space<vmem>>)
        tpu.yield
      }) : () -> ()
      %add3A_37 = arith.constant 1622016 : i32
      %add3A_38 = arith.addi %add3A_37, %multiple_of3A_36 : i32
      "tpu.region"() ({
        %run_scoped3A = tpu.sem_alloc : memref<!tpu.dma_semaphore, #tpu.memory_space<semaphore_mem>>
        %dma_start3A = tpu.memref_slice %arg3[%add3A_38] : memref<3244032xi32, #tpu.memory_space<hbm>> -> memref<1536xi32, #tpu.memory_space<hbm>>
        %dma_start3A_40 = tpu.memref_slice %arg3[%add3A_38] : memref<3244032xi32, #tpu.memory_space<hbm>> -> memref<1536xi32, #tpu.memory_space<hbm>>
        tpu.enqueue_dma source(%dma_start3A_40 : memref<1536xi32, #tpu.memory_space<hbm>>) target(%arg6 : memref<1536xi32, #tpu.memory_space<vmem>>) target_semaphore(%run_scoped3A : memref<!tpu.dma_semaphore, #tpu.memory_space<semaphore_mem>>)
        %dma_wait3A = tpu.memref_slice %arg3[%add3A_38] : memref<3244032xi32, #tpu.memory_space<hbm>> -> memref<1536xi32, #tpu.memory_space<hbm>>
        %dma_wait3A_41 = tpu.memref_slice %arg3[%add3A_38] : memref<3244032xi32, #tpu.memory_space<hbm>> -> memref<1536xi32, #tpu.memory_space<hbm>>
        tpu.wait_dma2 semaphore(%run_scoped3A : memref<!tpu.dma_semaphore, #tpu.memory_space<semaphore_mem>>) src(%dma_wait3A_41 : memref<1536xi32, #tpu.memory_space<hbm>>) dst(%arg6 : memref<1536xi32, #tpu.memory_space<vmem>>)
        tpu.yield
      }) : () -> ()
      "tpu.region"() ({
        %run_scoped3A = tpu.sem_alloc : memref<!tpu.dma_semaphore, #tpu.memory_space<semaphore_mem>>
        %dma_start3A = arith.constant 0 : i32
        %dma_start3A_40 = arith.constant 0 : i32
        %dma_start3A_41 = tpu.memref_slice %arg2[%dma_start3A, %dma_start3A_40] : memref<100352x16xf32, #tpu.memory_space<hbm>> -> memref<100352x16xf32, #tpu.memory_space<hbm>>
        tpu.enqueue_indirect_dma source(%dma_start3A_41 : memref<100352x16xf32, #tpu.memory_space<hbm>>) target(%arg7 : memref<1536x16xf32, #tpu.memory_space<vmem>>) offsets(%arg5 : memref<1536xi32, #tpu.memory_space<vmem>>) semaphore(%run_scoped3A : memref<!tpu.dma_semaphore, #tpu.memory_space<semaphore_mem>>)
        %dma_wait3A = arith.constant 0 : i32
        %dma_wait3A_42 = arith.constant 0 : i32
        %dma_wait3A_43 = tpu.memref_slice %arg2[%dma_wait3A, %dma_wait3A_42] : memref<100352x16xf32, #tpu.memory_space<hbm>> -> memref<100352x16xf32, #tpu.memory_space<hbm>>
        tpu.wait_indirect_dma semaphore(%run_scoped3A : memref<!tpu.dma_semaphore, #tpu.memory_space<semaphore_mem>>) src(%dma_wait3A_43 : memref<100352x16xf32, #tpu.memory_space<hbm>>) dst(%arg7 : memref<1536x16xf32, #tpu.memory_space<vmem>>)
        tpu.yield
      }) : () -> ()
      "tpu.region"() ({
        %run_scoped3A = tpu.sem_alloc : memref<!tpu.dma_semaphore, #tpu.memory_space<semaphore_mem>>
        %dma_start3A = arith.constant 0 : i32
        %dma_start3A_40 = arith.constant 0 : i32
        %dma_start3A_41 = tpu.memref_slice %arg8[%dma_start3A, %dma_start3A_40] : memref<100352x16xf32, #tpu.memory_space<vmem_shared>> -> memref<100352x16xf32, #tpu.memory_space<vmem_shared>>
        tpu.enqueue_indirect_dma source(%arg7 : memref<1536x16xf32, #tpu.memory_space<vmem>>) target(%dma_start3A_41 : memref<100352x16xf32, #tpu.memory_space<vmem_shared>>) offsets(%arg6 : memref<1536xi32, #tpu.memory_space<vmem>>) semaphore(%run_scoped3A : memref<!tpu.dma_semaphore, #tpu.memory_space<semaphore_mem>>) {add = true}
        %dma_wait3A = arith.constant 0 : i32
        %dma_wait3A_42 = arith.constant 0 : i32
        %dma_wait3A_43 = tpu.memref_slice %arg8[%dma_wait3A, %dma_wait3A_42] : memref<100352x16xf32, #tpu.memory_space<vmem_shared>> -> memref<100352x16xf32, #tpu.memory_space<vmem_shared>>
        tpu.wait_indirect_dma semaphore(%run_scoped3A : memref<!tpu.dma_semaphore, #tpu.memory_space<semaphore_mem>>) src(%arg7 : memref<1536x16xf32, #tpu.memory_space<vmem>>) dst(%dma_wait3A_43 : memref<100352x16xf32, #tpu.memory_space<vmem_shared>>)
        tpu.yield
      }) : () -> ()
      %scan3A_39 = arith.constant 0 : i32
      scf.yield %scan3A_39 : i32
    }
    %scan3A_29 = arith.constant 33 : i32
    %barrier3A_30 = arith.constant 0 : index
    tpu.barrier barrier_id(%barrier3A_30)
    "tpu.region"() ({
      %run_scoped3A = tpu.sem_alloc : memref<!tpu.dma_semaphore, #tpu.memory_space<semaphore_mem>>
      %dma_start3A = arith.constant 0 : i32
      %dma_start3A_31 = tpu.memref_slice %arg4[%arg0, %multiple_of3A, %dma_start3A] : memref<2x100352x16xf32, #tpu.memory_space<hbm>> -> memref<1x6272x16xf32, #tpu.memory_space<hbm>>
      %dma_start3A_32 = tpu.memref_squeeze %dma_start3A_31 : memref<1x6272x16xf32, #tpu.memory_space<hbm>> -> memref<6272x16xf32, #tpu.memory_space<hbm>>
      %dma_start3A_33 = arith.constant 0 : i32
      %dma_start3A_34 = tpu.memref_slice %arg8[%multiple_of3A, %dma_start3A_33] : memref<100352x16xf32, #tpu.memory_space<vmem_shared>> -> memref<6272x16xf32, #tpu.memory_space<vmem_shared>>
      tpu.enqueue_dma source(%dma_start3A_34 : memref<6272x16xf32, #tpu.memory_space<vmem_shared>>) target(%dma_start3A_32 : memref<6272x16xf32, #tpu.memory_space<hbm>>) target_semaphore(%run_scoped3A : memref<!tpu.dma_semaphore, #tpu.memory_space<semaphore_mem>>)
      %dma_wait3A = arith.constant 0 : i32
      %dma_wait3A_35 = tpu.memref_slice %arg4[%arg0, %multiple_of3A, %dma_wait3A] : memref<2x100352x16xf32, #tpu.memory_space<hbm>> -> memref<1x6272x16xf32, #tpu.memory_space<hbm>>
      %dma_wait3A_36 = tpu.memref_squeeze %dma_wait3A_35 : memref<1x6272x16xf32, #tpu.memory_space<hbm>> -> memref<6272x16xf32, #tpu.memory_space<hbm>>
      %dma_wait3A_37 = arith.constant 0 : i32
      %dma_wait3A_38 = tpu.memref_slice %arg8[%multiple_of3A, %dma_wait3A_37] : memref<100352x16xf32, #tpu.memory_space<vmem_shared>> -> memref<6272x16xf32, #tpu.memory_space<vmem_shared>>
      tpu.wait_dma2 semaphore(%run_scoped3A : memref<!tpu.dma_semaphore, #tpu.memory_space<semaphore_mem>>) src(%dma_wait3A_38 : memref<6272x16xf32, #tpu.memory_space<vmem_shared>>) dst(%dma_wait3A_36 : memref<6272x16xf32, #tpu.memory_space<hbm>>)
      tpu.yield
    }) : () -> ()
    return
  }
}

#map = affine_map<(d0, d1) -> (0, 0)>
#map1 = affine_map<(d0, d1) -> (0)>
module attributes {stable_mosaic.version = 14 : i64} {
  func.func @k(%arg0: i32, %arg1: i32, %arg2: memref<401408x32xbf16, #tpu.memory_space<hbm>>, %arg3: memref<6488064xi32, #tpu.memory_space<hbm>>, %arg4: memref<3244032xi32, #tpu.memory_space<hbm>>, %arg5: memref<100352x32xbf16, #tpu.memory_space<hbm>>, %arg6: memref<100352x128xbf16, #tpu.memory_space<hbm>>, %arg7: memref<1536xi32, #tpu.memory_space<vmem>>, %arg8: memref<1536xi32, #tpu.memory_space<vmem>>, %arg9: memref<1536x32xbf16, #tpu.memory_space<vmem>>, %arg10: memref<100352x32xbf16, #tpu.memory_space<vmem_shared>>) attributes {dimension_semantics = [#tpu.dimension_semantics<core_parallel>, #tpu.dimension_semantics<subcore_parallel>], iteration_bounds = array<i64: 2, 16>, scalar_prefetch = 0 : i64, scratch_operands = 4 : i64, tpu.core_type = #tpu.core_type<sc_vector_subcore>, window_params = [{transform_indices = #map}, {transform_indices = #map1}, {transform_indices = #map1}, {transform_indices = #map}, {transform_indices = #map}]} {
    %mul3A = arith.constant 6272 : i32
    %mul3A_0 = arith.muli %arg1, %mul3A : i32
    %multiple_of3A = tpu.assume_multiple %mul3A_0, 8 : i32
    %mul3A_1 = arith.constant 101376 : i32
    %mul3A_2 = arith.muli %arg1, %mul3A_1 : i32
    %multiple_of3A_3 = tpu.assume_multiple %mul3A_2, 128 : i32
    %mul3A_4 = arith.constant 2 : i32
    %mul3A_5 = arith.muli %arg0, %mul3A_4 : i32
    %add3A = arith.constant 0 : i32
    %add3A_6 = arith.addi %mul3A_5, %add3A : i32
    %mul3A_7 = arith.constant 32 : i32
    %mul3A_8 = arith.muli %add3A_6, %mul3A_7 : i32
    %multiple_of3A_9 = tpu.assume_multiple %mul3A_8, 32 : i32
    "tpu.region"() ({
      %run_scoped3A = tpu.sem_alloc : memref<!tpu.dma_semaphore, #tpu.memory_space<semaphore_mem>>
      %dma_start3A = arith.constant 0 : i32
      %dma_start3A_33 = tpu.memref_slice %arg10[%multiple_of3A, %dma_start3A] : memref<100352x32xbf16, #tpu.memory_space<vmem_shared>> -> memref<6272x32xbf16, #tpu.memory_space<vmem_shared>>
      %dma_start3A_34 = arith.constant 0 : i32
      %dma_start3A_35 = tpu.memref_slice %arg5[%multiple_of3A, %dma_start3A_34] : memref<100352x32xbf16, #tpu.memory_space<hbm>> -> memref<6272x32xbf16, #tpu.memory_space<hbm>>
      tpu.enqueue_dma source(%dma_start3A_35 : memref<6272x32xbf16, #tpu.memory_space<hbm>>) target(%dma_start3A_33 : memref<6272x32xbf16, #tpu.memory_space<vmem_shared>>) target_semaphore(%run_scoped3A : memref<!tpu.dma_semaphore, #tpu.memory_space<semaphore_mem>>)
      %dma_wait3A = arith.constant 0 : i32
      %dma_wait3A_36 = tpu.memref_slice %arg10[%multiple_of3A, %dma_wait3A] : memref<100352x32xbf16, #tpu.memory_space<vmem_shared>> -> memref<6272x32xbf16, #tpu.memory_space<vmem_shared>>
      %dma_wait3A_37 = arith.constant 0 : i32
      %dma_wait3A_38 = tpu.memref_slice %arg5[%multiple_of3A, %dma_wait3A_37] : memref<100352x32xbf16, #tpu.memory_space<hbm>> -> memref<6272x32xbf16, #tpu.memory_space<hbm>>
      tpu.wait_dma2 semaphore(%run_scoped3A : memref<!tpu.dma_semaphore, #tpu.memory_space<semaphore_mem>>) src(%dma_wait3A_38 : memref<6272x32xbf16, #tpu.memory_space<hbm>>) dst(%dma_wait3A_36 : memref<6272x32xbf16, #tpu.memory_space<vmem_shared>>)
      tpu.yield
    }) : () -> ()
    %barrier3A = arith.constant 0 : index
    tpu.barrier barrier_id(%barrier3A)
    %scan3A = arith.constant 0 : i32
    %scan3A_10 = arith.constant 0 : i32
    %scan3A_11 = arith.constant 66 : i32
    %scan3A_12 = arith.addi %scan3A_10, %scan3A_11 : i32
    %scan3A_13 = arith.constant 1 : i32
    %scan3A_14 = scf.for %scan3A_33 = %scan3A_10 to %scan3A_12 step %scan3A_13 iter_args(%scan3A_34 = %scan3A) -> (i32)  : i32 {
      %mul3A_35 = arith.constant 1536 : i32
      %mul3A_36 = arith.muli %scan3A_33, %mul3A_35 : i32
      %add3A_37 = arith.addi %multiple_of3A_3, %mul3A_36 : i32
      %multiple_of3A_38 = tpu.assume_multiple %add3A_37, 128 : i32
      %mul3A_39 = arith.constant 1622016 : i32
      %mul3A_40 = arith.muli %add3A_6, %mul3A_39 : i32
      %add3A_41 = arith.addi %mul3A_40, %multiple_of3A_38 : i32
      "tpu.region"() ({
        %run_scoped3A = tpu.sem_alloc : memref<!tpu.dma_semaphore, #tpu.memory_space<semaphore_mem>>
        %dma_start3A = tpu.memref_slice %arg3[%add3A_41] : memref<6488064xi32, #tpu.memory_space<hbm>> -> memref<1536xi32, #tpu.memory_space<hbm>>
        %dma_start3A_45 = tpu.memref_slice %arg3[%add3A_41] : memref<6488064xi32, #tpu.memory_space<hbm>> -> memref<1536xi32, #tpu.memory_space<hbm>>
        tpu.enqueue_dma source(%dma_start3A_45 : memref<1536xi32, #tpu.memory_space<hbm>>) target(%arg7 : memref<1536xi32, #tpu.memory_space<vmem>>) target_semaphore(%run_scoped3A : memref<!tpu.dma_semaphore, #tpu.memory_space<semaphore_mem>>)
        %dma_wait3A = tpu.memref_slice %arg3[%add3A_41] : memref<6488064xi32, #tpu.memory_space<hbm>> -> memref<1536xi32, #tpu.memory_space<hbm>>
        %dma_wait3A_46 = tpu.memref_slice %arg3[%add3A_41] : memref<6488064xi32, #tpu.memory_space<hbm>> -> memref<1536xi32, #tpu.memory_space<hbm>>
        tpu.wait_dma2 semaphore(%run_scoped3A : memref<!tpu.dma_semaphore, #tpu.memory_space<semaphore_mem>>) src(%dma_wait3A_46 : memref<1536xi32, #tpu.memory_space<hbm>>) dst(%arg7 : memref<1536xi32, #tpu.memory_space<vmem>>)
        tpu.yield
      }) : () -> ()
      %add3A_42 = arith.constant 1622016 : i32
      %add3A_43 = arith.addi %add3A_42, %multiple_of3A_38 : i32
      "tpu.region"() ({
        %run_scoped3A = tpu.sem_alloc : memref<!tpu.dma_semaphore, #tpu.memory_space<semaphore_mem>>
        %dma_start3A = tpu.memref_slice %arg4[%add3A_43] : memref<3244032xi32, #tpu.memory_space<hbm>> -> memref<1536xi32, #tpu.memory_space<hbm>>
        %dma_start3A_45 = tpu.memref_slice %arg4[%add3A_43] : memref<3244032xi32, #tpu.memory_space<hbm>> -> memref<1536xi32, #tpu.memory_space<hbm>>
        tpu.enqueue_dma source(%dma_start3A_45 : memref<1536xi32, #tpu.memory_space<hbm>>) target(%arg8 : memref<1536xi32, #tpu.memory_space<vmem>>) target_semaphore(%run_scoped3A : memref<!tpu.dma_semaphore, #tpu.memory_space<semaphore_mem>>)
        %dma_wait3A = tpu.memref_slice %arg4[%add3A_43] : memref<3244032xi32, #tpu.memory_space<hbm>> -> memref<1536xi32, #tpu.memory_space<hbm>>
        %dma_wait3A_46 = tpu.memref_slice %arg4[%add3A_43] : memref<3244032xi32, #tpu.memory_space<hbm>> -> memref<1536xi32, #tpu.memory_space<hbm>>
        tpu.wait_dma2 semaphore(%run_scoped3A : memref<!tpu.dma_semaphore, #tpu.memory_space<semaphore_mem>>) src(%dma_wait3A_46 : memref<1536xi32, #tpu.memory_space<hbm>>) dst(%arg8 : memref<1536xi32, #tpu.memory_space<vmem>>)
        tpu.yield
      }) : () -> ()
      "tpu.region"() ({
        %run_scoped3A = tpu.sem_alloc : memref<!tpu.dma_semaphore, #tpu.memory_space<semaphore_mem>>
        %dma_start3A = arith.constant 0 : i32
        %dma_start3A_45 = arith.constant 0 : i32
        %dma_start3A_46 = tpu.memref_slice %arg2[%dma_start3A, %dma_start3A_45] : memref<401408x32xbf16, #tpu.memory_space<hbm>> -> memref<401408x32xbf16, #tpu.memory_space<hbm>>
        tpu.enqueue_indirect_dma source(%dma_start3A_46 : memref<401408x32xbf16, #tpu.memory_space<hbm>>) target(%arg9 : memref<1536x32xbf16, #tpu.memory_space<vmem>>) offsets(%arg7 : memref<1536xi32, #tpu.memory_space<vmem>>) semaphore(%run_scoped3A : memref<!tpu.dma_semaphore, #tpu.memory_space<semaphore_mem>>)
        %dma_wait3A = arith.constant 0 : i32
        %dma_wait3A_47 = arith.constant 0 : i32
        %dma_wait3A_48 = tpu.memref_slice %arg2[%dma_wait3A, %dma_wait3A_47] : memref<401408x32xbf16, #tpu.memory_space<hbm>> -> memref<401408x32xbf16, #tpu.memory_space<hbm>>
        tpu.wait_indirect_dma semaphore(%run_scoped3A : memref<!tpu.dma_semaphore, #tpu.memory_space<semaphore_mem>>) src(%dma_wait3A_48 : memref<401408x32xbf16, #tpu.memory_space<hbm>>) dst(%arg9 : memref<1536x32xbf16, #tpu.memory_space<vmem>>)
        tpu.yield
      }) : () -> ()
      "tpu.region"() ({
        %run_scoped3A = tpu.sem_alloc : memref<!tpu.dma_semaphore, #tpu.memory_space<semaphore_mem>>
        %dma_start3A = arith.constant 0 : i32
        %dma_start3A_45 = arith.constant 0 : i32
        %dma_start3A_46 = tpu.memref_slice %arg10[%dma_start3A, %dma_start3A_45] : memref<100352x32xbf16, #tpu.memory_space<vmem_shared>> -> memref<100352x32xbf16, #tpu.memory_space<vmem_shared>>
        tpu.enqueue_indirect_dma source(%arg9 : memref<1536x32xbf16, #tpu.memory_space<vmem>>) target(%dma_start3A_46 : memref<100352x32xbf16, #tpu.memory_space<vmem_shared>>) offsets(%arg8 : memref<1536xi32, #tpu.memory_space<vmem>>) semaphore(%run_scoped3A : memref<!tpu.dma_semaphore, #tpu.memory_space<semaphore_mem>>) {add = true}
        %dma_wait3A = arith.constant 0 : i32
        %dma_wait3A_47 = arith.constant 0 : i32
        %dma_wait3A_48 = tpu.memref_slice %arg10[%dma_wait3A, %dma_wait3A_47] : memref<100352x32xbf16, #tpu.memory_space<vmem_shared>> -> memref<100352x32xbf16, #tpu.memory_space<vmem_shared>>
        tpu.wait_indirect_dma semaphore(%run_scoped3A : memref<!tpu.dma_semaphore, #tpu.memory_space<semaphore_mem>>) src(%arg9 : memref<1536x32xbf16, #tpu.memory_space<vmem>>) dst(%dma_wait3A_48 : memref<100352x32xbf16, #tpu.memory_space<vmem_shared>>)
        tpu.yield
      }) : () -> ()
      %scan3A_44 = arith.constant 0 : i32
      scf.yield %scan3A_44 : i32
    }
    %scan3A_15 = arith.constant 66 : i32
    %barrier3A_16 = arith.constant 0 : index
    tpu.barrier barrier_id(%barrier3A_16)
    "tpu.region"() ({
      %run_scoped3A = tpu.sem_alloc : memref<!tpu.dma_semaphore, #tpu.memory_space<semaphore_mem>>
      %dma_start3A = tpu.memref_slice %arg6[%multiple_of3A, %multiple_of3A_9] : memref<100352x128xbf16, #tpu.memory_space<hbm>> -> memref<6272x32xbf16, #tpu.memory_space<hbm>>
      %dma_start3A_33 = arith.constant 0 : i32
      %dma_start3A_34 = tpu.memref_slice %arg10[%multiple_of3A, %dma_start3A_33] : memref<100352x32xbf16, #tpu.memory_space<vmem_shared>> -> memref<6272x32xbf16, #tpu.memory_space<vmem_shared>>
      tpu.enqueue_dma source(%dma_start3A_34 : memref<6272x32xbf16, #tpu.memory_space<vmem_shared>>) target(%dma_start3A : memref<6272x32xbf16, #tpu.memory_space<hbm>>) target_semaphore(%run_scoped3A : memref<!tpu.dma_semaphore, #tpu.memory_space<semaphore_mem>>)
      %dma_wait3A = tpu.memref_slice %arg6[%multiple_of3A, %multiple_of3A_9] : memref<100352x128xbf16, #tpu.memory_space<hbm>> -> memref<6272x32xbf16, #tpu.memory_space<hbm>>
      %dma_wait3A_35 = arith.constant 0 : i32
      %dma_wait3A_36 = tpu.memref_slice %arg10[%multiple_of3A, %dma_wait3A_35] : memref<100352x32xbf16, #tpu.memory_space<vmem_shared>> -> memref<6272x32xbf16, #tpu.memory_space<vmem_shared>>
      tpu.wait_dma2 semaphore(%run_scoped3A : memref<!tpu.dma_semaphore, #tpu.memory_space<semaphore_mem>>) src(%dma_wait3A_36 : memref<6272x32xbf16, #tpu.memory_space<vmem_shared>>) dst(%dma_wait3A : memref<6272x32xbf16, #tpu.memory_space<hbm>>)
      tpu.yield
    }) : () -> ()
    %mul3A_17 = arith.constant 2 : i32
    %mul3A_18 = arith.muli %arg0, %mul3A_17 : i32
    %add3A_19 = arith.constant 1 : i32
    %add3A_20 = arith.addi %mul3A_18, %add3A_19 : i32
    %mul3A_21 = arith.constant 32 : i32
    %mul3A_22 = arith.muli %add3A_20, %mul3A_21 : i32
    %multiple_of3A_23 = tpu.assume_multiple %mul3A_22, 32 : i32
    "tpu.region"() ({
      %run_scoped3A = tpu.sem_alloc : memref<!tpu.dma_semaphore, #tpu.memory_space<semaphore_mem>>
      %dma_start3A = arith.constant 0 : i32
      %dma_start3A_33 = tpu.memref_slice %arg10[%multiple_of3A, %dma_start3A] : memref<100352x32xbf16, #tpu.memory_space<vmem_shared>> -> memref<6272x32xbf16, #tpu.memory_space<vmem_shared>>
      %dma_start3A_34 = arith.constant 0 : i32
      %dma_start3A_35 = tpu.memref_slice %arg5[%multiple_of3A, %dma_start3A_34] : memref<100352x32xbf16, #tpu.memory_space<hbm>> -> memref<6272x32xbf16, #tpu.memory_space<hbm>>
      tpu.enqueue_dma source(%dma_start3A_35 : memref<6272x32xbf16, #tpu.memory_space<hbm>>) target(%dma_start3A_33 : memref<6272x32xbf16, #tpu.memory_space<vmem_shared>>) target_semaphore(%run_scoped3A : memref<!tpu.dma_semaphore, #tpu.memory_space<semaphore_mem>>)
      %dma_wait3A = arith.constant 0 : i32
      %dma_wait3A_36 = tpu.memref_slice %arg10[%multiple_of3A, %dma_wait3A] : memref<100352x32xbf16, #tpu.memory_space<vmem_shared>> -> memref<6272x32xbf16, #tpu.memory_space<vmem_shared>>
      %dma_wait3A_37 = arith.constant 0 : i32
      %dma_wait3A_38 = tpu.memref_slice %arg5[%multiple_of3A, %dma_wait3A_37] : memref<100352x32xbf16, #tpu.memory_space<hbm>> -> memref<6272x32xbf16, #tpu.memory_space<hbm>>
      tpu.wait_dma2 semaphore(%run_scoped3A : memref<!tpu.dma_semaphore, #tpu.memory_space<semaphore_mem>>) src(%dma_wait3A_38 : memref<6272x32xbf16, #tpu.memory_space<hbm>>) dst(%dma_wait3A_36 : memref<6272x32xbf16, #tpu.memory_space<vmem_shared>>)
      tpu.yield
    }) : () -> ()
    %barrier3A_24 = arith.constant 0 : index
    tpu.barrier barrier_id(%barrier3A_24)
    %scan3A_25 = arith.constant 0 : i32
    %scan3A_26 = arith.constant 0 : i32
    %scan3A_27 = arith.constant 66 : i32
    %scan3A_28 = arith.addi %scan3A_26, %scan3A_27 : i32
    %scan3A_29 = arith.constant 1 : i32
    %scan3A_30 = scf.for %scan3A_33 = %scan3A_26 to %scan3A_28 step %scan3A_29 iter_args(%scan3A_34 = %scan3A_25) -> (i32)  : i32 {
      %mul3A_35 = arith.constant 1536 : i32
      %mul3A_36 = arith.muli %scan3A_33, %mul3A_35 : i32
      %add3A_37 = arith.addi %multiple_of3A_3, %mul3A_36 : i32
      %multiple_of3A_38 = tpu.assume_multiple %add3A_37, 128 : i32
      %mul3A_39 = arith.constant 1622016 : i32
      %mul3A_40 = arith.muli %add3A_20, %mul3A_39 : i32
      %add3A_41 = arith.addi %mul3A_40, %multiple_of3A_38 : i32
      "tpu.region"() ({
        %run_scoped3A = tpu.sem_alloc : memref<!tpu.dma_semaphore, #tpu.memory_space<semaphore_mem>>
        %dma_start3A = tpu.memref_slice %arg3[%add3A_41] : memref<6488064xi32, #tpu.memory_space<hbm>> -> memref<1536xi32, #tpu.memory_space<hbm>>
        %dma_start3A_45 = tpu.memref_slice %arg3[%add3A_41] : memref<6488064xi32, #tpu.memory_space<hbm>> -> memref<1536xi32, #tpu.memory_space<hbm>>
        tpu.enqueue_dma source(%dma_start3A_45 : memref<1536xi32, #tpu.memory_space<hbm>>) target(%arg7 : memref<1536xi32, #tpu.memory_space<vmem>>) target_semaphore(%run_scoped3A : memref<!tpu.dma_semaphore, #tpu.memory_space<semaphore_mem>>)
        %dma_wait3A = tpu.memref_slice %arg3[%add3A_41] : memref<6488064xi32, #tpu.memory_space<hbm>> -> memref<1536xi32, #tpu.memory_space<hbm>>
        %dma_wait3A_46 = tpu.memref_slice %arg3[%add3A_41] : memref<6488064xi32, #tpu.memory_space<hbm>> -> memref<1536xi32, #tpu.memory_space<hbm>>
        tpu.wait_dma2 semaphore(%run_scoped3A : memref<!tpu.dma_semaphore, #tpu.memory_space<semaphore_mem>>) src(%dma_wait3A_46 : memref<1536xi32, #tpu.memory_space<hbm>>) dst(%arg7 : memref<1536xi32, #tpu.memory_space<vmem>>)
        tpu.yield
      }) : () -> ()
      %add3A_42 = arith.constant 1622016 : i32
      %add3A_43 = arith.addi %add3A_42, %multiple_of3A_38 : i32
      "tpu.region"() ({
        %run_scoped3A = tpu.sem_alloc : memref<!tpu.dma_semaphore, #tpu.memory_space<semaphore_mem>>
        %dma_start3A = tpu.memref_slice %arg4[%add3A_43] : memref<3244032xi32, #tpu.memory_space<hbm>> -> memref<1536xi32, #tpu.memory_space<hbm>>
        %dma_start3A_45 = tpu.memref_slice %arg4[%add3A_43] : memref<3244032xi32, #tpu.memory_space<hbm>> -> memref<1536xi32, #tpu.memory_space<hbm>>
        tpu.enqueue_dma source(%dma_start3A_45 : memref<1536xi32, #tpu.memory_space<hbm>>) target(%arg8 : memref<1536xi32, #tpu.memory_space<vmem>>) target_semaphore(%run_scoped3A : memref<!tpu.dma_semaphore, #tpu.memory_space<semaphore_mem>>)
        %dma_wait3A = tpu.memref_slice %arg4[%add3A_43] : memref<3244032xi32, #tpu.memory_space<hbm>> -> memref<1536xi32, #tpu.memory_space<hbm>>
        %dma_wait3A_46 = tpu.memref_slice %arg4[%add3A_43] : memref<3244032xi32, #tpu.memory_space<hbm>> -> memref<1536xi32, #tpu.memory_space<hbm>>
        tpu.wait_dma2 semaphore(%run_scoped3A : memref<!tpu.dma_semaphore, #tpu.memory_space<semaphore_mem>>) src(%dma_wait3A_46 : memref<1536xi32, #tpu.memory_space<hbm>>) dst(%arg8 : memref<1536xi32, #tpu.memory_space<vmem>>)
        tpu.yield
      }) : () -> ()
      "tpu.region"() ({
        %run_scoped3A = tpu.sem_alloc : memref<!tpu.dma_semaphore, #tpu.memory_space<semaphore_mem>>
        %dma_start3A = arith.constant 0 : i32
        %dma_start3A_45 = arith.constant 0 : i32
        %dma_start3A_46 = tpu.memref_slice %arg2[%dma_start3A, %dma_start3A_45] : memref<401408x32xbf16, #tpu.memory_space<hbm>> -> memref<401408x32xbf16, #tpu.memory_space<hbm>>
        tpu.enqueue_indirect_dma source(%dma_start3A_46 : memref<401408x32xbf16, #tpu.memory_space<hbm>>) target(%arg9 : memref<1536x32xbf16, #tpu.memory_space<vmem>>) offsets(%arg7 : memref<1536xi32, #tpu.memory_space<vmem>>) semaphore(%run_scoped3A : memref<!tpu.dma_semaphore, #tpu.memory_space<semaphore_mem>>)
        %dma_wait3A = arith.constant 0 : i32
        %dma_wait3A_47 = arith.constant 0 : i32
        %dma_wait3A_48 = tpu.memref_slice %arg2[%dma_wait3A, %dma_wait3A_47] : memref<401408x32xbf16, #tpu.memory_space<hbm>> -> memref<401408x32xbf16, #tpu.memory_space<hbm>>
        tpu.wait_indirect_dma semaphore(%run_scoped3A : memref<!tpu.dma_semaphore, #tpu.memory_space<semaphore_mem>>) src(%dma_wait3A_48 : memref<401408x32xbf16, #tpu.memory_space<hbm>>) dst(%arg9 : memref<1536x32xbf16, #tpu.memory_space<vmem>>)
        tpu.yield
      }) : () -> ()
      "tpu.region"() ({
        %run_scoped3A = tpu.sem_alloc : memref<!tpu.dma_semaphore, #tpu.memory_space<semaphore_mem>>
        %dma_start3A = arith.constant 0 : i32
        %dma_start3A_45 = arith.constant 0 : i32
        %dma_start3A_46 = tpu.memref_slice %arg10[%dma_start3A, %dma_start3A_45] : memref<100352x32xbf16, #tpu.memory_space<vmem_shared>> -> memref<100352x32xbf16, #tpu.memory_space<vmem_shared>>
        tpu.enqueue_indirect_dma source(%arg9 : memref<1536x32xbf16, #tpu.memory_space<vmem>>) target(%dma_start3A_46 : memref<100352x32xbf16, #tpu.memory_space<vmem_shared>>) offsets(%arg8 : memref<1536xi32, #tpu.memory_space<vmem>>) semaphore(%run_scoped3A : memref<!tpu.dma_semaphore, #tpu.memory_space<semaphore_mem>>) {add = true}
        %dma_wait3A = arith.constant 0 : i32
        %dma_wait3A_47 = arith.constant 0 : i32
        %dma_wait3A_48 = tpu.memref_slice %arg10[%dma_wait3A, %dma_wait3A_47] : memref<100352x32xbf16, #tpu.memory_space<vmem_shared>> -> memref<100352x32xbf16, #tpu.memory_space<vmem_shared>>
        tpu.wait_indirect_dma semaphore(%run_scoped3A : memref<!tpu.dma_semaphore, #tpu.memory_space<semaphore_mem>>) src(%arg9 : memref<1536x32xbf16, #tpu.memory_space<vmem>>) dst(%dma_wait3A_48 : memref<100352x32xbf16, #tpu.memory_space<vmem_shared>>)
        tpu.yield
      }) : () -> ()
      %scan3A_44 = arith.constant 0 : i32
      scf.yield %scan3A_44 : i32
    }
    %scan3A_31 = arith.constant 66 : i32
    %barrier3A_32 = arith.constant 0 : index
    tpu.barrier barrier_id(%barrier3A_32)
    "tpu.region"() ({
      %run_scoped3A = tpu.sem_alloc : memref<!tpu.dma_semaphore, #tpu.memory_space<semaphore_mem>>
      %dma_start3A = tpu.memref_slice %arg6[%multiple_of3A, %multiple_of3A_23] : memref<100352x128xbf16, #tpu.memory_space<hbm>> -> memref<6272x32xbf16, #tpu.memory_space<hbm>>
      %dma_start3A_33 = arith.constant 0 : i32
      %dma_start3A_34 = tpu.memref_slice %arg10[%multiple_of3A, %dma_start3A_33] : memref<100352x32xbf16, #tpu.memory_space<vmem_shared>> -> memref<6272x32xbf16, #tpu.memory_space<vmem_shared>>
      tpu.enqueue_dma source(%dma_start3A_34 : memref<6272x32xbf16, #tpu.memory_space<vmem_shared>>) target(%dma_start3A : memref<6272x32xbf16, #tpu.memory_space<hbm>>) target_semaphore(%run_scoped3A : memref<!tpu.dma_semaphore, #tpu.memory_space<semaphore_mem>>)
      %dma_wait3A = tpu.memref_slice %arg6[%multiple_of3A, %multiple_of3A_23] : memref<100352x128xbf16, #tpu.memory_space<hbm>> -> memref<6272x32xbf16, #tpu.memory_space<hbm>>
      %dma_wait3A_35 = arith.constant 0 : i32
      %dma_wait3A_36 = tpu.memref_slice %arg10[%multiple_of3A, %dma_wait3A_35] : memref<100352x32xbf16, #tpu.memory_space<vmem_shared>> -> memref<6272x32xbf16, #tpu.memory_space<vmem_shared>>
      tpu.wait_dma2 semaphore(%run_scoped3A : memref<!tpu.dma_semaphore, #tpu.memory_space<semaphore_mem>>) src(%dma_wait3A_36 : memref<6272x32xbf16, #tpu.memory_space<vmem_shared>>) dst(%dma_wait3A : memref<6272x32xbf16, #tpu.memory_space<hbm>>)
      tpu.yield
    }) : () -> ()
    return
  }
}

#map = affine_map<(d0, d1) -> (0)>
module attributes {stable_mosaic.version = 14 : i64} {
  func.func @k(%arg0: i32, %arg1: i32, %arg2: memref<3244032xi32, #tpu.memory_space<hbm>>, %arg3: memref<200704xf32, #tpu.memory_space<hbm>>, %arg4: memref<1536xi32, #tpu.memory_space<vmem>>, %arg5: memref<1536xf32, #tpu.memory_space<vmem>>, %arg6: memref<6272xf32, #tpu.memory_space<vmem>>, %arg7: memref<100352xf32, #tpu.memory_space<vmem_shared>>) attributes {dimension_semantics = [#tpu.dimension_semantics<core_parallel>, #tpu.dimension_semantics<subcore_parallel>], iteration_bounds = array<i64: 2, 16>, scalar_prefetch = 0 : i64, scratch_operands = 4 : i64, tpu.core_type = #tpu.core_type<sc_vector_subcore>, window_params = [{transform_indices = #map}, {transform_indices = #map}]} {
    %broadcast_in_dim3A = arith.constant 1.000000e+00 : f32
    %broadcast_in_dim3A_0 = vector.broadcast %broadcast_in_dim3A : f32 to vector<16xf32>
    %scan3A = arith.constant 0 : i32
    %scan3A_1 = arith.constant 0 : i32
    %scan3A_2 = arith.constant 96 : i32
    %scan3A_3 = arith.addi %scan3A_1, %scan3A_2 : i32
    %scan3A_4 = arith.constant 1 : i32
    %scan3A_5 = scf.for %scan3A_28 = %scan3A_1 to %scan3A_3 step %scan3A_4 iter_args(%scan3A_29 = %scan3A) -> (i32)  : i32 {
      %mul3A_30 = arith.constant 16 : i32
      %mul3A_31 = arith.muli %scan3A_28, %mul3A_30 : i32
      %multiple_of3A_32 = tpu.assume_multiple %mul3A_31, 16 : i32
      %swap3A = arith.index_cast %multiple_of3A_32 : i32 to index
      %swap3A_33 = tpu.vector_load %arg5[%swap3A] {strides = array<i32>} : memref<1536xf32, #tpu.memory_space<vmem>>, vector<16xf32>,
      %swap3A_34 = vector.shape_cast %swap3A_33 : vector<16xf32> to vector<16xf32>
      %swap3A_35 = vector.shape_cast %broadcast_in_dim3A_0 : vector<16xf32> to vector<16xf32>
      tpu.vector_store %arg5[%swap3A], %swap3A_35 {strides = array<i32>} : memref<1536xf32, #tpu.memory_space<vmem>>, vector<16xf32>,
      %scan3A_36 = arith.constant 0 : i32
      scf.yield %scan3A_36 : i32
    }
    %scan3A_6 = arith.constant 96 : i32
    %broadcast_in_dim3A_7 = arith.constant 0.000000e+00 : f32
    %broadcast_in_dim3A_8 = vector.broadcast %broadcast_in_dim3A_7 : f32 to vector<16xf32>
    %scan3A_9 = arith.constant 0 : i32
    %scan3A_10 = arith.constant 0 : i32
    %scan3A_11 = arith.constant 392 : i32
    %scan3A_12 = arith.addi %scan3A_10, %scan3A_11 : i32
    %scan3A_13 = arith.constant 1 : i32
    %scan3A_14 = scf.for %scan3A_28 = %scan3A_10 to %scan3A_12 step %scan3A_13 iter_args(%scan3A_29 = %scan3A_9) -> (i32)  : i32 {
      %mul3A_30 = arith.constant 16 : i32
      %mul3A_31 = arith.muli %scan3A_28, %mul3A_30 : i32
      %multiple_of3A_32 = tpu.assume_multiple %mul3A_31, 16 : i32
      %swap3A = arith.index_cast %multiple_of3A_32 : i32 to index
      %swap3A_33 = tpu.vector_load %arg6[%swap3A] {strides = array<i32>} : memref<6272xf32, #tpu.memory_space<vmem>>, vector<16xf32>,
      %swap3A_34 = vector.shape_cast %swap3A_33 : vector<16xf32> to vector<16xf32>
      %swap3A_35 = vector.shape_cast %broadcast_in_dim3A_8 : vector<16xf32> to vector<16xf32>
      tpu.vector_store %arg6[%swap3A], %swap3A_35 {strides = array<i32>} : memref<6272xf32, #tpu.memory_space<vmem>>, vector<16xf32>,
      %scan3A_36 = arith.constant 0 : i32
      scf.yield %scan3A_36 : i32
    }
    %scan3A_15 = arith.constant 392 : i32
    %mul3A = arith.constant 6272 : i32
    %mul3A_16 = arith.muli %arg1, %mul3A : i32
    %multiple_of3A = tpu.assume_multiple %mul3A_16, 128 : i32
    "tpu.region"() ({
      %run_scoped3A = tpu.sem_alloc : memref<!tpu.dma_semaphore, #tpu.memory_space<semaphore_mem>>
      %dma_start3A = tpu.memref_slice %arg7[%multiple_of3A] : memref<100352xf32, #tpu.memory_space<vmem_shared>> -> memref<6272xf32, #tpu.memory_space<vmem_shared>>
      %dma_start3A_28 = tpu.memref_slice %arg7[%multiple_of3A] : memref<100352xf32, #tpu.memory_space<vmem_shared>> -> memref<6272xf32, #tpu.memory_space<vmem_shared>>
      tpu.enqueue_dma source(%arg6 : memref<6272xf32, #tpu.memory_space<vmem>>) target(%dma_start3A_28 : memref<6272xf32, #tpu.memory_space<vmem_shared>>) target_semaphore(%run_scoped3A : memref<!tpu.dma_semaphore, #tpu.memory_space<semaphore_mem>>)
      %dma_wait3A = tpu.memref_slice %arg7[%multiple_of3A] : memref<100352xf32, #tpu.memory_space<vmem_shared>> -> memref<6272xf32, #tpu.memory_space<vmem_shared>>
      %dma_wait3A_29 = tpu.memref_slice %arg7[%multiple_of3A] : memref<100352xf32, #tpu.memory_space<vmem_shared>> -> memref<6272xf32, #tpu.memory_space<vmem_shared>>
      tpu.wait_dma2 semaphore(%run_scoped3A : memref<!tpu.dma_semaphore, #tpu.memory_space<semaphore_mem>>) src(%arg6 : memref<6272xf32, #tpu.memory_space<vmem>>) dst(%dma_wait3A_29 : memref<6272xf32, #tpu.memory_space<vmem_shared>>)
      tpu.yield
    }) : () -> ()
    %barrier3A = arith.constant 0 : index
    tpu.barrier barrier_id(%barrier3A)
    %scan3A_17 = arith.constant 0 : i32
    %scan3A_18 = arith.constant 0 : i32
    %scan3A_19 = arith.constant 66 : i32
    %scan3A_20 = arith.addi %scan3A_18, %scan3A_19 : i32
    %scan3A_21 = arith.constant 1 : i32
    %scan3A_22 = scf.for %scan3A_28 = %scan3A_18 to %scan3A_20 step %scan3A_21 iter_args(%scan3A_29 = %scan3A_17) -> (i32)  : i32 {
      %mul3A_30 = arith.constant 1622016 : i32
      %mul3A_31 = arith.muli %arg0, %mul3A_30 : i32
      %mul3A_32 = arith.constant 101376 : i32
      %mul3A_33 = arith.muli %arg1, %mul3A_32 : i32
      %add3A_34 = arith.addi %mul3A_31, %mul3A_33 : i32
      %mul3A_35 = arith.constant 1536 : i32
      %mul3A_36 = arith.muli %scan3A_28, %mul3A_35 : i32
      %add3A_37 = arith.addi %add3A_34, %mul3A_36 : i32
      %multiple_of3A_38 = tpu.assume_multiple %add3A_37, 128 : i32
      "tpu.region"() ({
        %run_scoped3A = tpu.sem_alloc : memref<!tpu.dma_semaphore, #tpu.memory_space<semaphore_mem>>
        %dma_start3A = tpu.memref_slice %arg2[%multiple_of3A_38] : memref<3244032xi32, #tpu.memory_space<hbm>> -> memref<1536xi32, #tpu.memory_space<hbm>>
        %dma_start3A_40 = tpu.memref_slice %arg2[%multiple_of3A_38] : memref<3244032xi32, #tpu.memory_space<hbm>> -> memref<1536xi32, #tpu.memory_space<hbm>>
        tpu.enqueue_dma source(%dma_start3A_40 : memref<1536xi32, #tpu.memory_space<hbm>>) target(%arg4 : memref<1536xi32, #tpu.memory_space<vmem>>) target_semaphore(%run_scoped3A : memref<!tpu.dma_semaphore, #tpu.memory_space<semaphore_mem>>)
        %dma_wait3A = tpu.memref_slice %arg2[%multiple_of3A_38] : memref<3244032xi32, #tpu.memory_space<hbm>> -> memref<1536xi32, #tpu.memory_space<hbm>>
        %dma_wait3A_41 = tpu.memref_slice %arg2[%multiple_of3A_38] : memref<3244032xi32, #tpu.memory_space<hbm>> -> memref<1536xi32, #tpu.memory_space<hbm>>
        tpu.wait_dma2 semaphore(%run_scoped3A : memref<!tpu.dma_semaphore, #tpu.memory_space<semaphore_mem>>) src(%dma_wait3A_41 : memref<1536xi32, #tpu.memory_space<hbm>>) dst(%arg4 : memref<1536xi32, #tpu.memory_space<vmem>>)
        tpu.yield
      }) : () -> ()
      "tpu.region"() ({
        %run_scoped3A = tpu.sem_alloc : memref<!tpu.dma_semaphore, #tpu.memory_space<semaphore_mem>>
        %dma_start3A = arith.constant 0 : i32
        %dma_start3A_40 = tpu.memref_slice %arg7[%dma_start3A] : memref<100352xf32, #tpu.memory_space<vmem_shared>> -> memref<100352xf32, #tpu.memory_space<vmem_shared>>
        tpu.enqueue_indirect_dma source(%arg5 : memref<1536xf32, #tpu.memory_space<vmem>>) target(%dma_start3A_40 : memref<100352xf32, #tpu.memory_space<vmem_shared>>) offsets(%arg4 : memref<1536xi32, #tpu.memory_space<vmem>>) semaphore(%run_scoped3A : memref<!tpu.dma_semaphore, #tpu.memory_space<semaphore_mem>>) {add = true}
        %dma_wait3A = arith.constant 0 : i32
        %dma_wait3A_41 = tpu.memref_slice %arg7[%dma_wait3A] : memref<100352xf32, #tpu.memory_space<vmem_shared>> -> memref<100352xf32, #tpu.memory_space<vmem_shared>>
        tpu.wait_indirect_dma semaphore(%run_scoped3A : memref<!tpu.dma_semaphore, #tpu.memory_space<semaphore_mem>>) src(%arg5 : memref<1536xf32, #tpu.memory_space<vmem>>) dst(%dma_wait3A_41 : memref<100352xf32, #tpu.memory_space<vmem_shared>>)
        tpu.yield
      }) : () -> ()
      %scan3A_39 = arith.constant 0 : i32
      scf.yield %scan3A_39 : i32
    }
    %scan3A_23 = arith.constant 66 : i32
    %barrier3A_24 = arith.constant 0 : index
    tpu.barrier barrier_id(%barrier3A_24)
    %mul3A_25 = arith.constant 100352 : i32
    %mul3A_26 = arith.muli %arg0, %mul3A_25 : i32
    %add3A = arith.addi %mul3A_26, %multiple_of3A : i32
    %multiple_of3A_27 = tpu.assume_multiple %add3A, 128 : i32
    "tpu.region"() ({
      %run_scoped3A = tpu.sem_alloc : memref<!tpu.dma_semaphore, #tpu.memory_space<semaphore_mem>>
      %dma_start3A = tpu.memref_slice %arg3[%multiple_of3A_27] : memref<200704xf32, #tpu.memory_space<hbm>> -> memref<6272xf32, #tpu.memory_space<hbm>>
      %dma_start3A_28 = tpu.memref_slice %arg7[%multiple_of3A] : memref<100352xf32, #tpu.memory_space<vmem_shared>> -> memref<6272xf32, #tpu.memory_space<vmem_shared>>
      tpu.enqueue_dma source(%dma_start3A_28 : memref<6272xf32, #tpu.memory_space<vmem_shared>>) target(%dma_start3A : memref<6272xf32, #tpu.memory_space<hbm>>) target_semaphore(%run_scoped3A : memref<!tpu.dma_semaphore, #tpu.memory_space<semaphore_mem>>)
      %dma_wait3A = tpu.memref_slice %arg3[%multiple_of3A_27] : memref<200704xf32, #tpu.memory_space<hbm>> -> memref<6272xf32, #tpu.memory_space<hbm>>
      %dma_wait3A_29 = tpu.memref_slice %arg7[%multiple_of3A] : memref<100352xf32, #tpu.memory_space<vmem_shared>> -> memref<6272xf32, #tpu.memory_space<vmem_shared>>
      tpu.wait_dma2 semaphore(%run_scoped3A : memref<!tpu.dma_semaphore, #tpu.memory_space<semaphore_mem>>) src(%dma_wait3A_29 : memref<6272xf32, #tpu.memory_space<vmem_shared>>) dst(%dma_wait3A : memref<6272xf32, #tpu.memory_space<hbm>>)
      tpu.yield
    }) : () -> ()
    return
  }
}

#map = affine_map<(d0, d1) -> (0, 0)>
#map1 = affine_map<(d0, d1) -> (0)>
module attributes {stable_mosaic.version = 14 : i64} {
  func.func @k(%arg0: i32, %arg1: i32, %arg2: memref<401408x32xbf16, #tpu.memory_space<hbm>>, %arg3: memref<6488064xi32, #tpu.memory_space<hbm>>, %arg4: memref<3244032xi32, #tpu.memory_space<hbm>>, %arg5: memref<100352x32xbf16, #tpu.memory_space<hbm>>, %arg6: memref<100352x128xbf16, #tpu.memory_space<hbm>>, %arg7: memref<1536xi32, #tpu.memory_space<vmem>>, %arg8: memref<1536xi32, #tpu.memory_space<vmem>>, %arg9: memref<1536x32xbf16, #tpu.memory_space<vmem>>, %arg10: memref<100352x32xbf16, #tpu.memory_space<vmem_shared>>) attributes {dimension_semantics = [#tpu.dimension_semantics<core_parallel>, #tpu.dimension_semantics<subcore_parallel>], iteration_bounds = array<i64: 2, 16>, scalar_prefetch = 0 : i64, scratch_operands = 4 : i64, tpu.core_type = #tpu.core_type<sc_vector_subcore>, window_params = [{transform_indices = #map}, {transform_indices = #map1}, {transform_indices = #map1}, {transform_indices = #map}, {transform_indices = #map}]} {
    %mul3A = arith.constant 6272 : i32
    %mul3A_0 = arith.muli %arg1, %mul3A : i32
    %multiple_of3A = tpu.assume_multiple %mul3A_0, 8 : i32
    %mul3A_1 = arith.constant 101376 : i32
    %mul3A_2 = arith.muli %arg1, %mul3A_1 : i32
    %multiple_of3A_3 = tpu.assume_multiple %mul3A_2, 128 : i32
    %mul3A_4 = arith.constant 2 : i32
    %mul3A_5 = arith.muli %arg0, %mul3A_4 : i32
    %add3A = arith.constant 0 : i32
    %add3A_6 = arith.addi %mul3A_5, %add3A : i32
    %mul3A_7 = arith.constant 32 : i32
    %mul3A_8 = arith.muli %add3A_6, %mul3A_7 : i32
    %multiple_of3A_9 = tpu.assume_multiple %mul3A_8, 32 : i32
    "tpu.region"() ({
      %run_scoped3A = tpu.sem_alloc : memref<!tpu.dma_semaphore, #tpu.memory_space<semaphore_mem>>
      %dma_start3A = arith.constant 0 : i32
      %dma_start3A_33 = tpu.memref_slice %arg10[%multiple_of3A, %dma_start3A] : memref<100352x32xbf16, #tpu.memory_space<vmem_shared>> -> memref<6272x32xbf16, #tpu.memory_space<vmem_shared>>
      %dma_start3A_34 = arith.constant 0 : i32
      %dma_start3A_35 = tpu.memref_slice %arg5[%multiple_of3A, %dma_start3A_34] : memref<100352x32xbf16, #tpu.memory_space<hbm>> -> memref<6272x32xbf16, #tpu.memory_space<hbm>>
      tpu.enqueue_dma source(%dma_start3A_35 : memref<6272x32xbf16, #tpu.memory_space<hbm>>) target(%dma_start3A_33 : memref<6272x32xbf16, #tpu.memory_space<vmem_shared>>) target_semaphore(%run_scoped3A : memref<!tpu.dma_semaphore, #tpu.memory_space<semaphore_mem>>)
      %dma_wait3A = arith.constant 0 : i32
      %dma_wait3A_36 = tpu.memref_slice %arg10[%multiple_of3A, %dma_wait3A] : memref<100352x32xbf16, #tpu.memory_space<vmem_shared>> -> memref<6272x32xbf16, #tpu.memory_space<vmem_shared>>
      %dma_wait3A_37 = arith.constant 0 : i32
      %dma_wait3A_38 = tpu.memref_slice %arg5[%multiple_of3A, %dma_wait3A_37] : memref<100352x32xbf16, #tpu.memory_space<hbm>> -> memref<6272x32xbf16, #tpu.memory_space<hbm>>
      tpu.wait_dma2 semaphore(%run_scoped3A : memref<!tpu.dma_semaphore, #tpu.memory_space<semaphore_mem>>) src(%dma_wait3A_38 : memref<6272x32xbf16, #tpu.memory_space<hbm>>) dst(%dma_wait3A_36 : memref<6272x32xbf16, #tpu.memory_space<vmem_shared>>)
      tpu.yield
    }) : () -> ()
    %barrier3A = arith.constant 0 : index
    tpu.barrier barrier_id(%barrier3A)
    %scan3A = arith.constant 0 : i32
    %scan3A_10 = arith.constant 0 : i32
    %scan3A_11 = arith.constant 66 : i32
    %scan3A_12 = arith.addi %scan3A_10, %scan3A_11 : i32
    %scan3A_13 = arith.constant 1 : i32
    %scan3A_14 = scf.for %scan3A_33 = %scan3A_10 to %scan3A_12 step %scan3A_13 iter_args(%scan3A_34 = %scan3A) -> (i32)  : i32 {
      %mul3A_35 = arith.constant 1536 : i32
      %mul3A_36 = arith.muli %scan3A_33, %mul3A_35 : i32
      %add3A_37 = arith.addi %multiple_of3A_3, %mul3A_36 : i32
      %multiple_of3A_38 = tpu.assume_multiple %add3A_37, 128 : i32
      %mul3A_39 = arith.constant 1622016 : i32
      %mul3A_40 = arith.muli %add3A_6, %mul3A_39 : i32
      %add3A_41 = arith.addi %mul3A_40, %multiple_of3A_38 : i32
      "tpu.region"() ({
        %run_scoped3A = tpu.sem_alloc : memref<!tpu.dma_semaphore, #tpu.memory_space<semaphore_mem>>
        %dma_start3A = tpu.memref_slice %arg3[%add3A_41] : memref<6488064xi32, #tpu.memory_space<hbm>> -> memref<1536xi32, #tpu.memory_space<hbm>>
        %dma_start3A_45 = tpu.memref_slice %arg3[%add3A_41] : memref<6488064xi32, #tpu.memory_space<hbm>> -> memref<1536xi32, #tpu.memory_space<hbm>>
        tpu.enqueue_dma source(%dma_start3A_45 : memref<1536xi32, #tpu.memory_space<hbm>>) target(%arg7 : memref<1536xi32, #tpu.memory_space<vmem>>) target_semaphore(%run_scoped3A : memref<!tpu.dma_semaphore, #tpu.memory_space<semaphore_mem>>)
        %dma_wait3A = tpu.memref_slice %arg3[%add3A_41] : memref<6488064xi32, #tpu.memory_space<hbm>> -> memref<1536xi32, #tpu.memory_space<hbm>>
        %dma_wait3A_46 = tpu.memref_slice %arg3[%add3A_41] : memref<6488064xi32, #tpu.memory_space<hbm>> -> memref<1536xi32, #tpu.memory_space<hbm>>
        tpu.wait_dma2 semaphore(%run_scoped3A : memref<!tpu.dma_semaphore, #tpu.memory_space<semaphore_mem>>) src(%dma_wait3A_46 : memref<1536xi32, #tpu.memory_space<hbm>>) dst(%arg7 : memref<1536xi32, #tpu.memory_space<vmem>>)
        tpu.yield
      }) : () -> ()
      %add3A_42 = arith.constant 1622016 : i32
      %add3A_43 = arith.addi %add3A_42, %multiple_of3A_38 : i32
      "tpu.region"() ({
        %run_scoped3A = tpu.sem_alloc : memref<!tpu.dma_semaphore, #tpu.memory_space<semaphore_mem>>
        %dma_start3A = tpu.memref_slice %arg4[%add3A_43] : memref<3244032xi32, #tpu.memory_space<hbm>> -> memref<1536xi32, #tpu.memory_space<hbm>>
        %dma_start3A_45 = tpu.memref_slice %arg4[%add3A_43] : memref<3244032xi32, #tpu.memory_space<hbm>> -> memref<1536xi32, #tpu.memory_space<hbm>>
        tpu.enqueue_dma source(%dma_start3A_45 : memref<1536xi32, #tpu.memory_space<hbm>>) target(%arg8 : memref<1536xi32, #tpu.memory_space<vmem>>) target_semaphore(%run_scoped3A : memref<!tpu.dma_semaphore, #tpu.memory_space<semaphore_mem>>)
        %dma_wait3A = tpu.memref_slice %arg4[%add3A_43] : memref<3244032xi32, #tpu.memory_space<hbm>> -> memref<1536xi32, #tpu.memory_space<hbm>>
        %dma_wait3A_46 = tpu.memref_slice %arg4[%add3A_43] : memref<3244032xi32, #tpu.memory_space<hbm>> -> memref<1536xi32, #tpu.memory_space<hbm>>
        tpu.wait_dma2 semaphore(%run_scoped3A : memref<!tpu.dma_semaphore, #tpu.memory_space<semaphore_mem>>) src(%dma_wait3A_46 : memref<1536xi32, #tpu.memory_space<hbm>>) dst(%arg8 : memref<1536xi32, #tpu.memory_space<vmem>>)
        tpu.yield
      }) : () -> ()
      "tpu.region"() ({
        %run_scoped3A = tpu.sem_alloc : memref<!tpu.dma_semaphore, #tpu.memory_space<semaphore_mem>>
        %dma_start3A = arith.constant 0 : i32
        %dma_start3A_45 = arith.constant 0 : i32
        %dma_start3A_46 = tpu.memref_slice %arg2[%dma_start3A, %dma_start3A_45] : memref<401408x32xbf16, #tpu.memory_space<hbm>> -> memref<401408x32xbf16, #tpu.memory_space<hbm>>
        tpu.enqueue_indirect_dma source(%dma_start3A_46 : memref<401408x32xbf16, #tpu.memory_space<hbm>>) target(%arg9 : memref<1536x32xbf16, #tpu.memory_space<vmem>>) offsets(%arg7 : memref<1536xi32, #tpu.memory_space<vmem>>) semaphore(%run_scoped3A : memref<!tpu.dma_semaphore, #tpu.memory_space<semaphore_mem>>)
        %dma_wait3A = arith.constant 0 : i32
        %dma_wait3A_47 = arith.constant 0 : i32
        %dma_wait3A_48 = tpu.memref_slice %arg2[%dma_wait3A, %dma_wait3A_47] : memref<401408x32xbf16, #tpu.memory_space<hbm>> -> memref<401408x32xbf16, #tpu.memory_space<hbm>>
        tpu.wait_indirect_dma semaphore(%run_scoped3A : memref<!tpu.dma_semaphore, #tpu.memory_space<semaphore_mem>>) src(%dma_wait3A_48 : memref<401408x32xbf16, #tpu.memory_space<hbm>>) dst(%arg9 : memref<1536x32xbf16, #tpu.memory_space<vmem>>)
        tpu.yield
      }) : () -> ()
      "tpu.region"() ({
        %run_scoped3A = tpu.sem_alloc : memref<!tpu.dma_semaphore, #tpu.memory_space<semaphore_mem>>
        %dma_start3A = arith.constant 0 : i32
        %dma_start3A_45 = arith.constant 0 : i32
        %dma_start3A_46 = tpu.memref_slice %arg10[%dma_start3A, %dma_start3A_45] : memref<100352x32xbf16, #tpu.memory_space<vmem_shared>> -> memref<100352x32xbf16, #tpu.memory_space<vmem_shared>>
        tpu.enqueue_indirect_dma source(%arg9 : memref<1536x32xbf16, #tpu.memory_space<vmem>>) target(%dma_start3A_46 : memref<100352x32xbf16, #tpu.memory_space<vmem_shared>>) offsets(%arg8 : memref<1536xi32, #tpu.memory_space<vmem>>) semaphore(%run_scoped3A : memref<!tpu.dma_semaphore, #tpu.memory_space<semaphore_mem>>) {add = true}
        %dma_wait3A = arith.constant 0 : i32
        %dma_wait3A_47 = arith.constant 0 : i32
        %dma_wait3A_48 = tpu.memref_slice %arg10[%dma_wait3A, %dma_wait3A_47] : memref<100352x32xbf16, #tpu.memory_space<vmem_shared>> -> memref<100352x32xbf16, #tpu.memory_space<vmem_shared>>
        tpu.wait_indirect_dma semaphore(%run_scoped3A : memref<!tpu.dma_semaphore, #tpu.memory_space<semaphore_mem>>) src(%arg9 : memref<1536x32xbf16, #tpu.memory_space<vmem>>) dst(%dma_wait3A_48 : memref<100352x32xbf16, #tpu.memory_space<vmem_shared>>)
        tpu.yield
      }) : () -> ()
      %scan3A_44 = arith.constant 0 : i32
      scf.yield %scan3A_44 : i32
    }
    %scan3A_15 = arith.constant 66 : i32
    %barrier3A_16 = arith.constant 0 : index
    tpu.barrier barrier_id(%barrier3A_16)
    "tpu.region"() ({
      %run_scoped3A = tpu.sem_alloc : memref<!tpu.dma_semaphore, #tpu.memory_space<semaphore_mem>>
      %dma_start3A = tpu.memref_slice %arg6[%multiple_of3A, %multiple_of3A_9] : memref<100352x128xbf16, #tpu.memory_space<hbm>> -> memref<6272x32xbf16, #tpu.memory_space<hbm>>
      %dma_start3A_33 = arith.constant 0 : i32
      %dma_start3A_34 = tpu.memref_slice %arg10[%multiple_of3A, %dma_start3A_33] : memref<100352x32xbf16, #tpu.memory_space<vmem_shared>> -> memref<6272x32xbf16, #tpu.memory_space<vmem_shared>>
      tpu.enqueue_dma source(%dma_start3A_34 : memref<6272x32xbf16, #tpu.memory_space<vmem_shared>>) target(%dma_start3A : memref<6272x32xbf16, #tpu.memory_space<hbm>>) target_semaphore(%run_scoped3A : memref<!tpu.dma_semaphore, #tpu.memory_space<semaphore_mem>>)
      %dma_wait3A = tpu.memref_slice %arg6[%multiple_of3A, %multiple_of3A_9] : memref<100352x128xbf16, #tpu.memory_space<hbm>> -> memref<6272x32xbf16, #tpu.memory_space<hbm>>
      %dma_wait3A_35 = arith.constant 0 : i32
      %dma_wait3A_36 = tpu.memref_slice %arg10[%multiple_of3A, %dma_wait3A_35] : memref<100352x32xbf16, #tpu.memory_space<vmem_shared>> -> memref<6272x32xbf16, #tpu.memory_space<vmem_shared>>
      tpu.wait_dma2 semaphore(%run_scoped3A : memref<!tpu.dma_semaphore, #tpu.memory_space<semaphore_mem>>) src(%dma_wait3A_36 : memref<6272x32xbf16, #tpu.memory_space<vmem_shared>>) dst(%dma_wait3A : memref<6272x32xbf16, #tpu.memory_space<hbm>>)
      tpu.yield
    }) : () -> ()
    %mul3A_17 = arith.constant 2 : i32
    %mul3A_18 = arith.muli %arg0, %mul3A_17 : i32
    %add3A_19 = arith.constant 1 : i32
    %add3A_20 = arith.addi %mul3A_18, %add3A_19 : i32
    %mul3A_21 = arith.constant 32 : i32
    %mul3A_22 = arith.muli %add3A_20, %mul3A_21 : i32
    %multiple_of3A_23 = tpu.assume_multiple %mul3A_22, 32 : i32
    "tpu.region"() ({
      %run_scoped3A = tpu.sem_alloc : memref<!tpu.dma_semaphore, #tpu.memory_space<semaphore_mem>>
      %dma_start3A = arith.constant 0 : i32
      %dma_start3A_33 = tpu.memref_slice %arg10[%multiple_of3A, %dma_start3A] : memref<100352x32xbf16, #tpu.memory_space<vmem_shared>> -> memref<6272x32xbf16, #tpu.memory_space<vmem_shared>>
      %dma_start3A_34 = arith.constant 0 : i32
      %dma_start3A_35 = tpu.memref_slice %arg5[%multiple_of3A, %dma_start3A_34] : memref<100352x32xbf16, #tpu.memory_space<hbm>> -> memref<6272x32xbf16, #tpu.memory_space<hbm>>
      tpu.enqueue_dma source(%dma_start3A_35 : memref<6272x32xbf16, #tpu.memory_space<hbm>>) target(%dma_start3A_33 : memref<6272x32xbf16, #tpu.memory_space<vmem_shared>>) target_semaphore(%run_scoped3A : memref<!tpu.dma_semaphore, #tpu.memory_space<semaphore_mem>>)
      %dma_wait3A = arith.constant 0 : i32
      %dma_wait3A_36 = tpu.memref_slice %arg10[%multiple_of3A, %dma_wait3A] : memref<100352x32xbf16, #tpu.memory_space<vmem_shared>> -> memref<6272x32xbf16, #tpu.memory_space<vmem_shared>>
      %dma_wait3A_37 = arith.constant 0 : i32
      %dma_wait3A_38 = tpu.memref_slice %arg5[%multiple_of3A, %dma_wait3A_37] : memref<100352x32xbf16, #tpu.memory_space<hbm>> -> memref<6272x32xbf16, #tpu.memory_space<hbm>>
      tpu.wait_dma2 semaphore(%run_scoped3A : memref<!tpu.dma_semaphore, #tpu.memory_space<semaphore_mem>>) src(%dma_wait3A_38 : memref<6272x32xbf16, #tpu.memory_space<hbm>>) dst(%dma_wait3A_36 : memref<6272x32xbf16, #tpu.memory_space<vmem_shared>>)
      tpu.yield
    }) : () -> ()
    %barrier3A_24 = arith.constant 0 : index
    tpu.barrier barrier_id(%barrier3A_24)
    %scan3A_25 = arith.constant 0 : i32
    %scan3A_26 = arith.constant 0 : i32
    %scan3A_27 = arith.constant 66 : i32
    %scan3A_28 = arith.addi %scan3A_26, %scan3A_27 : i32
    %scan3A_29 = arith.constant 1 : i32
    %scan3A_30 = scf.for %scan3A_33 = %scan3A_26 to %scan3A_28 step %scan3A_29 iter_args(%scan3A_34 = %scan3A_25) -> (i32)  : i32 {
      %mul3A_35 = arith.constant 1536 : i32
      %mul3A_36 = arith.muli %scan3A_33, %mul3A_35 : i32
      %add3A_37 = arith.addi %multiple_of3A_3, %mul3A_36 : i32
      %multiple_of3A_38 = tpu.assume_multiple %add3A_37, 128 : i32
      %mul3A_39 = arith.constant 1622016 : i32
      %mul3A_40 = arith.muli %add3A_20, %mul3A_39 : i32
      %add3A_41 = arith.addi %mul3A_40, %multiple_of3A_38 : i32
      "tpu.region"() ({
        %run_scoped3A = tpu.sem_alloc : memref<!tpu.dma_semaphore, #tpu.memory_space<semaphore_mem>>
        %dma_start3A = tpu.memref_slice %arg3[%add3A_41] : memref<6488064xi32, #tpu.memory_space<hbm>> -> memref<1536xi32, #tpu.memory_space<hbm>>
        %dma_start3A_45 = tpu.memref_slice %arg3[%add3A_41] : memref<6488064xi32, #tpu.memory_space<hbm>> -> memref<1536xi32, #tpu.memory_space<hbm>>
        tpu.enqueue_dma source(%dma_start3A_45 : memref<1536xi32, #tpu.memory_space<hbm>>) target(%arg7 : memref<1536xi32, #tpu.memory_space<vmem>>) target_semaphore(%run_scoped3A : memref<!tpu.dma_semaphore, #tpu.memory_space<semaphore_mem>>)
        %dma_wait3A = tpu.memref_slice %arg3[%add3A_41] : memref<6488064xi32, #tpu.memory_space<hbm>> -> memref<1536xi32, #tpu.memory_space<hbm>>
        %dma_wait3A_46 = tpu.memref_slice %arg3[%add3A_41] : memref<6488064xi32, #tpu.memory_space<hbm>> -> memref<1536xi32, #tpu.memory_space<hbm>>
        tpu.wait_dma2 semaphore(%run_scoped3A : memref<!tpu.dma_semaphore, #tpu.memory_space<semaphore_mem>>) src(%dma_wait3A_46 : memref<1536xi32, #tpu.memory_space<hbm>>) dst(%arg7 : memref<1536xi32, #tpu.memory_space<vmem>>)
        tpu.yield
      }) : () -> ()
      %add3A_42 = arith.constant 1622016 : i32
      %add3A_43 = arith.addi %add3A_42, %multiple_of3A_38 : i32
      "tpu.region"() ({
        %run_scoped3A = tpu.sem_alloc : memref<!tpu.dma_semaphore, #tpu.memory_space<semaphore_mem>>
        %dma_start3A = tpu.memref_slice %arg4[%add3A_43] : memref<3244032xi32, #tpu.memory_space<hbm>> -> memref<1536xi32, #tpu.memory_space<hbm>>
        %dma_start3A_45 = tpu.memref_slice %arg4[%add3A_43] : memref<3244032xi32, #tpu.memory_space<hbm>> -> memref<1536xi32, #tpu.memory_space<hbm>>
        tpu.enqueue_dma source(%dma_start3A_45 : memref<1536xi32, #tpu.memory_space<hbm>>) target(%arg8 : memref<1536xi32, #tpu.memory_space<vmem>>) target_semaphore(%run_scoped3A : memref<!tpu.dma_semaphore, #tpu.memory_space<semaphore_mem>>)
        %dma_wait3A = tpu.memref_slice %arg4[%add3A_43] : memref<3244032xi32, #tpu.memory_space<hbm>> -> memref<1536xi32, #tpu.memory_space<hbm>>
        %dma_wait3A_46 = tpu.memref_slice %arg4[%add3A_43] : memref<3244032xi32, #tpu.memory_space<hbm>> -> memref<1536xi32, #tpu.memory_space<hbm>>
        tpu.wait_dma2 semaphore(%run_scoped3A : memref<!tpu.dma_semaphore, #tpu.memory_space<semaphore_mem>>) src(%dma_wait3A_46 : memref<1536xi32, #tpu.memory_space<hbm>>) dst(%arg8 : memref<1536xi32, #tpu.memory_space<vmem>>)
        tpu.yield
      }) : () -> ()
      "tpu.region"() ({
        %run_scoped3A = tpu.sem_alloc : memref<!tpu.dma_semaphore, #tpu.memory_space<semaphore_mem>>
        %dma_start3A = arith.constant 0 : i32
        %dma_start3A_45 = arith.constant 0 : i32
        %dma_start3A_46 = tpu.memref_slice %arg2[%dma_start3A, %dma_start3A_45] : memref<401408x32xbf16, #tpu.memory_space<hbm>> -> memref<401408x32xbf16, #tpu.memory_space<hbm>>
        tpu.enqueue_indirect_dma source(%dma_start3A_46 : memref<401408x32xbf16, #tpu.memory_space<hbm>>) target(%arg9 : memref<1536x32xbf16, #tpu.memory_space<vmem>>) offsets(%arg7 : memref<1536xi32, #tpu.memory_space<vmem>>) semaphore(%run_scoped3A : memref<!tpu.dma_semaphore, #tpu.memory_space<semaphore_mem>>)
        %dma_wait3A = arith.constant 0 : i32
        %dma_wait3A_47 = arith.constant 0 : i32
        %dma_wait3A_48 = tpu.memref_slice %arg2[%dma_wait3A, %dma_wait3A_47] : memref<401408x32xbf16, #tpu.memory_space<hbm>> -> memref<401408x32xbf16, #tpu.memory_space<hbm>>
        tpu.wait_indirect_dma semaphore(%run_scoped3A : memref<!tpu.dma_semaphore, #tpu.memory_space<semaphore_mem>>) src(%dma_wait3A_48 : memref<401408x32xbf16, #tpu.memory_space<hbm>>) dst(%arg9 : memref<1536x32xbf16, #tpu.memory_space<vmem>>)
        tpu.yield
      }) : () -> ()
      "tpu.region"() ({
        %run_scoped3A = tpu.sem_alloc : memref<!tpu.dma_semaphore, #tpu.memory_space<semaphore_mem>>
        %dma_start3A = arith.constant 0 : i32
        %dma_start3A_45 = arith.constant 0 : i32
        %dma_start3A_46 = tpu.memref_slice %arg10[%dma_start3A, %dma_start3A_45] : memref<100352x32xbf16, #tpu.memory_space<vmem_shared>> -> memref<100352x32xbf16, #tpu.memory_space<vmem_shared>>
        tpu.enqueue_indirect_dma source(%arg9 : memref<1536x32xbf16, #tpu.memory_space<vmem>>) target(%dma_start3A_46 : memref<100352x32xbf16, #tpu.memory_space<vmem_shared>>) offsets(%arg8 : memref<1536xi32, #tpu.memory_space<vmem>>) semaphore(%run_scoped3A : memref<!tpu.dma_semaphore, #tpu.memory_space<semaphore_mem>>) {add = true}
        %dma_wait3A = arith.constant 0 : i32
        %dma_wait3A_47 = arith.constant 0 : i32
        %dma_wait3A_48 = tpu.memref_slice %arg10[%dma_wait3A, %dma_wait3A_47] : memref<100352x32xbf16, #tpu.memory_space<vmem_shared>> -> memref<100352x32xbf16, #tpu.memory_space<vmem_shared>>
        tpu.wait_indirect_dma semaphore(%run_scoped3A : memref<!tpu.dma_semaphore, #tpu.memory_space<semaphore_mem>>) src(%arg9 : memref<1536x32xbf16, #tpu.memory_space<vmem>>) dst(%dma_wait3A_48 : memref<100352x32xbf16, #tpu.memory_space<vmem_shared>>)
        tpu.yield
      }) : () -> ()
      %scan3A_44 = arith.constant 0 : i32
      scf.yield %scan3A_44 : i32
    }
    %scan3A_31 = arith.constant 66 : i32
    %barrier3A_32 = arith.constant 0 : index
    tpu.barrier barrier_id(%barrier3A_32)
    "tpu.region"() ({
      %run_scoped3A = tpu.sem_alloc : memref<!tpu.dma_semaphore, #tpu.memory_space<semaphore_mem>>
      %dma_start3A = tpu.memref_slice %arg6[%multiple_of3A, %multiple_of3A_23] : memref<100352x128xbf16, #tpu.memory_space<hbm>> -> memref<6272x32xbf16, #tpu.memory_space<hbm>>
      %dma_start3A_33 = arith.constant 0 : i32
      %dma_start3A_34 = tpu.memref_slice %arg10[%multiple_of3A, %dma_start3A_33] : memref<100352x32xbf16, #tpu.memory_space<vmem_shared>> -> memref<6272x32xbf16, #tpu.memory_space<vmem_shared>>
      tpu.enqueue_dma source(%dma_start3A_34 : memref<6272x32xbf16, #tpu.memory_space<vmem_shared>>) target(%dma_start3A : memref<6272x32xbf16, #tpu.memory_space<hbm>>) target_semaphore(%run_scoped3A : memref<!tpu.dma_semaphore, #tpu.memory_space<semaphore_mem>>)
      %dma_wait3A = tpu.memref_slice %arg6[%multiple_of3A, %multiple_of3A_23] : memref<100352x128xbf16, #tpu.memory_space<hbm>> -> memref<6272x32xbf16, #tpu.memory_space<hbm>>
      %dma_wait3A_35 = arith.constant 0 : i32
      %dma_wait3A_36 = tpu.memref_slice %arg10[%multiple_of3A, %dma_wait3A_35] : memref<100352x32xbf16, #tpu.memory_space<vmem_shared>> -> memref<6272x32xbf16, #tpu.memory_space<vmem_shared>>
      tpu.wait_dma2 semaphore(%run_scoped3A : memref<!tpu.dma_semaphore, #tpu.memory_space<semaphore_mem>>) src(%dma_wait3A_36 : memref<6272x32xbf16, #tpu.memory_space<vmem_shared>>) dst(%dma_wait3A : memref<6272x32xbf16, #tpu.memory_space<hbm>>)
      tpu.yield
    }) : () -> ()
    return
  }
}

#map = affine_map<(d0, d1) -> (0, 0)>
#map1 = affine_map<(d0, d1) -> (0)>
#map2 = affine_map<(d0, d1) -> (0, 0, 0)>
module attributes {stable_mosaic.version = 14 : i64} {
  func.func @k(%arg0: i32, %arg1: i32, %arg2: memref<100352x16xf32, #tpu.memory_space<hbm>>, %arg3: memref<3244032xi32, #tpu.memory_space<hbm>>, %arg4: memref<2x100352x16xf32, #tpu.memory_space<hbm>>, %arg5: memref<1536xi32, #tpu.memory_space<vmem>>, %arg6: memref<1536xi32, #tpu.memory_space<vmem>>, %arg7: memref<1536x16xf32, #tpu.memory_space<vmem>>, %arg8: memref<100352x16xf32, #tpu.memory_space<vmem_shared>>) attributes {dimension_semantics = [#tpu.dimension_semantics<core_parallel>, #tpu.dimension_semantics<subcore_parallel>], iteration_bounds = array<i64: 2, 16>, scalar_prefetch = 0 : i64, scratch_operands = 4 : i64, tpu.core_type = #tpu.core_type<sc_vector_subcore>, window_params = [{transform_indices = #map}, {transform_indices = #map1}, {transform_indices = #map2}]} {
    %broadcast_in_dim3A = arith.constant 0.000000e+00 : f32
    %broadcast_in_dim3A_0 = vector.broadcast %broadcast_in_dim3A : f32 to vector<16xf32>
    %scan3A = arith.constant 0 : i32
    %scan3A_1 = arith.constant 0 : i32
    %scan3A_2 = arith.constant 1536 : i32
    %scan3A_3 = arith.addi %scan3A_1, %scan3A_2 : i32
    %scan3A_4 = arith.constant 1 : i32
    %scan3A_5 = scf.for %scan3A_31 = %scan3A_1 to %scan3A_3 step %scan3A_4 iter_args(%scan3A_32 = %scan3A) -> (i32)  : i32 {
      %swap3A = arith.index_cast %scan3A_31 : i32 to index
      %swap3A_33 = arith.constant 0 : index
      %swap3A_34 = tpu.vector_load %arg7[%swap3A, %swap3A_33] {strides = array<i32>} : memref<1536x16xf32, #tpu.memory_space<vmem>>, vector<1x16xf32>,
      %swap3A_35 = vector.shape_cast %swap3A_34 : vector<1x16xf32> to vector<16xf32>
      %swap3A_36 = vector.shape_cast %broadcast_in_dim3A_0 : vector<16xf32> to vector<1x16xf32>
      tpu.vector_store %arg7[%swap3A, %swap3A_33], %swap3A_36 {strides = array<i32>} : memref<1536x16xf32, #tpu.memory_space<vmem>>, vector<1x16xf32>,
      %scan3A_37 = arith.constant 0 : i32
      scf.yield %scan3A_37 : i32
    }
    %scan3A_6 = arith.constant 1536 : i32
    %mul3A = arith.constant 6272 : i32
    %mul3A_7 = arith.muli %arg1, %mul3A : i32
    %multiple_of3A = tpu.assume_multiple %mul3A_7, 8 : i32
    %add3A = arith.constant 0 : i32
    %add3A_8 = arith.addi %multiple_of3A, %add3A : i32
    "tpu.region"() ({
      %run_scoped3A = tpu.sem_alloc : memref<!tpu.dma_semaphore, #tpu.memory_space<semaphore_mem>>
      %dma_start3A = arith.constant 0 : i32
      %dma_start3A_31 = tpu.memref_slice %arg8[%add3A_8, %dma_start3A] : memref<100352x16xf32, #tpu.memory_space<vmem_shared>> -> memref<1536x16xf32, #tpu.memory_space<vmem_shared>>
      %dma_start3A_32 = arith.constant 0 : i32
      %dma_start3A_33 = tpu.memref_slice %arg8[%add3A_8, %dma_start3A_32] : memref<100352x16xf32, #tpu.memory_space<vmem_shared>> -> memref<1536x16xf32, #tpu.memory_space<vmem_shared>>
      tpu.enqueue_dma source(%arg7 : memref<1536x16xf32, #tpu.memory_space<vmem>>) target(%dma_start3A_33 : memref<1536x16xf32, #tpu.memory_space<vmem_shared>>) target_semaphore(%run_scoped3A : memref<!tpu.dma_semaphore, #tpu.memory_space<semaphore_mem>>)
      %dma_wait3A = arith.constant 0 : i32
      %dma_wait3A_34 = tpu.memref_slice %arg8[%add3A_8, %dma_wait3A] : memref<100352x16xf32, #tpu.memory_space<vmem_shared>> -> memref<1536x16xf32, #tpu.memory_space<vmem_shared>>
      %dma_wait3A_35 = arith.constant 0 : i32
      %dma_wait3A_36 = tpu.memref_slice %arg8[%add3A_8, %dma_wait3A_35] : memref<100352x16xf32, #tpu.memory_space<vmem_shared>> -> memref<1536x16xf32, #tpu.memory_space<vmem_shared>>
      tpu.wait_dma2 semaphore(%run_scoped3A : memref<!tpu.dma_semaphore, #tpu.memory_space<semaphore_mem>>) src(%arg7 : memref<1536x16xf32, #tpu.memory_space<vmem>>) dst(%dma_wait3A_36 : memref<1536x16xf32, #tpu.memory_space<vmem_shared>>)
      tpu.yield
    }) : () -> ()
    %add3A_9 = arith.constant 1536 : i32
    %add3A_10 = arith.addi %multiple_of3A, %add3A_9 : i32
    "tpu.region"() ({
      %run_scoped3A = tpu.sem_alloc : memref<!tpu.dma_semaphore, #tpu.memory_space<semaphore_mem>>
      %dma_start3A = arith.constant 0 : i32
      %dma_start3A_31 = tpu.memref_slice %arg8[%add3A_10, %dma_start3A] : memref<100352x16xf32, #tpu.memory_space<vmem_shared>> -> memref<1536x16xf32, #tpu.memory_space<vmem_shared>>
      %dma_start3A_32 = arith.constant 0 : i32
      %dma_start3A_33 = tpu.memref_slice %arg8[%add3A_10, %dma_start3A_32] : memref<100352x16xf32, #tpu.memory_space<vmem_shared>> -> memref<1536x16xf32, #tpu.memory_space<vmem_shared>>
      tpu.enqueue_dma source(%arg7 : memref<1536x16xf32, #tpu.memory_space<vmem>>) target(%dma_start3A_33 : memref<1536x16xf32, #tpu.memory_space<vmem_shared>>) target_semaphore(%run_scoped3A : memref<!tpu.dma_semaphore, #tpu.memory_space<semaphore_mem>>)
      %dma_wait3A = arith.constant 0 : i32
      %dma_wait3A_34 = tpu.memref_slice %arg8[%add3A_10, %dma_wait3A] : memref<100352x16xf32, #tpu.memory_space<vmem_shared>> -> memref<1536x16xf32, #tpu.memory_space<vmem_shared>>
      %dma_wait3A_35 = arith.constant 0 : i32
      %dma_wait3A_36 = tpu.memref_slice %arg8[%add3A_10, %dma_wait3A_35] : memref<100352x16xf32, #tpu.memory_space<vmem_shared>> -> memref<1536x16xf32, #tpu.memory_space<vmem_shared>>
      tpu.wait_dma2 semaphore(%run_scoped3A : memref<!tpu.dma_semaphore, #tpu.memory_space<semaphore_mem>>) src(%arg7 : memref<1536x16xf32, #tpu.memory_space<vmem>>) dst(%dma_wait3A_36 : memref<1536x16xf32, #tpu.memory_space<vmem_shared>>)
      tpu.yield
    }) : () -> ()
    %add3A_11 = arith.constant 3072 : i32
    %add3A_12 = arith.addi %multiple_of3A, %add3A_11 : i32
    "tpu.region"() ({
      %run_scoped3A = tpu.sem_alloc : memref<!tpu.dma_semaphore, #tpu.memory_space<semaphore_mem>>
      %dma_start3A = arith.constant 0 : i32
      %dma_start3A_31 = tpu.memref_slice %arg8[%add3A_12, %dma_start3A] : memref<100352x16xf32, #tpu.memory_space<vmem_shared>> -> memref<1536x16xf32, #tpu.memory_space<vmem_shared>>
      %dma_start3A_32 = arith.constant 0 : i32
      %dma_start3A_33 = tpu.memref_slice %arg8[%add3A_12, %dma_start3A_32] : memref<100352x16xf32, #tpu.memory_space<vmem_shared>> -> memref<1536x16xf32, #tpu.memory_space<vmem_shared>>
      tpu.enqueue_dma source(%arg7 : memref<1536x16xf32, #tpu.memory_space<vmem>>) target(%dma_start3A_33 : memref<1536x16xf32, #tpu.memory_space<vmem_shared>>) target_semaphore(%run_scoped3A : memref<!tpu.dma_semaphore, #tpu.memory_space<semaphore_mem>>)
      %dma_wait3A = arith.constant 0 : i32
      %dma_wait3A_34 = tpu.memref_slice %arg8[%add3A_12, %dma_wait3A] : memref<100352x16xf32, #tpu.memory_space<vmem_shared>> -> memref<1536x16xf32, #tpu.memory_space<vmem_shared>>
      %dma_wait3A_35 = arith.constant 0 : i32
      %dma_wait3A_36 = tpu.memref_slice %arg8[%add3A_12, %dma_wait3A_35] : memref<100352x16xf32, #tpu.memory_space<vmem_shared>> -> memref<1536x16xf32, #tpu.memory_space<vmem_shared>>
      tpu.wait_dma2 semaphore(%run_scoped3A : memref<!tpu.dma_semaphore, #tpu.memory_space<semaphore_mem>>) src(%arg7 : memref<1536x16xf32, #tpu.memory_space<vmem>>) dst(%dma_wait3A_36 : memref<1536x16xf32, #tpu.memory_space<vmem_shared>>)
      tpu.yield
    }) : () -> ()
    %add3A_13 = arith.constant 4608 : i32
    %add3A_14 = arith.addi %multiple_of3A, %add3A_13 : i32
    "tpu.region"() ({
      %run_scoped3A = tpu.sem_alloc : memref<!tpu.dma_semaphore, #tpu.memory_space<semaphore_mem>>
      %dma_start3A = arith.constant 0 : i32
      %dma_start3A_31 = tpu.memref_slice %arg8[%add3A_14, %dma_start3A] : memref<100352x16xf32, #tpu.memory_space<vmem_shared>> -> memref<1536x16xf32, #tpu.memory_space<vmem_shared>>
      %dma_start3A_32 = arith.constant 0 : i32
      %dma_start3A_33 = tpu.memref_slice %arg8[%add3A_14, %dma_start3A_32] : memref<100352x16xf32, #tpu.memory_space<vmem_shared>> -> memref<1536x16xf32, #tpu.memory_space<vmem_shared>>
      tpu.enqueue_dma source(%arg7 : memref<1536x16xf32, #tpu.memory_space<vmem>>) target(%dma_start3A_33 : memref<1536x16xf32, #tpu.memory_space<vmem_shared>>) target_semaphore(%run_scoped3A : memref<!tpu.dma_semaphore, #tpu.memory_space<semaphore_mem>>)
      %dma_wait3A = arith.constant 0 : i32
      %dma_wait3A_34 = tpu.memref_slice %arg8[%add3A_14, %dma_wait3A] : memref<100352x16xf32, #tpu.memory_space<vmem_shared>> -> memref<1536x16xf32, #tpu.memory_space<vmem_shared>>
      %dma_wait3A_35 = arith.constant 0 : i32
      %dma_wait3A_36 = tpu.memref_slice %arg8[%add3A_14, %dma_wait3A_35] : memref<100352x16xf32, #tpu.memory_space<vmem_shared>> -> memref<1536x16xf32, #tpu.memory_space<vmem_shared>>
      tpu.wait_dma2 semaphore(%run_scoped3A : memref<!tpu.dma_semaphore, #tpu.memory_space<semaphore_mem>>) src(%arg7 : memref<1536x16xf32, #tpu.memory_space<vmem>>) dst(%dma_wait3A_36 : memref<1536x16xf32, #tpu.memory_space<vmem_shared>>)
      tpu.yield
    }) : () -> ()
    %add3A_15 = arith.constant 6144 : i32
    %add3A_16 = arith.addi %multiple_of3A, %add3A_15 : i32
    "tpu.region"() ({
      %run_scoped3A = tpu.sem_alloc : memref<!tpu.dma_semaphore, #tpu.memory_space<semaphore_mem>>
      %dma_start3A = arith.constant 0 : i32
      %dma_start3A_31 = arith.constant 0 : i32
      %dma_start3A_32 = tpu.memref_slice %arg7[%dma_start3A, %dma_start3A_31] : memref<1536x16xf32, #tpu.memory_space<vmem>> -> memref<128x16xf32, #tpu.memory_space<vmem>>
      %dma_start3A_33 = arith.constant 0 : i32
      %dma_start3A_34 = tpu.memref_slice %arg8[%add3A_16, %dma_start3A_33] : memref<100352x16xf32, #tpu.memory_space<vmem_shared>> -> memref<128x16xf32, #tpu.memory_space<vmem_shared>>
      %dma_start3A_35 = arith.constant 0 : i32
      %dma_start3A_36 = tpu.memref_slice %arg8[%add3A_16, %dma_start3A_35] : memref<100352x16xf32, #tpu.memory_space<vmem_shared>> -> memref<128x16xf32, #tpu.memory_space<vmem_shared>>
      %dma_start3A_37 = arith.constant 0 : i32
      %dma_start3A_38 = arith.constant 0 : i32
      %dma_start3A_39 = tpu.memref_slice %arg7[%dma_start3A_37, %dma_start3A_38] : memref<1536x16xf32, #tpu.memory_space<vmem>> -> memref<128x16xf32, #tpu.memory_space<vmem>>
      tpu.enqueue_dma source(%dma_start3A_39 : memref<128x16xf32, #tpu.memory_space<vmem>>) target(%dma_start3A_36 : memref<128x16xf32, #tpu.memory_space<vmem_shared>>) target_semaphore(%run_scoped3A : memref<!tpu.dma_semaphore, #tpu.memory_space<semaphore_mem>>)
      %dma_wait3A = arith.constant 0 : i32
      %dma_wait3A_40 = arith.constant 0 : i32
      %dma_wait3A_41 = tpu.memref_slice %arg7[%dma_wait3A, %dma_wait3A_40] : memref<1536x16xf32, #tpu.memory_space<vmem>> -> memref<128x16xf32, #tpu.memory_space<vmem>>
      %dma_wait3A_42 = arith.constant 0 : i32
      %dma_wait3A_43 = tpu.memref_slice %arg8[%add3A_16, %dma_wait3A_42] : memref<100352x16xf32, #tpu.memory_space<vmem_shared>> -> memref<128x16xf32, #tpu.memory_space<vmem_shared>>
      %dma_wait3A_44 = arith.constant 0 : i32
      %dma_wait3A_45 = tpu.memref_slice %arg8[%add3A_16, %dma_wait3A_44] : memref<100352x16xf32, #tpu.memory_space<vmem_shared>> -> memref<128x16xf32, #tpu.memory_space<vmem_shared>>
      %dma_wait3A_46 = arith.constant 0 : i32
      %dma_wait3A_47 = arith.constant 0 : i32
      %dma_wait3A_48 = tpu.memref_slice %arg7[%dma_wait3A_46, %dma_wait3A_47] : memref<1536x16xf32, #tpu.memory_space<vmem>> -> memref<128x16xf32, #tpu.memory_space<vmem>>
      tpu.wait_dma2 semaphore(%run_scoped3A : memref<!tpu.dma_semaphore, #tpu.memory_space<semaphore_mem>>) src(%dma_wait3A_48 : memref<128x16xf32, #tpu.memory_space<vmem>>) dst(%dma_wait3A_45 : memref<128x16xf32, #tpu.memory_space<vmem_shared>>)
      tpu.yield
    }) : () -> ()
    %barrier3A = arith.constant 0 : index
    tpu.barrier barrier_id(%barrier3A)
    %mul3A_17 = arith.constant 811008 : i32
    %mul3A_18 = arith.muli %arg0, %mul3A_17 : i32
    %mul3A_19 = arith.constant 50688 : i32
    %mul3A_20 = arith.muli %arg1, %mul3A_19 : i32
    %add3A_21 = arith.addi %mul3A_18, %mul3A_20 : i32
    %multiple_of3A_22 = tpu.assume_multiple %add3A_21, 128 : i32
    %scan3A_23 = arith.constant 0 : i32
    %scan3A_24 = arith.constant 0 : i32
    %scan3A_25 = arith.constant 33 : i32
    %scan3A_26 = arith.addi %scan3A_24, %scan3A_25 : i32
    %scan3A_27 = arith.constant 1 : i32
    %scan3A_28 = scf.for %scan3A_31 = %scan3A_24 to %scan3A_26 step %scan3A_27 iter_args(%scan3A_32 = %scan3A_23) -> (i32)  : i32 {
      %mul3A_33 = arith.constant 1536 : i32
      %mul3A_34 = arith.muli %scan3A_31, %mul3A_33 : i32
      %add3A_35 = arith.addi %multiple_of3A_22, %mul3A_34 : i32
      %multiple_of3A_36 = tpu.assume_multiple %add3A_35, 128 : i32
      "tpu.region"() ({
        %run_scoped3A = tpu.sem_alloc : memref<!tpu.dma_semaphore, #tpu.memory_space<semaphore_mem>>
        %dma_start3A = tpu.memref_slice %arg3[%multiple_of3A_36] : memref<3244032xi32, #tpu.memory_space<hbm>> -> memref<1536xi32, #tpu.memory_space<hbm>>
        %dma_start3A_40 = tpu.memref_slice %arg3[%multiple_of3A_36] : memref<3244032xi32, #tpu.memory_space<hbm>> -> memref<1536xi32, #tpu.memory_space<hbm>>
        tpu.enqueue_dma source(%dma_start3A_40 : memref<1536xi32, #tpu.memory_space<hbm>>) target(%arg5 : memref<1536xi32, #tpu.memory_space<vmem>>) target_semaphore(%run_scoped3A : memref<!tpu.dma_semaphore, #tpu.memory_space<semaphore_mem>>)
        %dma_wait3A = tpu.memref_slice %arg3[%multiple_of3A_36] : memref<3244032xi32, #tpu.memory_space<hbm>> -> memref<1536xi32, #tpu.memory_space<hbm>>
        %dma_wait3A_41 = tpu.memref_slice %arg3[%multiple_of3A_36] : memref<3244032xi32, #tpu.memory_space<hbm>> -> memref<1536xi32, #tpu.memory_space<hbm>>
        tpu.wait_dma2 semaphore(%run_scoped3A : memref<!tpu.dma_semaphore, #tpu.memory_space<semaphore_mem>>) src(%dma_wait3A_41 : memref<1536xi32, #tpu.memory_space<hbm>>) dst(%arg5 : memref<1536xi32, #tpu.memory_space<vmem>>)
        tpu.yield
      }) : () -> ()
      %add3A_37 = arith.constant 1622016 : i32
      %add3A_38 = arith.addi %add3A_37, %multiple_of3A_36 : i32
      "tpu.region"() ({
        %run_scoped3A = tpu.sem_alloc : memref<!tpu.dma_semaphore, #tpu.memory_space<semaphore_mem>>
        %dma_start3A = tpu.memref_slice %arg3[%add3A_38] : memref<3244032xi32, #tpu.memory_space<hbm>> -> memref<1536xi32, #tpu.memory_space<hbm>>
        %dma_start3A_40 = tpu.memref_slice %arg3[%add3A_38] : memref<3244032xi32, #tpu.memory_space<hbm>> -> memref<1536xi32, #tpu.memory_space<hbm>>
        tpu.enqueue_dma source(%dma_start3A_40 : memref<1536xi32, #tpu.memory_space<hbm>>) target(%arg6 : memref<1536xi32, #tpu.memory_space<vmem>>) target_semaphore(%run_scoped3A : memref<!tpu.dma_semaphore, #tpu.memory_space<semaphore_mem>>)
        %dma_wait3A = tpu.memref_slice %arg3[%add3A_38] : memref<3244032xi32, #tpu.memory_space<hbm>> -> memref<1536xi32, #tpu.memory_space<hbm>>
        %dma_wait3A_41 = tpu.memref_slice %arg3[%add3A_38] : memref<3244032xi32, #tpu.memory_space<hbm>> -> memref<1536xi32, #tpu.memory_space<hbm>>
        tpu.wait_dma2 semaphore(%run_scoped3A : memref<!tpu.dma_semaphore, #tpu.memory_space<semaphore_mem>>) src(%dma_wait3A_41 : memref<1536xi32, #tpu.memory_space<hbm>>) dst(%arg6 : memref<1536xi32, #tpu.memory_space<vmem>>)
        tpu.yield
      }) : () -> ()
      "tpu.region"() ({
        %run_scoped3A = tpu.sem_alloc : memref<!tpu.dma_semaphore, #tpu.memory_space<semaphore_mem>>
        %dma_start3A = arith.constant 0 : i32
        %dma_start3A_40 = arith.constant 0 : i32
        %dma_start3A_41 = tpu.memref_slice %arg2[%dma_start3A, %dma_start3A_40] : memref<100352x16xf32, #tpu.memory_space<hbm>> -> memref<100352x16xf32, #tpu.memory_space<hbm>>
        tpu.enqueue_indirect_dma source(%dma_start3A_41 : memref<100352x16xf32, #tpu.memory_space<hbm>>) target(%arg7 : memref<1536x16xf32, #tpu.memory_space<vmem>>) offsets(%arg5 : memref<1536xi32, #tpu.memory_space<vmem>>) semaphore(%run_scoped3A : memref<!tpu.dma_semaphore, #tpu.memory_space<semaphore_mem>>)
        %dma_wait3A = arith.constant 0 : i32
        %dma_wait3A_42 = arith.constant 0 : i32
        %dma_wait3A_43 = tpu.memref_slice %arg2[%dma_wait3A, %dma_wait3A_42] : memref<100352x16xf32, #tpu.memory_space<hbm>> -> memref<100352x16xf32, #tpu.memory_space<hbm>>
        tpu.wait_indirect_dma semaphore(%run_scoped3A : memref<!tpu.dma_semaphore, #tpu.memory_space<semaphore_mem>>) src(%dma_wait3A_43 : memref<100352x16xf32, #tpu.memory_space<hbm>>) dst(%arg7 : memref<1536x16xf32, #tpu.memory_space<vmem>>)
        tpu.yield
      }) : () -> ()
      "tpu.region"() ({
        %run_scoped3A = tpu.sem_alloc : memref<!tpu.dma_semaphore, #tpu.memory_space<semaphore_mem>>
        %dma_start3A = arith.constant 0 : i32
        %dma_start3A_40 = arith.constant 0 : i32
        %dma_start3A_41 = tpu.memref_slice %arg8[%dma_start3A, %dma_start3A_40] : memref<100352x16xf32, #tpu.memory_space<vmem_shared>> -> memref<100352x16xf32, #tpu.memory_space<vmem_shared>>
        tpu.enqueue_indirect_dma source(%arg7 : memref<1536x16xf32, #tpu.memory_space<vmem>>) target(%dma_start3A_41 : memref<100352x16xf32, #tpu.memory_space<vmem_shared>>) offsets(%arg6 : memref<1536xi32, #tpu.memory_space<vmem>>) semaphore(%run_scoped3A : memref<!tpu.dma_semaphore, #tpu.memory_space<semaphore_mem>>) {add = true}
        %dma_wait3A = arith.constant 0 : i32
        %dma_wait3A_42 = arith.constant 0 : i32
        %dma_wait3A_43 = tpu.memref_slice %arg8[%dma_wait3A, %dma_wait3A_42] : memref<100352x16xf32, #tpu.memory_space<vmem_shared>> -> memref<100352x16xf32, #tpu.memory_space<vmem_shared>>
        tpu.wait_indirect_dma semaphore(%run_scoped3A : memref<!tpu.dma_semaphore, #tpu.memory_space<semaphore_mem>>) src(%arg7 : memref<1536x16xf32, #tpu.memory_space<vmem>>) dst(%dma_wait3A_43 : memref<100352x16xf32, #tpu.memory_space<vmem_shared>>)
        tpu.yield
      }) : () -> ()
      %scan3A_39 = arith.constant 0 : i32
      scf.yield %scan3A_39 : i32
    }
    %scan3A_29 = arith.constant 33 : i32
    %barrier3A_30 = arith.constant 0 : index
    tpu.barrier barrier_id(%barrier3A_30)
    "tpu.region"() ({
      %run_scoped3A = tpu.sem_alloc : memref<!tpu.dma_semaphore, #tpu.memory_space<semaphore_mem>>
      %dma_start3A = arith.constant 0 : i32
      %dma_start3A_31 = tpu.memref_slice %arg4[%arg0, %multiple_of3A, %dma_start3A] : memref<2x100352x16xf32, #tpu.memory_space<hbm>> -> memref<1x6272x16xf32, #tpu.memory_space<hbm>>
      %dma_start3A_32 = tpu.memref_squeeze %dma_start3A_31 : memref<1x6272x16xf32, #tpu.memory_space<hbm>> -> memref<6272x16xf32, #tpu.memory_space<hbm>>
      %dma_start3A_33 = arith.constant 0 : i32
      %dma_start3A_34 = tpu.memref_slice %arg8[%multiple_of3A, %dma_start3A_33] : memref<100352x16xf32, #tpu.memory_space<vmem_shared>> -> memref<6272x16xf32, #tpu.memory_space<vmem_shared>>
      tpu.enqueue_dma source(%dma_start3A_34 : memref<6272x16xf32, #tpu.memory_space<vmem_shared>>) target(%dma_start3A_32 : memref<6272x16xf32, #tpu.memory_space<hbm>>) target_semaphore(%run_scoped3A : memref<!tpu.dma_semaphore, #tpu.memory_space<semaphore_mem>>)
      %dma_wait3A = arith.constant 0 : i32
      %dma_wait3A_35 = tpu.memref_slice %arg4[%arg0, %multiple_of3A, %dma_wait3A] : memref<2x100352x16xf32, #tpu.memory_space<hbm>> -> memref<1x6272x16xf32, #tpu.memory_space<hbm>>
      %dma_wait3A_36 = tpu.memref_squeeze %dma_wait3A_35 : memref<1x6272x16xf32, #tpu.memory_space<hbm>> -> memref<6272x16xf32, #tpu.memory_space<hbm>>
      %dma_wait3A_37 = arith.constant 0 : i32
      %dma_wait3A_38 = tpu.memref_slice %arg8[%multiple_of3A, %dma_wait3A_37] : memref<100352x16xf32, #tpu.memory_space<vmem_shared>> -> memref<6272x16xf32, #tpu.memory_space<vmem_shared>>
      tpu.wait_dma2 semaphore(%run_scoped3A : memref<!tpu.dma_semaphore, #tpu.memory_space<semaphore_mem>>) src(%dma_wait3A_38 : memref<6272x16xf32, #tpu.memory_space<vmem_shared>>) dst(%dma_wait3A_36 : memref<6272x16xf32, #tpu.memory_space<hbm>>)
      tpu.yield
    }) : () -> ()
    return
  }
}

#map = affine_map<(d0, d1) -> (0, 0)>
#map1 = affine_map<(d0, d1) -> (0)>
module attributes {stable_mosaic.version = 14 : i64} {
  func.func @k(%arg0: i32, %arg1: i32, %arg2: memref<401408x32xbf16, #tpu.memory_space<hbm>>, %arg3: memref<6488064xi32, #tpu.memory_space<hbm>>, %arg4: memref<3244032xi32, #tpu.memory_space<hbm>>, %arg5: memref<100352x32xbf16, #tpu.memory_space<hbm>>, %arg6: memref<100352x128xbf16, #tpu.memory_space<hbm>>, %arg7: memref<1536xi32, #tpu.memory_space<vmem>>, %arg8: memref<1536xi32, #tpu.memory_space<vmem>>, %arg9: memref<1536x32xbf16, #tpu.memory_space<vmem>>, %arg10: memref<100352x32xbf16, #tpu.memory_space<vmem_shared>>) attributes {dimension_semantics = [#tpu.dimension_semantics<core_parallel>, #tpu.dimension_semantics<subcore_parallel>], iteration_bounds = array<i64: 2, 16>, scalar_prefetch = 0 : i64, scratch_operands = 4 : i64, tpu.core_type = #tpu.core_type<sc_vector_subcore>, window_params = [{transform_indices = #map}, {transform_indices = #map1}, {transform_indices = #map1}, {transform_indices = #map}, {transform_indices = #map}]} {
    %mul3A = arith.constant 6272 : i32
    %mul3A_0 = arith.muli %arg1, %mul3A : i32
    %multiple_of3A = tpu.assume_multiple %mul3A_0, 8 : i32
    %mul3A_1 = arith.constant 101376 : i32
    %mul3A_2 = arith.muli %arg1, %mul3A_1 : i32
    %multiple_of3A_3 = tpu.assume_multiple %mul3A_2, 128 : i32
    %mul3A_4 = arith.constant 2 : i32
    %mul3A_5 = arith.muli %arg0, %mul3A_4 : i32
    %add3A = arith.constant 0 : i32
    %add3A_6 = arith.addi %mul3A_5, %add3A : i32
    %mul3A_7 = arith.constant 32 : i32
    %mul3A_8 = arith.muli %add3A_6, %mul3A_7 : i32
    %multiple_of3A_9 = tpu.assume_multiple %mul3A_8, 32 : i32
    "tpu.region"() ({
      %run_scoped3A = tpu.sem_alloc : memref<!tpu.dma_semaphore, #tpu.memory_space<semaphore_mem>>
      %dma_start3A = arith.constant 0 : i32
      %dma_start3A_33 = tpu.memref_slice %arg10[%multiple_of3A, %dma_start3A] : memref<100352x32xbf16, #tpu.memory_space<vmem_shared>> -> memref<6272x32xbf16, #tpu.memory_space<vmem_shared>>
      %dma_start3A_34 = arith.constant 0 : i32
      %dma_start3A_35 = tpu.memref_slice %arg5[%multiple_of3A, %dma_start3A_34] : memref<100352x32xbf16, #tpu.memory_space<hbm>> -> memref<6272x32xbf16, #tpu.memory_space<hbm>>
      tpu.enqueue_dma source(%dma_start3A_35 : memref<6272x32xbf16, #tpu.memory_space<hbm>>) target(%dma_start3A_33 : memref<6272x32xbf16, #tpu.memory_space<vmem_shared>>) target_semaphore(%run_scoped3A : memref<!tpu.dma_semaphore, #tpu.memory_space<semaphore_mem>>)
      %dma_wait3A = arith.constant 0 : i32
      %dma_wait3A_36 = tpu.memref_slice %arg10[%multiple_of3A, %dma_wait3A] : memref<100352x32xbf16, #tpu.memory_space<vmem_shared>> -> memref<6272x32xbf16, #tpu.memory_space<vmem_shared>>
      %dma_wait3A_37 = arith.constant 0 : i32
      %dma_wait3A_38 = tpu.memref_slice %arg5[%multiple_of3A, %dma_wait3A_37] : memref<100352x32xbf16, #tpu.memory_space<hbm>> -> memref<6272x32xbf16, #tpu.memory_space<hbm>>
      tpu.wait_dma2 semaphore(%run_scoped3A : memref<!tpu.dma_semaphore, #tpu.memory_space<semaphore_mem>>) src(%dma_wait3A_38 : memref<6272x32xbf16, #tpu.memory_space<hbm>>) dst(%dma_wait3A_36 : memref<6272x32xbf16, #tpu.memory_space<vmem_shared>>)
      tpu.yield
    }) : () -> ()
    %barrier3A = arith.constant 0 : index
    tpu.barrier barrier_id(%barrier3A)
    %scan3A = arith.constant 0 : i32
    %scan3A_10 = arith.constant 0 : i32
    %scan3A_11 = arith.constant 66 : i32
    %scan3A_12 = arith.addi %scan3A_10, %scan3A_11 : i32
    %scan3A_13 = arith.constant 1 : i32
    %scan3A_14 = scf.for %scan3A_33 = %scan3A_10 to %scan3A_12 step %scan3A_13 iter_args(%scan3A_34 = %scan3A) -> (i32)  : i32 {
      %mul3A_35 = arith.constant 1536 : i32
      %mul3A_36 = arith.muli %scan3A_33, %mul3A_35 : i32
      %add3A_37 = arith.addi %multiple_of3A_3, %mul3A_36 : i32
      %multiple_of3A_38 = tpu.assume_multiple %add3A_37, 128 : i32
      %mul3A_39 = arith.constant 1622016 : i32
      %mul3A_40 = arith.muli %add3A_6, %mul3A_39 : i32
      %add3A_41 = arith.addi %mul3A_40, %multiple_of3A_38 : i32
      "tpu.region"() ({
        %run_scoped3A = tpu.sem_alloc : memref<!tpu.dma_semaphore, #tpu.memory_space<semaphore_mem>>
        %dma_start3A = tpu.memref_slice %arg3[%add3A_41] : memref<6488064xi32, #tpu.memory_space<hbm>> -> memref<1536xi32, #tpu.memory_space<hbm>>
        %dma_start3A_45 = tpu.memref_slice %arg3[%add3A_41] : memref<6488064xi32, #tpu.memory_space<hbm>> -> memref<1536xi32, #tpu.memory_space<hbm>>
        tpu.enqueue_dma source(%dma_start3A_45 : memref<1536xi32, #tpu.memory_space<hbm>>) target(%arg7 : memref<1536xi32, #tpu.memory_space<vmem>>) target_semaphore(%run_scoped3A : memref<!tpu.dma_semaphore, #tpu.memory_space<semaphore_mem>>)
        %dma_wait3A = tpu.memref_slice %arg3[%add3A_41] : memref<6488064xi32, #tpu.memory_space<hbm>> -> memref<1536xi32, #tpu.memory_space<hbm>>
        %dma_wait3A_46 = tpu.memref_slice %arg3[%add3A_41] : memref<6488064xi32, #tpu.memory_space<hbm>> -> memref<1536xi32, #tpu.memory_space<hbm>>
        tpu.wait_dma2 semaphore(%run_scoped3A : memref<!tpu.dma_semaphore, #tpu.memory_space<semaphore_mem>>) src(%dma_wait3A_46 : memref<1536xi32, #tpu.memory_space<hbm>>) dst(%arg7 : memref<1536xi32, #tpu.memory_space<vmem>>)
        tpu.yield
      }) : () -> ()
      %add3A_42 = arith.constant 1622016 : i32
      %add3A_43 = arith.addi %add3A_42, %multiple_of3A_38 : i32
      "tpu.region"() ({
        %run_scoped3A = tpu.sem_alloc : memref<!tpu.dma_semaphore, #tpu.memory_space<semaphore_mem>>
        %dma_start3A = tpu.memref_slice %arg4[%add3A_43] : memref<3244032xi32, #tpu.memory_space<hbm>> -> memref<1536xi32, #tpu.memory_space<hbm>>
        %dma_start3A_45 = tpu.memref_slice %arg4[%add3A_43] : memref<3244032xi32, #tpu.memory_space<hbm>> -> memref<1536xi32, #tpu.memory_space<hbm>>
        tpu.enqueue_dma source(%dma_start3A_45 : memref<1536xi32, #tpu.memory_space<hbm>>) target(%arg8 : memref<1536xi32, #tpu.memory_space<vmem>>) target_semaphore(%run_scoped3A : memref<!tpu.dma_semaphore, #tpu.memory_space<semaphore_mem>>)
        %dma_wait3A = tpu.memref_slice %arg4[%add3A_43] : memref<3244032xi32, #tpu.memory_space<hbm>> -> memref<1536xi32, #tpu.memory_space<hbm>>
        %dma_wait3A_46 = tpu.memref_slice %arg4[%add3A_43] : memref<3244032xi32, #tpu.memory_space<hbm>> -> memref<1536xi32, #tpu.memory_space<hbm>>
        tpu.wait_dma2 semaphore(%run_scoped3A : memref<!tpu.dma_semaphore, #tpu.memory_space<semaphore_mem>>) src(%dma_wait3A_46 : memref<1536xi32, #tpu.memory_space<hbm>>) dst(%arg8 : memref<1536xi32, #tpu.memory_space<vmem>>)
        tpu.yield
      }) : () -> ()
      "tpu.region"() ({
        %run_scoped3A = tpu.sem_alloc : memref<!tpu.dma_semaphore, #tpu.memory_space<semaphore_mem>>
        %dma_start3A = arith.constant 0 : i32
        %dma_start3A_45 = arith.constant 0 : i32
        %dma_start3A_46 = tpu.memref_slice %arg2[%dma_start3A, %dma_start3A_45] : memref<401408x32xbf16, #tpu.memory_space<hbm>> -> memref<401408x32xbf16, #tpu.memory_space<hbm>>
        tpu.enqueue_indirect_dma source(%dma_start3A_46 : memref<401408x32xbf16, #tpu.memory_space<hbm>>) target(%arg9 : memref<1536x32xbf16, #tpu.memory_space<vmem>>) offsets(%arg7 : memref<1536xi32, #tpu.memory_space<vmem>>) semaphore(%run_scoped3A : memref<!tpu.dma_semaphore, #tpu.memory_space<semaphore_mem>>)
        %dma_wait3A = arith.constant 0 : i32
        %dma_wait3A_47 = arith.constant 0 : i32
        %dma_wait3A_48 = tpu.memref_slice %arg2[%dma_wait3A, %dma_wait3A_47] : memref<401408x32xbf16, #tpu.memory_space<hbm>> -> memref<401408x32xbf16, #tpu.memory_space<hbm>>
        tpu.wait_indirect_dma semaphore(%run_scoped3A : memref<!tpu.dma_semaphore, #tpu.memory_space<semaphore_mem>>) src(%dma_wait3A_48 : memref<401408x32xbf16, #tpu.memory_space<hbm>>) dst(%arg9 : memref<1536x32xbf16, #tpu.memory_space<vmem>>)
        tpu.yield
      }) : () -> ()
      "tpu.region"() ({
        %run_scoped3A = tpu.sem_alloc : memref<!tpu.dma_semaphore, #tpu.memory_space<semaphore_mem>>
        %dma_start3A = arith.constant 0 : i32
        %dma_start3A_45 = arith.constant 0 : i32
        %dma_start3A_46 = tpu.memref_slice %arg10[%dma_start3A, %dma_start3A_45] : memref<100352x32xbf16, #tpu.memory_space<vmem_shared>> -> memref<100352x32xbf16, #tpu.memory_space<vmem_shared>>
        tpu.enqueue_indirect_dma source(%arg9 : memref<1536x32xbf16, #tpu.memory_space<vmem>>) target(%dma_start3A_46 : memref<100352x32xbf16, #tpu.memory_space<vmem_shared>>) offsets(%arg8 : memref<1536xi32, #tpu.memory_space<vmem>>) semaphore(%run_scoped3A : memref<!tpu.dma_semaphore, #tpu.memory_space<semaphore_mem>>) {add = true}
        %dma_wait3A = arith.constant 0 : i32
        %dma_wait3A_47 = arith.constant 0 : i32
        %dma_wait3A_48 = tpu.memref_slice %arg10[%dma_wait3A, %dma_wait3A_47] : memref<100352x32xbf16, #tpu.memory_space<vmem_shared>> -> memref<100352x32xbf16, #tpu.memory_space<vmem_shared>>
        tpu.wait_indirect_dma semaphore(%run_scoped3A : memref<!tpu.dma_semaphore, #tpu.memory_space<semaphore_mem>>) src(%arg9 : memref<1536x32xbf16, #tpu.memory_space<vmem>>) dst(%dma_wait3A_48 : memref<100352x32xbf16, #tpu.memory_space<vmem_shared>>)
        tpu.yield
      }) : () -> ()
      %scan3A_44 = arith.constant 0 : i32
      scf.yield %scan3A_44 : i32
    }
    %scan3A_15 = arith.constant 66 : i32
    %barrier3A_16 = arith.constant 0 : index
    tpu.barrier barrier_id(%barrier3A_16)
    "tpu.region"() ({
      %run_scoped3A = tpu.sem_alloc : memref<!tpu.dma_semaphore, #tpu.memory_space<semaphore_mem>>
      %dma_start3A = tpu.memref_slice %arg6[%multiple_of3A, %multiple_of3A_9] : memref<100352x128xbf16, #tpu.memory_space<hbm>> -> memref<6272x32xbf16, #tpu.memory_space<hbm>>
      %dma_start3A_33 = arith.constant 0 : i32
      %dma_start3A_34 = tpu.memref_slice %arg10[%multiple_of3A, %dma_start3A_33] : memref<100352x32xbf16, #tpu.memory_space<vmem_shared>> -> memref<6272x32xbf16, #tpu.memory_space<vmem_shared>>
      tpu.enqueue_dma source(%dma_start3A_34 : memref<6272x32xbf16, #tpu.memory_space<vmem_shared>>) target(%dma_start3A : memref<6272x32xbf16, #tpu.memory_space<hbm>>) target_semaphore(%run_scoped3A : memref<!tpu.dma_semaphore, #tpu.memory_space<semaphore_mem>>)
      %dma_wait3A = tpu.memref_slice %arg6[%multiple_of3A, %multiple_of3A_9] : memref<100352x128xbf16, #tpu.memory_space<hbm>> -> memref<6272x32xbf16, #tpu.memory_space<hbm>>
      %dma_wait3A_35 = arith.constant 0 : i32
      %dma_wait3A_36 = tpu.memref_slice %arg10[%multiple_of3A, %dma_wait3A_35] : memref<100352x32xbf16, #tpu.memory_space<vmem_shared>> -> memref<6272x32xbf16, #tpu.memory_space<vmem_shared>>
      tpu.wait_dma2 semaphore(%run_scoped3A : memref<!tpu.dma_semaphore, #tpu.memory_space<semaphore_mem>>) src(%dma_wait3A_36 : memref<6272x32xbf16, #tpu.memory_space<vmem_shared>>) dst(%dma_wait3A : memref<6272x32xbf16, #tpu.memory_space<hbm>>)
      tpu.yield
    }) : () -> ()
    %mul3A_17 = arith.constant 2 : i32
    %mul3A_18 = arith.muli %arg0, %mul3A_17 : i32
    %add3A_19 = arith.constant 1 : i32
    %add3A_20 = arith.addi %mul3A_18, %add3A_19 : i32
    %mul3A_21 = arith.constant 32 : i32
    %mul3A_22 = arith.muli %add3A_20, %mul3A_21 : i32
    %multiple_of3A_23 = tpu.assume_multiple %mul3A_22, 32 : i32
    "tpu.region"() ({
      %run_scoped3A = tpu.sem_alloc : memref<!tpu.dma_semaphore, #tpu.memory_space<semaphore_mem>>
      %dma_start3A = arith.constant 0 : i32
      %dma_start3A_33 = tpu.memref_slice %arg10[%multiple_of3A, %dma_start3A] : memref<100352x32xbf16, #tpu.memory_space<vmem_shared>> -> memref<6272x32xbf16, #tpu.memory_space<vmem_shared>>
      %dma_start3A_34 = arith.constant 0 : i32
      %dma_start3A_35 = tpu.memref_slice %arg5[%multiple_of3A, %dma_start3A_34] : memref<100352x32xbf16, #tpu.memory_space<hbm>> -> memref<6272x32xbf16, #tpu.memory_space<hbm>>
      tpu.enqueue_dma source(%dma_start3A_35 : memref<6272x32xbf16, #tpu.memory_space<hbm>>) target(%dma_start3A_33 : memref<6272x32xbf16, #tpu.memory_space<vmem_shared>>) target_semaphore(%run_scoped3A : memref<!tpu.dma_semaphore, #tpu.memory_space<semaphore_mem>>)
      %dma_wait3A = arith.constant 0 : i32
      %dma_wait3A_36 = tpu.memref_slice %arg10[%multiple_of3A, %dma_wait3A] : memref<100352x32xbf16, #tpu.memory_space<vmem_shared>> -> memref<6272x32xbf16, #tpu.memory_space<vmem_shared>>
      %dma_wait3A_37 = arith.constant 0 : i32
      %dma_wait3A_38 = tpu.memref_slice %arg5[%multiple_of3A, %dma_wait3A_37] : memref<100352x32xbf16, #tpu.memory_space<hbm>> -> memref<6272x32xbf16, #tpu.memory_space<hbm>>
      tpu.wait_dma2 semaphore(%run_scoped3A : memref<!tpu.dma_semaphore, #tpu.memory_space<semaphore_mem>>) src(%dma_wait3A_38 : memref<6272x32xbf16, #tpu.memory_space<hbm>>) dst(%dma_wait3A_36 : memref<6272x32xbf16, #tpu.memory_space<vmem_shared>>)
      tpu.yield
    }) : () -> ()
    %barrier3A_24 = arith.constant 0 : index
    tpu.barrier barrier_id(%barrier3A_24)
    %scan3A_25 = arith.constant 0 : i32
    %scan3A_26 = arith.constant 0 : i32
    %scan3A_27 = arith.constant 66 : i32
    %scan3A_28 = arith.addi %scan3A_26, %scan3A_27 : i32
    %scan3A_29 = arith.constant 1 : i32
    %scan3A_30 = scf.for %scan3A_33 = %scan3A_26 to %scan3A_28 step %scan3A_29 iter_args(%scan3A_34 = %scan3A_25) -> (i32)  : i32 {
      %mul3A_35 = arith.constant 1536 : i32
      %mul3A_36 = arith.muli %scan3A_33, %mul3A_35 : i32
      %add3A_37 = arith.addi %multiple_of3A_3, %mul3A_36 : i32
      %multiple_of3A_38 = tpu.assume_multiple %add3A_37, 128 : i32
      %mul3A_39 = arith.constant 1622016 : i32
      %mul3A_40 = arith.muli %add3A_20, %mul3A_39 : i32
      %add3A_41 = arith.addi %mul3A_40, %multiple_of3A_38 : i32
      "tpu.region"() ({
        %run_scoped3A = tpu.sem_alloc : memref<!tpu.dma_semaphore, #tpu.memory_space<semaphore_mem>>
        %dma_start3A = tpu.memref_slice %arg3[%add3A_41] : memref<6488064xi32, #tpu.memory_space<hbm>> -> memref<1536xi32, #tpu.memory_space<hbm>>
        %dma_start3A_45 = tpu.memref_slice %arg3[%add3A_41] : memref<6488064xi32, #tpu.memory_space<hbm>> -> memref<1536xi32, #tpu.memory_space<hbm>>
        tpu.enqueue_dma source(%dma_start3A_45 : memref<1536xi32, #tpu.memory_space<hbm>>) target(%arg7 : memref<1536xi32, #tpu.memory_space<vmem>>) target_semaphore(%run_scoped3A : memref<!tpu.dma_semaphore, #tpu.memory_space<semaphore_mem>>)
        %dma_wait3A = tpu.memref_slice %arg3[%add3A_41] : memref<6488064xi32, #tpu.memory_space<hbm>> -> memref<1536xi32, #tpu.memory_space<hbm>>
        %dma_wait3A_46 = tpu.memref_slice %arg3[%add3A_41] : memref<6488064xi32, #tpu.memory_space<hbm>> -> memref<1536xi32, #tpu.memory_space<hbm>>
        tpu.wait_dma2 semaphore(%run_scoped3A : memref<!tpu.dma_semaphore, #tpu.memory_space<semaphore_mem>>) src(%dma_wait3A_46 : memref<1536xi32, #tpu.memory_space<hbm>>) dst(%arg7 : memref<1536xi32, #tpu.memory_space<vmem>>)
        tpu.yield
      }) : () -> ()
      %add3A_42 = arith.constant 1622016 : i32
      %add3A_43 = arith.addi %add3A_42, %multiple_of3A_38 : i32
      "tpu.region"() ({
        %run_scoped3A = tpu.sem_alloc : memref<!tpu.dma_semaphore, #tpu.memory_space<semaphore_mem>>
        %dma_start3A = tpu.memref_slice %arg4[%add3A_43] : memref<3244032xi32, #tpu.memory_space<hbm>> -> memref<1536xi32, #tpu.memory_space<hbm>>
        %dma_start3A_45 = tpu.memref_slice %arg4[%add3A_43] : memref<3244032xi32, #tpu.memory_space<hbm>> -> memref<1536xi32, #tpu.memory_space<hbm>>
        tpu.enqueue_dma source(%dma_start3A_45 : memref<1536xi32, #tpu.memory_space<hbm>>) target(%arg8 : memref<1536xi32, #tpu.memory_space<vmem>>) target_semaphore(%run_scoped3A : memref<!tpu.dma_semaphore, #tpu.memory_space<semaphore_mem>>)
        %dma_wait3A = tpu.memref_slice %arg4[%add3A_43] : memref<3244032xi32, #tpu.memory_space<hbm>> -> memref<1536xi32, #tpu.memory_space<hbm>>
        %dma_wait3A_46 = tpu.memref_slice %arg4[%add3A_43] : memref<3244032xi32, #tpu.memory_space<hbm>> -> memref<1536xi32, #tpu.memory_space<hbm>>
        tpu.wait_dma2 semaphore(%run_scoped3A : memref<!tpu.dma_semaphore, #tpu.memory_space<semaphore_mem>>) src(%dma_wait3A_46 : memref<1536xi32, #tpu.memory_space<hbm>>) dst(%arg8 : memref<1536xi32, #tpu.memory_space<vmem>>)
        tpu.yield
      }) : () -> ()
      "tpu.region"() ({
        %run_scoped3A = tpu.sem_alloc : memref<!tpu.dma_semaphore, #tpu.memory_space<semaphore_mem>>
        %dma_start3A = arith.constant 0 : i32
        %dma_start3A_45 = arith.constant 0 : i32
        %dma_start3A_46 = tpu.memref_slice %arg2[%dma_start3A, %dma_start3A_45] : memref<401408x32xbf16, #tpu.memory_space<hbm>> -> memref<401408x32xbf16, #tpu.memory_space<hbm>>
        tpu.enqueue_indirect_dma source(%dma_start3A_46 : memref<401408x32xbf16, #tpu.memory_space<hbm>>) target(%arg9 : memref<1536x32xbf16, #tpu.memory_space<vmem>>) offsets(%arg7 : memref<1536xi32, #tpu.memory_space<vmem>>) semaphore(%run_scoped3A : memref<!tpu.dma_semaphore, #tpu.memory_space<semaphore_mem>>)
        %dma_wait3A = arith.constant 0 : i32
        %dma_wait3A_47 = arith.constant 0 : i32
        %dma_wait3A_48 = tpu.memref_slice %arg2[%dma_wait3A, %dma_wait3A_47] : memref<401408x32xbf16, #tpu.memory_space<hbm>> -> memref<401408x32xbf16, #tpu.memory_space<hbm>>
        tpu.wait_indirect_dma semaphore(%run_scoped3A : memref<!tpu.dma_semaphore, #tpu.memory_space<semaphore_mem>>) src(%dma_wait3A_48 : memref<401408x32xbf16, #tpu.memory_space<hbm>>) dst(%arg9 : memref<1536x32xbf16, #tpu.memory_space<vmem>>)
        tpu.yield
      }) : () -> ()
      "tpu.region"() ({
        %run_scoped3A = tpu.sem_alloc : memref<!tpu.dma_semaphore, #tpu.memory_space<semaphore_mem>>
        %dma_start3A = arith.constant 0 : i32
        %dma_start3A_45 = arith.constant 0 : i32
        %dma_start3A_46 = tpu.memref_slice %arg10[%dma_start3A, %dma_start3A_45] : memref<100352x32xbf16, #tpu.memory_space<vmem_shared>> -> memref<100352x32xbf16, #tpu.memory_space<vmem_shared>>
        tpu.enqueue_indirect_dma source(%arg9 : memref<1536x32xbf16, #tpu.memory_space<vmem>>) target(%dma_start3A_46 : memref<100352x32xbf16, #tpu.memory_space<vmem_shared>>) offsets(%arg8 : memref<1536xi32, #tpu.memory_space<vmem>>) semaphore(%run_scoped3A : memref<!tpu.dma_semaphore, #tpu.memory_space<semaphore_mem>>) {add = true}
        %dma_wait3A = arith.constant 0 : i32
        %dma_wait3A_47 = arith.constant 0 : i32
        %dma_wait3A_48 = tpu.memref_slice %arg10[%dma_wait3A, %dma_wait3A_47] : memref<100352x32xbf16, #tpu.memory_space<vmem_shared>> -> memref<100352x32xbf16, #tpu.memory_space<vmem_shared>>
        tpu.wait_indirect_dma semaphore(%run_scoped3A : memref<!tpu.dma_semaphore, #tpu.memory_space<semaphore_mem>>) src(%arg9 : memref<1536x32xbf16, #tpu.memory_space<vmem>>) dst(%dma_wait3A_48 : memref<100352x32xbf16, #tpu.memory_space<vmem_shared>>)
        tpu.yield
      }) : () -> ()
      %scan3A_44 = arith.constant 0 : i32
      scf.yield %scan3A_44 : i32
    }
    %scan3A_31 = arith.constant 66 : i32
    %barrier3A_32 = arith.constant 0 : index
    tpu.barrier barrier_id(%barrier3A_32)
    "tpu.region"() ({
      %run_scoped3A = tpu.sem_alloc : memref<!tpu.dma_semaphore, #tpu.memory_space<semaphore_mem>>
      %dma_start3A = tpu.memref_slice %arg6[%multiple_of3A, %multiple_of3A_23] : memref<100352x128xbf16, #tpu.memory_space<hbm>> -> memref<6272x32xbf16, #tpu.memory_space<hbm>>
      %dma_start3A_33 = arith.constant 0 : i32
      %dma_start3A_34 = tpu.memref_slice %arg10[%multiple_of3A, %dma_start3A_33] : memref<100352x32xbf16, #tpu.memory_space<vmem_shared>> -> memref<6272x32xbf16, #tpu.memory_space<vmem_shared>>
      tpu.enqueue_dma source(%dma_start3A_34 : memref<6272x32xbf16, #tpu.memory_space<vmem_shared>>) target(%dma_start3A : memref<6272x32xbf16, #tpu.memory_space<hbm>>) target_semaphore(%run_scoped3A : memref<!tpu.dma_semaphore, #tpu.memory_space<semaphore_mem>>)
      %dma_wait3A = tpu.memref_slice %arg6[%multiple_of3A, %multiple_of3A_23] : memref<100352x128xbf16, #tpu.memory_space<hbm>> -> memref<6272x32xbf16, #tpu.memory_space<hbm>>
      %dma_wait3A_35 = arith.constant 0 : i32
      %dma_wait3A_36 = tpu.memref_slice %arg10[%multiple_of3A, %dma_wait3A_35] : memref<100352x32xbf16, #tpu.memory_space<vmem_shared>> -> memref<6272x32xbf16, #tpu.memory_space<vmem_shared>>
      tpu.wait_dma2 semaphore(%run_scoped3A : memref<!tpu.dma_semaphore, #tpu.memory_space<semaphore_mem>>) src(%dma_wait3A_36 : memref<6272x32xbf16, #tpu.memory_space<vmem_shared>>) dst(%dma_wait3A : memref<6272x32xbf16, #tpu.memory_space<hbm>>)
      tpu.yield
    }) : () -> ()
    return
  }
}

module attributes {stable_mosaic.version = 14 : i64} {
  func.func @body(%arg0: i32, %arg1: memref<1024x16xf32, #tpu.memory_space<vmem>>, %arg2: memref<1024x1xf32, #tpu.memory_space<vmem>>, %arg3: memref<1024x16xf32, #tpu.memory_space<vmem>>) attributes {dimension_semantics = [#tpu.dimension_semantics<arbitrary>], iteration_bounds = array<i64: 98>, scalar_prefetch = 0 : i64, scratch_operands = 0 : i64, tpu.core_type = #tpu.core_type<tc>, window_params = [{transform_indices = @transform_0, window_bounds = array<i64: 1024, 16>}, {transform_indices = @transform_1, window_bounds = array<i64: 1024, 1>}, {transform_indices = @transform_2, window_bounds = array<i64: 1024, 16>}]} {
    %get3A = arith.constant 0 : index
    %get3A_0 = arith.constant 0 : index
    %get3A_1 = vector.load %arg1[%get3A, %get3A_0] : memref<1024x16xf32, #tpu.memory_space<vmem>>, vector<1024x16xf32>
    %get3A_2 = arith.constant 0 : index
    %get3A_3 = arith.constant 0 : index
    %get3A_4 = vector.load %arg2[%get3A_2, %get3A_3] : memref<1024x1xf32, #tpu.memory_space<vmem>>, vector<1024x1xf32>
    %max3A = arith.constant 1.000000e+00 : f32
    %max3A_5 = vector.broadcast %max3A : f32 to vector<1024x1xf32>
    %max3A_6 = arith.maximumf %get3A_4, %max3A_5 : vector<1024x1xf32>
    %rsqrt3A = math.rsqrt %max3A_6 : vector<1024x1xf32>
    %mul3A = vector.broadcast %rsqrt3A : vector<1024x1xf32> to vector<1024x16xf32>
    %mul3A_7 = arith.mulf %get3A_1, %mul3A : vector<1024x16xf32>
    %swap3A = arith.constant 0 : index
    %swap3A_8 = arith.constant 0 : index
    %swap3A_9 = vector.load %arg3[%swap3A, %swap3A_8] : memref<1024x16xf32, #tpu.memory_space<vmem>>, vector<1024x16xf32>
    tpu.vector_store %arg3[%swap3A, %swap3A_8], %mul3A_7 {strides = array<i32>} : memref<1024x16xf32, #tpu.memory_space<vmem>>, vector<1024x16xf32>,
    return
  }
  func.func @transform_0(%arg0: i32) -> (i32, i32) {
    %c0_i32 = arith.constant 0 : i32
    %c0_i32_0 = arith.constant 0 : i32
    return %arg0, %c0_i32 : i32, i32
  }
  func.func @transform_1(%arg0: i32) -> (i32, i32) {
    %c0_i32 = arith.constant 0 : i32
    %c0_i32_0 = arith.constant 0 : i32
    return %arg0, %c0_i32 : i32, i32
  }
  func.func @transform_2(%arg0: i32) -> (i32, i32) {
    %c0_i32 = arith.constant 0 : i32
    %c0_i32_0 = arith.constant 0 : i32
    return %arg0, %c0_i32 : i32, i32
  }
}

module attributes {stable_mosaic.version = 14 : i64} {
  func.func @body(%arg0: i32, %arg1: memref<2x1024x16xf32, #tpu.memory_space<vmem>>, %arg2: memref<1024x1xf32, #tpu.memory_space<vmem>>, %arg3: memref<1024x1xf32, #tpu.memory_space<vmem>>, %arg4: memref<16x128xf32, #tpu.memory_space<vmem>>, %arg5: memref<1x128xf32, #tpu.memory_space<vmem>>, %arg6: memref<1024x128xbf16, #tpu.memory_space<vmem>>) attributes {dimension_semantics = [#tpu.dimension_semantics<arbitrary>], iteration_bounds = array<i64: 98>, scalar_prefetch = 0 : i64, scratch_operands = 0 : i64, tpu.core_type = #tpu.core_type<tc>, window_params = [{transform_indices = @transform_0, window_bounds = array<i64: 2, 1024, 16>}, {transform_indices = @transform_1, window_bounds = array<i64: 1024, 1>}, {transform_indices = @transform_2, window_bounds = array<i64: 1024, 1>}, {pipeline_mode = #tpu.pipeline_mode<synchronous>, transform_indices = @transform_3, window_bounds = array<i64: 16, 128>}, {pipeline_mode = #tpu.pipeline_mode<synchronous>, transform_indices = @transform_4, window_bounds = array<i64: 1, 128>}, {transform_indices = @transform_5, window_bounds = array<i64: 1024, 128>}]} {
    %get3A = arith.constant 0 : index
    %get3A_0 = arith.constant 0 : index
    %get3A_1 = arith.constant 0 : index
    %get3A_2 = vector.load %arg1[%get3A, %get3A_0, %get3A_1] : memref<2x1024x16xf32, #tpu.memory_space<vmem>>, vector<1x1024x16xf32>
    %get3A_3 = vector.shape_cast %get3A_2 : vector<1x1024x16xf32> to vector<1024x16xf32>
    %get3A_4 = arith.constant 1 : index
    %get3A_5 = arith.constant 0 : index
    %get3A_6 = arith.constant 0 : index
    %get3A_7 = vector.load %arg1[%get3A_4, %get3A_5, %get3A_6] : memref<2x1024x16xf32, #tpu.memory_space<vmem>>, vector<1x1024x16xf32>
    %get3A_8 = vector.shape_cast %get3A_7 : vector<1x1024x16xf32> to vector<1024x16xf32>
    %add3A = arith.addf %get3A_3, %get3A_8 : vector<1024x16xf32>
    %get3A_9 = arith.constant 0 : index
    %get3A_10 = arith.constant 0 : index
    %get3A_11 = vector.load %arg2[%get3A_9, %get3A_10] : memref<1024x1xf32, #tpu.memory_space<vmem>>, vector<1024x1xf32>
    %max3A = arith.constant 1.000000e+00 : f32
    %max3A_12 = vector.broadcast %max3A : f32 to vector<1024x1xf32>
    %max3A_13 = arith.maximumf %get3A_11, %max3A_12 : vector<1024x1xf32>
    %rsqrt3A = math.rsqrt %max3A_13 : vector<1024x1xf32>
    %mul3A = vector.broadcast %rsqrt3A : vector<1024x1xf32> to vector<1024x16xf32>
    %mul3A_14 = arith.mulf %add3A, %mul3A : vector<1024x16xf32>
    %get3A_15 = arith.constant 0 : index
    %get3A_16 = arith.constant 0 : index
    %get3A_17 = vector.load %arg4[%get3A_15, %get3A_16] : memref<16x128xf32, #tpu.memory_space<vmem>>, vector<16x128xf32>
    %dot_general3A = arith.constant dense<0.000000e+00> : vector<1024x128xf32>
    %dot_general3A_18 = tpu.matmul %mul3A_14, %get3A_17, %dot_general3A {dimension_numbers = #tpu.dot_dimension_numbers<[1], [0], [0], [1], [0, 0, 1, 1], [], []>, transpose_lhs_hint = false} : vector<1024x16xf32>, vector<16x128xf32>, vector<1024x128xf32> -> vector<1024x128xf32>
    %get3A_19 = arith.constant 0 : index
    %get3A_20 = arith.constant 0 : index
    %get3A_21 = vector.load %arg5[%get3A_19, %get3A_20] : memref<1x128xf32, #tpu.memory_space<vmem>>, vector<1x128xf32>
    %add3A_22 = vector.broadcast %get3A_21 : vector<1x128xf32> to vector<1024x128xf32>
    %add3A_23 = arith.addf %dot_general3A_18, %add3A_22 : vector<1024x128xf32>
    %ge3A = arith.constant 0.000000e+00 : f32
    %ge3A_24 = vector.broadcast %ge3A : f32 to vector<1024x128xf32>
    %ge3A_25 = arith.cmpf oge, %add3A_23, %ge3A_24 : vector<1024x128xf32>
    %mul3A_26 = arith.constant 0.00999999977 : f32
    %mul3A_27 = vector.broadcast %mul3A_26 : f32 to vector<1024x128xf32>
    %mul3A_28 = arith.mulf %mul3A_27, %add3A_23 : vector<1024x128xf32>
    %select_n3A = arith.select %ge3A_25, %add3A_23, %mul3A_28 : vector<1024x128xi1>, vector<1024x128xf32>
    %get3A_29 = arith.constant 0 : index
    %get3A_30 = arith.constant 0 : index
    %get3A_31 = vector.load %arg3[%get3A_29, %get3A_30] : memref<1024x1xf32, #tpu.memory_space<vmem>>, vector<1024x1xf32>
    %max3A_32 = arith.constant 1.000000e+00 : f32
    %max3A_33 = vector.broadcast %max3A_32 : f32 to vector<1024x1xf32>
    %max3A_34 = arith.maximumf %get3A_31, %max3A_33 : vector<1024x1xf32>
    %rsqrt3A_35 = math.rsqrt %max3A_34 : vector<1024x1xf32>
    %mul3A_36 = vector.broadcast %rsqrt3A_35 : vector<1024x1xf32> to vector<1024x128xf32>
    %mul3A_37 = arith.mulf %select_n3A, %mul3A_36 : vector<1024x128xf32>
    %convert_element_type3A = arith.truncf %mul3A_37 : vector<1024x128xf32> to vector<1024x128xbf16>
    %swap3A = arith.constant 0 : index
    %swap3A_38 = arith.constant 0 : index
    %swap3A_39 = vector.load %arg6[%swap3A, %swap3A_38] : memref<1024x128xbf16, #tpu.memory_space<vmem>>, vector<1024x128xbf16>
    tpu.vector_store %arg6[%swap3A, %swap3A_38], %convert_element_type3A {strides = array<i32>} : memref<1024x128xbf16, #tpu.memory_space<vmem>>, vector<1024x128xbf16>,
    return
  }
  func.func @transform_0(%arg0: i32) -> (i32, i32, i32) {
    %c0_i32 = arith.constant 0 : i32
    %c0_i32_0 = arith.constant 0 : i32
    %c0_i32_1 = arith.constant 0 : i32
    return %c0_i32, %arg0, %c0_i32_0 : i32, i32, i32
  }
  func.func @transform_1(%arg0: i32) -> (i32, i32) {
    %c0_i32 = arith.constant 0 : i32
    %c0_i32_0 = arith.constant 0 : i32
    return %arg0, %c0_i32 : i32, i32
  }
  func.func @transform_2(%arg0: i32) -> (i32, i32) {
    %c0_i32 = arith.constant 0 : i32
    %c0_i32_0 = arith.constant 0 : i32
    return %arg0, %c0_i32 : i32, i32
  }
  func.func @transform_3(%arg0: i32) -> (i32, i32) {
    %c0_i32 = arith.constant 0 : i32
    %c0_i32_0 = arith.constant 0 : i32
    %c0_i32_1 = arith.constant 0 : i32
    return %c0_i32, %c0_i32_0 : i32, i32
  }
  func.func @transform_4(%arg0: i32) -> (i32, i32) {
    %c0_i32 = arith.constant 0 : i32
    %c0_i32_0 = arith.constant 0 : i32
    %c0_i32_1 = arith.constant 0 : i32
    return %c0_i32, %c0_i32_0 : i32, i32
  }
  func.func @transform_5(%arg0: i32) -> (i32, i32) {
    %c0_i32 = arith.constant 0 : i32
    %c0_i32_0 = arith.constant 0 : i32
    return %arg0, %c0_i32 : i32, i32
  }
}

module attributes {stable_mosaic.version = 14 : i64} {
  func.func @body(%arg0: i32, %arg1: memref<1024x128xbf16, #tpu.memory_space<vmem>>, %arg2: memref<1024x1xf32, #tpu.memory_space<vmem>>, %arg3: memref<1024x1xf32, #tpu.memory_space<vmem>>, %arg4: memref<128x128xf32, #tpu.memory_space<vmem>>, %arg5: memref<1x128xf32, #tpu.memory_space<vmem>>, %arg6: memref<1024x128xbf16, #tpu.memory_space<vmem>>) attributes {dimension_semantics = [#tpu.dimension_semantics<arbitrary>], iteration_bounds = array<i64: 98>, scalar_prefetch = 0 : i64, scratch_operands = 0 : i64, tpu.core_type = #tpu.core_type<tc>, window_params = [{transform_indices = @transform_0, window_bounds = array<i64: 1024, 128>}, {transform_indices = @transform_1, window_bounds = array<i64: 1024, 1>}, {transform_indices = @transform_2, window_bounds = array<i64: 1024, 1>}, {pipeline_mode = #tpu.pipeline_mode<synchronous>, transform_indices = @transform_3, window_bounds = array<i64: 128, 128>}, {pipeline_mode = #tpu.pipeline_mode<synchronous>, transform_indices = @transform_4, window_bounds = array<i64: 1, 128>}, {transform_indices = @transform_5, window_bounds = array<i64: 1024, 128>}]} {
    %get3A = arith.constant 0 : index
    %get3A_0 = arith.constant 0 : index
    %get3A_1 = vector.load %arg1[%get3A, %get3A_0] : memref<1024x128xbf16, #tpu.memory_space<vmem>>, vector<1024x128xbf16>
    %convert_element_type3A = arith.extf %get3A_1 : vector<1024x128xbf16> to vector<1024x128xf32>
    %get3A_2 = arith.constant 0 : index
    %get3A_3 = arith.constant 0 : index
    %get3A_4 = vector.load %arg2[%get3A_2, %get3A_3] : memref<1024x1xf32, #tpu.memory_space<vmem>>, vector<1024x1xf32>
    %max3A = arith.constant 1.000000e+00 : f32
    %max3A_5 = vector.broadcast %max3A : f32 to vector<1024x1xf32>
    %max3A_6 = arith.maximumf %get3A_4, %max3A_5 : vector<1024x1xf32>
    %rsqrt3A = math.rsqrt %max3A_6 : vector<1024x1xf32>
    %mul3A = vector.broadcast %rsqrt3A : vector<1024x1xf32> to vector<1024x128xf32>
    %mul3A_7 = arith.mulf %convert_element_type3A, %mul3A : vector<1024x128xf32>
    %get3A_8 = arith.constant 0 : index
    %get3A_9 = arith.constant 0 : index
    %get3A_10 = vector.load %arg4[%get3A_8, %get3A_9] : memref<128x128xf32, #tpu.memory_space<vmem>>, vector<128x128xf32>
    %dot_general3A = arith.constant dense<0.000000e+00> : vector<1024x128xf32>
    %dot_general3A_11 = tpu.matmul %mul3A_7, %get3A_10, %dot_general3A {dimension_numbers = #tpu.dot_dimension_numbers<[1], [0], [0], [1], [0, 0, 1, 1], [], []>, transpose_lhs_hint = false} : vector<1024x128xf32>, vector<128x128xf32>, vector<1024x128xf32> -> vector<1024x128xf32>
    %get3A_12 = arith.constant 0 : index
    %get3A_13 = arith.constant 0 : index
    %get3A_14 = vector.load %arg5[%get3A_12, %get3A_13] : memref<1x128xf32, #tpu.memory_space<vmem>>, vector<1x128xf32>
    %add3A = vector.broadcast %get3A_14 : vector<1x128xf32> to vector<1024x128xf32>
    %add3A_15 = arith.addf %dot_general3A_11, %add3A : vector<1024x128xf32>
    %ge3A = arith.constant 0.000000e+00 : f32
    %ge3A_16 = vector.broadcast %ge3A : f32 to vector<1024x128xf32>
    %ge3A_17 = arith.cmpf oge, %add3A_15, %ge3A_16 : vector<1024x128xf32>
    %mul3A_18 = arith.constant 0.00999999977 : f32
    %mul3A_19 = vector.broadcast %mul3A_18 : f32 to vector<1024x128xf32>
    %mul3A_20 = arith.mulf %mul3A_19, %add3A_15 : vector<1024x128xf32>
    %select_n3A = arith.select %ge3A_17, %add3A_15, %mul3A_20 : vector<1024x128xi1>, vector<1024x128xf32>
    %get3A_21 = arith.constant 0 : index
    %get3A_22 = arith.constant 0 : index
    %get3A_23 = vector.load %arg3[%get3A_21, %get3A_22] : memref<1024x1xf32, #tpu.memory_space<vmem>>, vector<1024x1xf32>
    %max3A_24 = arith.constant 1.000000e+00 : f32
    %max3A_25 = vector.broadcast %max3A_24 : f32 to vector<1024x1xf32>
    %max3A_26 = arith.maximumf %get3A_23, %max3A_25 : vector<1024x1xf32>
    %rsqrt3A_27 = math.rsqrt %max3A_26 : vector<1024x1xf32>
    %mul3A_28 = vector.broadcast %rsqrt3A_27 : vector<1024x1xf32> to vector<1024x128xf32>
    %mul3A_29 = arith.mulf %select_n3A, %mul3A_28 : vector<1024x128xf32>
    %convert_element_type3A_30 = arith.truncf %mul3A_29 : vector<1024x128xf32> to vector<1024x128xbf16>
    %swap3A = arith.constant 0 : index
    %swap3A_31 = arith.constant 0 : index
    %swap3A_32 = vector.load %arg6[%swap3A, %swap3A_31] : memref<1024x128xbf16, #tpu.memory_space<vmem>>, vector<1024x128xbf16>
    tpu.vector_store %arg6[%swap3A, %swap3A_31], %convert_element_type3A_30 {strides = array<i32>} : memref<1024x128xbf16, #tpu.memory_space<vmem>>, vector<1024x128xbf16>,
    return
  }
  func.func @transform_0(%arg0: i32) -> (i32, i32) {
    %c0_i32 = arith.constant 0 : i32
    %c0_i32_0 = arith.constant 0 : i32
    return %arg0, %c0_i32 : i32, i32
  }
  func.func @transform_1(%arg0: i32) -> (i32, i32) {
    %c0_i32 = arith.constant 0 : i32
    %c0_i32_0 = arith.constant 0 : i32
    return %arg0, %c0_i32 : i32, i32
  }
  func.func @transform_2(%arg0: i32) -> (i32, i32) {
    %c0_i32 = arith.constant 0 : i32
    %c0_i32_0 = arith.constant 0 : i32
    return %arg0, %c0_i32 : i32, i32
  }
  func.func @transform_3(%arg0: i32) -> (i32, i32) {
    %c0_i32 = arith.constant 0 : i32
    %c0_i32_0 = arith.constant 0 : i32
    %c0_i32_1 = arith.constant 0 : i32
    return %c0_i32, %c0_i32_0 : i32, i32
  }
  func.func @transform_4(%arg0: i32) -> (i32, i32) {
    %c0_i32 = arith.constant 0 : i32
    %c0_i32_0 = arith.constant 0 : i32
    %c0_i32_1 = arith.constant 0 : i32
    return %c0_i32, %c0_i32_0 : i32, i32
  }
  func.func @transform_5(%arg0: i32) -> (i32, i32) {
    %c0_i32 = arith.constant 0 : i32
    %c0_i32_0 = arith.constant 0 : i32
    return %arg0, %c0_i32 : i32, i32
  }
}

module attributes {stable_mosaic.version = 14 : i64} {
  func.func @body(%arg0: i32, %arg1: memref<1024x128xbf16, #tpu.memory_space<vmem>>, %arg2: memref<1024x1xf32, #tpu.memory_space<vmem>>, %arg3: memref<1024x1xf32, #tpu.memory_space<vmem>>, %arg4: memref<128x128xf32, #tpu.memory_space<vmem>>, %arg5: memref<1x128xf32, #tpu.memory_space<vmem>>, %arg6: memref<128x16xf32, #tpu.memory_space<vmem>>, %arg7: memref<1024x16xf32, #tpu.memory_space<vmem>>) attributes {dimension_semantics = [#tpu.dimension_semantics<arbitrary>], iteration_bounds = array<i64: 98>, scalar_prefetch = 0 : i64, scratch_operands = 0 : i64, tpu.core_type = #tpu.core_type<tc>, window_params = [{transform_indices = @transform_0, window_bounds = array<i64: 1024, 128>}, {transform_indices = @transform_1, window_bounds = array<i64: 1024, 1>}, {transform_indices = @transform_2, window_bounds = array<i64: 1024, 1>}, {pipeline_mode = #tpu.pipeline_mode<synchronous>, transform_indices = @transform_3, window_bounds = array<i64: 128, 128>}, {pipeline_mode = #tpu.pipeline_mode<synchronous>, transform_indices = @transform_4, window_bounds = array<i64: 1, 128>}, {pipeline_mode = #tpu.pipeline_mode<synchronous>, transform_indices = @transform_5, window_bounds = array<i64: 128, 16>}, {transform_indices = @transform_6, window_bounds = array<i64: 1024, 16>}]} {
    %get3A = arith.constant 0 : index
    %get3A_0 = arith.constant 0 : index
    %get3A_1 = vector.load %arg1[%get3A, %get3A_0] : memref<1024x128xbf16, #tpu.memory_space<vmem>>, vector<1024x128xbf16>
    %convert_element_type3A = arith.extf %get3A_1 : vector<1024x128xbf16> to vector<1024x128xf32>
    %get3A_2 = arith.constant 0 : index
    %get3A_3 = arith.constant 0 : index
    %get3A_4 = vector.load %arg2[%get3A_2, %get3A_3] : memref<1024x1xf32, #tpu.memory_space<vmem>>, vector<1024x1xf32>
    %max3A = arith.constant 1.000000e+00 : f32
    %max3A_5 = vector.broadcast %max3A : f32 to vector<1024x1xf32>
    %max3A_6 = arith.maximumf %get3A_4, %max3A_5 : vector<1024x1xf32>
    %rsqrt3A = math.rsqrt %max3A_6 : vector<1024x1xf32>
    %mul3A = vector.broadcast %rsqrt3A : vector<1024x1xf32> to vector<1024x128xf32>
    %mul3A_7 = arith.mulf %convert_element_type3A, %mul3A : vector<1024x128xf32>
    %get3A_8 = arith.constant 0 : index
    %get3A_9 = arith.constant 0 : index
    %get3A_10 = vector.load %arg4[%get3A_8, %get3A_9] : memref<128x128xf32, #tpu.memory_space<vmem>>, vector<128x128xf32>
    %dot_general3A = arith.constant dense<0.000000e+00> : vector<1024x128xf32>
    %dot_general3A_11 = tpu.matmul %mul3A_7, %get3A_10, %dot_general3A {dimension_numbers = #tpu.dot_dimension_numbers<[1], [0], [0], [1], [0, 0, 1, 1], [], []>, transpose_lhs_hint = false} : vector<1024x128xf32>, vector<128x128xf32>, vector<1024x128xf32> -> vector<1024x128xf32>
    %get3A_12 = arith.constant 0 : index
    %get3A_13 = arith.constant 0 : index
    %get3A_14 = vector.load %arg5[%get3A_12, %get3A_13] : memref<1x128xf32, #tpu.memory_space<vmem>>, vector<1x128xf32>
    %add3A = vector.broadcast %get3A_14 : vector<1x128xf32> to vector<1024x128xf32>
    %add3A_15 = arith.addf %dot_general3A_11, %add3A : vector<1024x128xf32>
    %ge3A = arith.constant 0.000000e+00 : f32
    %ge3A_16 = vector.broadcast %ge3A : f32 to vector<1024x128xf32>
    %ge3A_17 = arith.cmpf oge, %add3A_15, %ge3A_16 : vector<1024x128xf32>
    %mul3A_18 = arith.constant 0.00999999977 : f32
    %mul3A_19 = vector.broadcast %mul3A_18 : f32 to vector<1024x128xf32>
    %mul3A_20 = arith.mulf %mul3A_19, %add3A_15 : vector<1024x128xf32>
    %select_n3A = arith.select %ge3A_17, %add3A_15, %mul3A_20 : vector<1024x128xi1>, vector<1024x128xf32>
    %get3A_21 = arith.constant 0 : index
    %get3A_22 = arith.constant 0 : index
    %get3A_23 = vector.load %arg3[%get3A_21, %get3A_22] : memref<1024x1xf32, #tpu.memory_space<vmem>>, vector<1024x1xf32>
    %max3A_24 = arith.constant 1.000000e+00 : f32
    %max3A_25 = vector.broadcast %max3A_24 : f32 to vector<1024x1xf32>
    %max3A_26 = arith.maximumf %get3A_23, %max3A_25 : vector<1024x1xf32>
    %rsqrt3A_27 = math.rsqrt %max3A_26 : vector<1024x1xf32>
    %mul3A_28 = vector.broadcast %rsqrt3A_27 : vector<1024x1xf32> to vector<1024x128xf32>
    %mul3A_29 = arith.mulf %select_n3A, %mul3A_28 : vector<1024x128xf32>
    %get3A_30 = arith.constant 0 : index
    %get3A_31 = arith.constant 0 : index
    %get3A_32 = vector.load %arg6[%get3A_30, %get3A_31] : memref<128x16xf32, #tpu.memory_space<vmem>>, vector<128x16xf32>
    %dot_general3A_33 = arith.constant dense<0.000000e+00> : vector<1024x16xf32>
    %dot_general3A_34 = tpu.matmul %mul3A_29, %get3A_32, %dot_general3A_33 {dimension_numbers = #tpu.dot_dimension_numbers<[1], [0], [0], [1], [0, 0, 1, 1], [], []>, transpose_lhs_hint = false} : vector<1024x128xf32>, vector<128x16xf32>, vector<1024x16xf32> -> vector<1024x16xf32>
    %swap3A = arith.constant 0 : index
    %swap3A_35 = arith.constant 0 : index
    %swap3A_36 = vector.load %arg7[%swap3A, %swap3A_35] : memref<1024x16xf32, #tpu.memory_space<vmem>>, vector<1024x16xf32>
    tpu.vector_store %arg7[%swap3A, %swap3A_35], %dot_general3A_34 {strides = array<i32>} : memref<1024x16xf32, #tpu.memory_space<vmem>>, vector<1024x16xf32>,
    return
  }
  func.func @transform_0(%arg0: i32) -> (i32, i32) {
    %c0_i32 = arith.constant 0 : i32
    %c0_i32_0 = arith.constant 0 : i32
    return %arg0, %c0_i32 : i32, i32
  }
  func.func @transform_1(%arg0: i32) -> (i32, i32) {
    %c0_i32 = arith.constant 0 : i32
    %c0_i32_0 = arith.constant 0 : i32
    return %arg0, %c0_i32 : i32, i32
  }
  func.func @transform_2(%arg0: i32) -> (i32, i32) {
    %c0_i32 = arith.constant 0 : i32
    %c0_i32_0 = arith.constant 0 : i32
    return %arg0, %c0_i32 : i32, i32
  }
  func.func @transform_3(%arg0: i32) -> (i32, i32) {
    %c0_i32 = arith.constant 0 : i32
    %c0_i32_0 = arith.constant 0 : i32
    %c0_i32_1 = arith.constant 0 : i32
    return %c0_i32, %c0_i32_0 : i32, i32
  }
  func.func @transform_4(%arg0: i32) -> (i32, i32) {
    %c0_i32 = arith.constant 0 : i32
    %c0_i32_0 = arith.constant 0 : i32
    %c0_i32_1 = arith.constant 0 : i32
    return %c0_i32, %c0_i32_0 : i32, i32
  }
  func.func @transform_5(%arg0: i32) -> (i32, i32) {
    %c0_i32 = arith.constant 0 : i32
    %c0_i32_0 = arith.constant 0 : i32
    %c0_i32_1 = arith.constant 0 : i32
    return %c0_i32, %c0_i32_0 : i32, i32
  }
  func.func @transform_6(%arg0: i32) -> (i32, i32) {
    %c0_i32 = arith.constant 0 : i32
    %c0_i32_0 = arith.constant 0 : i32
    return %arg0, %c0_i32 : i32, i32
  }
}

module attributes {stable_mosaic.version = 14 : i64} {
  func.func @body(%arg0: i32, %arg1: memref<2x1024x16xf32, #tpu.memory_space<vmem>>, %arg2: memref<1024x1xf32, #tpu.memory_space<vmem>>, %arg3: memref<1x16xf32, #tpu.memory_space<vmem>>, %arg4: memref<1024x16xf32, #tpu.memory_space<vmem>>) attributes {dimension_semantics = [#tpu.dimension_semantics<arbitrary>], iteration_bounds = array<i64: 98>, scalar_prefetch = 0 : i64, scratch_operands = 0 : i64, tpu.core_type = #tpu.core_type<tc>, window_params = [{transform_indices = @transform_0, window_bounds = array<i64: 2, 1024, 16>}, {transform_indices = @transform_1, window_bounds = array<i64: 1024, 1>}, {pipeline_mode = #tpu.pipeline_mode<synchronous>, transform_indices = @transform_2, window_bounds = array<i64: 1, 16>}, {transform_indices = @transform_3, window_bounds = array<i64: 1024, 16>}]} {
    %get3A = arith.constant 0 : index
    %get3A_0 = arith.constant 0 : index
    %get3A_1 = arith.constant 0 : index
    %get3A_2 = vector.load %arg1[%get3A, %get3A_0, %get3A_1] : memref<2x1024x16xf32, #tpu.memory_space<vmem>>, vector<1x1024x16xf32>
    %get3A_3 = vector.shape_cast %get3A_2 : vector<1x1024x16xf32> to vector<1024x16xf32>
    %get3A_4 = arith.constant 1 : index
    %get3A_5 = arith.constant 0 : index
    %get3A_6 = arith.constant 0 : index
    %get3A_7 = vector.load %arg1[%get3A_4, %get3A_5, %get3A_6] : memref<2x1024x16xf32, #tpu.memory_space<vmem>>, vector<1x1024x16xf32>
    %get3A_8 = vector.shape_cast %get3A_7 : vector<1x1024x16xf32> to vector<1024x16xf32>
    %add3A = arith.addf %get3A_3, %get3A_8 : vector<1024x16xf32>
    %get3A_9 = arith.constant 0 : index
    %get3A_10 = arith.constant 0 : index
    %get3A_11 = vector.load %arg2[%get3A_9, %get3A_10] : memref<1024x1xf32, #tpu.memory_space<vmem>>, vector<1024x1xf32>
    %max3A = arith.constant 1.000000e+00 : f32
    %max3A_12 = vector.broadcast %max3A : f32 to vector<1024x1xf32>
    %max3A_13 = arith.maximumf %get3A_11, %max3A_12 : vector<1024x1xf32>
    %rsqrt3A = math.rsqrt %max3A_13 : vector<1024x1xf32>
    %mul3A = vector.broadcast %rsqrt3A : vector<1024x1xf32> to vector<1024x16xf32>
    %mul3A_14 = arith.mulf %add3A, %mul3A : vector<1024x16xf32>
    %get3A_15 = arith.constant 0 : index
    %get3A_16 = arith.constant 0 : index
    %get3A_17 = vector.load %arg3[%get3A_15, %get3A_16] : memref<1x16xf32, #tpu.memory_space<vmem>>, vector<1x16xf32>
    %add3A_18 = vector.broadcast %get3A_17 : vector<1x16xf32> to vector<1024x16xf32>
    %add3A_19 = arith.addf %mul3A_14, %add3A_18 : vector<1024x16xf32>
    %swap3A = arith.constant 0 : index
    %swap3A_20 = arith.constant 0 : index
    %swap3A_21 = vector.load %arg4[%swap3A, %swap3A_20] : memref<1024x16xf32, #tpu.memory_space<vmem>>, vector<1024x16xf32>
    tpu.vector_store %arg4[%swap3A, %swap3A_20], %add3A_19 {strides = array<i32>} : memref<1024x16xf32, #tpu.memory_space<vmem>>, vector<1024x16xf32>,
    return
  }
  func.func @transform_0(%arg0: i32) -> (i32, i32, i32) {
    %c0_i32 = arith.constant 0 : i32
    %c0_i32_0 = arith.constant 0 : i32
    %c0_i32_1 = arith.constant 0 : i32
    return %c0_i32, %arg0, %c0_i32_0 : i32, i32, i32
  }
  func.func @transform_1(%arg0: i32) -> (i32, i32) {
    %c0_i32 = arith.constant 0 : i32
    %c0_i32_0 = arith.constant 0 : i32
    return %arg0, %c0_i32 : i32, i32
  }
  func.func @transform_2(%arg0: i32) -> (i32, i32) {
    %c0_i32 = arith.constant 0 : i32
    %c0_i32_0 = arith.constant 0 : i32
    %c0_i32_1 = arith.constant 0 : i32
    return %c0_i32, %c0_i32_0 : i32, i32
  }
  func.func @transform_3(%arg0: i32) -> (i32, i32) {
    %c0_i32 = arith.constant 0 : i32
    %c0_i32_0 = arith.constant 0 : i32
    return %arg0, %c0_i32 : i32, i32
  }
}

</mosaic_0001>

<sc_bundles>
// kernel: kernel.14.cloned.1.call-start
scs
__scs_entry_jumppad:
0x0: {  	(pc) =	sbr.rel $0x88, $3  }
0x1: {  	(tag) =	ssettag $0x0;
	lr =	simm.s32 $0x1  }
0x2: {  	[smem:$0x3F95] =	sst lr;
	_ =	strace $0xD0000000  }
0x3: {  	_ = 	snop  }
0x4: {  	_ = 	snop  }
0x5: {  	_ = 	snop  }
0x6: {  	_ = 	snop  }
0x7: {  	_ = 	snop  }
__scs_overlays_trampoline_lowered:
0x8: {  	[smem:$0x3FA4] =	sst s0  }
0x9: {  	[smem:$0x3FA5] =	sst s1  }
0xa: {  	[smem:$0x3FA6] =	sst s2  }
0xb: {  	[smem:$0x3FA7] =	sst s3  }
0xc: {  	[smem:$0x3FA8] =	sst s4  }
0xd: {  	[smem:$0x3FA9] =	sst s5  }
0xe: {  	[smem:$0x3FAA] =	sst s6  }
0xf: {  	[smem:$0x3FAB] =	sst s7  }
0x10: {  	[smem:$0x3FAC] =	sst s8  }
0x11: {  	[smem:$0x3FAD] =	sst s9;
	s0 =	simm.s32 @!p0 $0x0  }
0x12: {  	s1 =	sld [smem:$0x3F93];
	s0 =	simm.s32 @p0 $0x1  }
0x13: {  	[smem:$0x3FAE] =	sst s0;
	s0 =	simm.s32 @!p1 $0x0  }
0x14: {  	s2 =	sld [smem:$0x3F92];
	s0 =	simm.s32 @p1 $0x1  }
0x15: {  	[smem:$0x3FAF] =	sst s0;
	s0 =	simm.s32 @!p2 $0x0  }
0x16: {  	s3 =	sld [smem:$0x3FDB];
	s0 =	simm.s32 @p2 $0x1  }
0x17: {  	s4 =	simm.s32 $0x1BF5;
	[smem:$0x3FB1] =	sst s0  }
0x18: {  	s0 =	sld [smem:$0x3F94];
	_ =	swait.ge [sflag:s4], $0x0  }
0x19: {  	s7 =	sld [smem:$0x3F95]  }
0x1a: {  	s8 =	sadd.s32 $0xFFFFE003, lr  }
0x1b: {  	s9 =	sadd.s32 $0xFFFFFEF7, lr;
	s5 =	simm.s32 $0xFFFFFFFF;
	p2 =	slt.u32 s8, $0xFFFFF086  }
0x1c: {  	p1 =	slt.u32 s9, $0xF7A;
	s5 =	simm.s32 @!p2 $0x0  }
0x1d: {  	s5 =	simm.s32 @p1 $0x1;
	p0 =	seq.s32 s7, s2  }
0x1e: {  	s7 =	smul.u32 @!p0 $0xF7A, s2;
	p2 =	seq.s32 @!p0 s5, $0x0  }
0x1f: {  	s9 =	smul.u32 $0xF7A, s1;
	s8 =	simm.s32 @!p0 $0x1BF5;
	p2 =	por !p2, p0  }
0x20: {  	[sflag:s8] =	ssyncset.s32 @!p0 $0xFFFFF086;
	s6 =	sadd.s32 @!p0 s3, s7;
	s7 =	simm.s32 @!p0 $0x108  }
0x21: {  	s3 =	sadd.s32 s3, s9;
	s6 =	sadd.s32 @!p0 $0x88, s6;
	s7 =	simm.s32 @p2 $0x1082  }
0x22: {  	[simem:s7], [sflag:s8] =	dma.local @!p0 [hbm:s6], $0xF7A  }
0x23: {  	s9 =	sor.u32 $0xD0000000, s2;
	s6 =	simm.s32 $0x108;
	_ =	swait.ge @!p0 [sflag:s8], $0x0  }
0x24: {  	s3 =	sadd.s32 $0x88, s3;
	s6 =	simm.s32 @!p1 $0x1082;
	[sflag:s4] =	ssyncset.s32 $0xFFFFF086  }
0x25: {  	[simem:s6], [sflag:s4] =	dma.local [hbm:s3], $0xF7A  }
0x26: {  	[smem:$0x3F95] =	sst s1;
	(tag) =	ssettag s2;
	_ =	strace s9  }
0x27: {  	s1 =	sld [smem:$0x3FA5]  }
0x28: {  	s2 =	sld [smem:$0x3FA6]  }
0x29: {  	s4 =	sld [smem:$0x3FA8]  }
0x2a: {  	p0 =	seq.s32 s5, $0x0;
	s5 =	sld [smem:$0x3FA9]  }
0x2b: {  	s6 =	sld [smem:$0x3FAA]  }
0x2c: {  	s7 =	sld [smem:$0x3FAB]  }
0x2d: {  	s3 =	simm.s32 $0x108;
	s8 =	sld [smem:$0x3FAC]  }
0x2e: {  	s3 =	simm.s32 @!p0 $0x1082;
	s9 =	sld [smem:$0x3FAD]  }
0x2f: {  	lr =	sadd.s32 s0, s3;
	s0 =	sld [smem:$0x3FA4]  }
0x30: {  	s3 =	sld [smem:$0x3FA7]  }
0x31: {  	[smem:$0x3FB0] =	sst s10  }
0x32: {  	s10 =	sld [smem:$0x3FAE];
	_ =	sdelay $0x3  }
0x33: {  	p0 =	seq.s32 s10, $0x1;
	s10 =	sld [smem:$0x3FB0];
	_ =	sdelay $0x3  }
0x34: {  	[smem:$0x3FB0] =	sst s10  }
0x35: {  	s10 =	sld [smem:$0x3FAF];
	_ =	sdelay $0x3  }
0x36: {  	p1 =	seq.s32 s10, $0x1;
	s10 =	sld [smem:$0x3FB0];
	_ =	sdelay $0x3  }
0x37: {  	[smem:$0x3FB0] =	sst s10  }
0x38: {  	s10 =	sld [smem:$0x3FB1]  }
0x39: {  	_ = 	snop;
	(pc) =	sbr.ind lr, $3  }
0x3a: {  	_ = 	snop  }
0x3b: {  	_ = 	snop  }
0x3c: {  	p2 =	seq.s32 s10, $0x1;
	s10 =	sld [smem:$0x3FB0]  }
0x3d: {  	_ =	shalt  }
0x3e: {  	_ =	shalt  }
0x3f: {  	_ =	shalt  }
0x40: {  	_ =	shalt  }
0x41: {  	_ =	shalt  }
0x42: {  	_ =	shalt  }
0x43: {  	_ =	shalt  }
0x44: {  	_ =	shalt  }
0x45: {  	_ =	shalt  }
0x46: {  	_ =	shalt  }
0x47: {  	_ =	shalt  }
0x48: {  	_ =	shalt  }
0x49: {  	_ =	shalt  }
0x4a: {  	_ =	shalt  }
0x4b: {  	_ =	shalt  }
0x4c: {  	_ =	shalt  }
0x4d: {  	_ =	shalt  }
0x4e: {  	_ =	shalt  }
0x4f: {  	_ =	shalt  }
0x50: {  	_ =	shalt  }
0x51: {  	_ =	shalt  }
0x52: {  	_ =	shalt  }
0x53: {  	_ =	shalt  }
0x54: {  	_ =	shalt  }
0x55: {  	_ =	shalt  }
0x56: {  	_ =	shalt  }
0x57: {  	_ =	shalt  }
0x58: {  	_ =	shalt  }
0x59: {  	_ =	shalt  }
0x5a: {  	_ =	shalt  }
0x5b: {  	_ =	shalt  }
0x5c: {  	_ =	shalt  }
0x5d: {  	_ =	shalt  }
0x5e: {  	_ =	shalt  }
0x5f: {  	_ =	shalt  }
0x60: {  	_ =	shalt  }
0x61: {  	_ =	shalt  }
0x62: {  	_ =	shalt  }
0x63: {  	_ =	shalt  }
0x64: {  	_ =	shalt  }
0x65: {  	_ =	shalt  }
0x66: {  	_ =	shalt  }
0x67: {  	_ =	shalt  }
0x68: {  	_ =	shalt  }
0x69: {  	_ =	shalt  }
0x6a: {  	_ =	shalt  }
0x6b: {  	_ =	shalt  }
0x6c: {  	_ =	shalt  }
0x6d: {  	_ =	shalt  }
0x6e: {  	_ =	shalt  }
0x6f: {  	_ =	shalt  }
0x70: {  	_ =	shalt  }
0x71: {  	_ =	shalt  }
0x72: {  	_ =	shalt  }
0x73: {  	_ =	shalt  }
0x74: {  	_ =	shalt  }
0x75: {  	_ =	shalt  }
0x76: {  	_ =	shalt  }
0x77: {  	_ =	shalt  }
0x78: {  	_ =	shalt  }
0x79: {  	_ =	shalt  }
0x7a: {  	_ =	shalt  }
0x7b: {  	_ =	shalt  }
0x7c: {  	_ =	shalt  }
0x7d: {  	_ =	shalt  }
0x7e: {  	_ =	shalt  }
0x7f: {  	_ =	shalt  }
0x80: {  	_ =	shalt  }
0x81: {  	_ =	shalt  }
0x82: {  	_ =	shalt  }
0x83: {  	_ =	shalt  }
0x84: {  	_ =	shalt  }
0x85: {  	_ =	shalt  }
0x86: {  	_ =	shalt  }
0x87: {  	_ =	shalt  }
.Lfunc_end0:
.L_simem_size_0:
called_computation_lowered:
.L_overlay_start_0:
0x88: {  	s2 =	sld [smem:$0x3FD9]  }
0x89: {  	s3 =	sld [smem:$0x3FFE];
	_ =	sdelay $0x1  }
0x8a: {  	s1 =	srdreg.scid  }
0x8b: {  	s0 =	sand.u32 $0x1, s1  }
0x8c: {  	s17 =	sshll.u32 s0, $0xA;
	s2 =	sadd.s32 s3, s2  }
0x8d: {  	s2 =	sadd.s32 s2, s17  }
0x8e: {  	[smem:$0x3FBC] =	sst s2  }
0x8f: {  	_ = 	snop  }
0x90: {  	s2 =	sld [smem:$0x3FD0];
	(tm) =	ssettm $0x1  }
0x91: {  	s18 =	sld [smem:$0x3FFB];
	_ =	sdelay $0x3  }
0x92: {  	_ =	strace s18  }
0x93: {  	s3 =	sld [smem:$0x3FFC];
	_ =	sdelay $0x3  }
0x94: {  	_ =	strace s3  }
0x95: {  	s3 =	sld [smem:$0x3FFD];
	_ =	sdelay $0x3  }
0x96: {  	_ =	strace s3  }
0x97: {  	_ =	strace $0x8FFFFFFF  }
0x98: {  	s19 =	sld [smem:$0x3FDB];
	_ =	sdelay $0x1  }
0x99: {  	s4 =	simm.s32 $_scs_section_size  }
0x9a: {  	s5 =	simm.s32 $_size__tile_overlayer_lowered;
	s6 =	simm.s32 $_tile_overlayer_lowered  }
0x9b: {  	s22 =	simm.s32 $0x1BFF;
	s21 =	sshll.u32 s6, $0x1;
	s3 =	sadd.s32 s4, s19  }
0x9c: {  	s7 =	simm.s32 $0x0;
	s20 =	sshll.u32 s5, $0x1;
	s5 =	sadd.s32 s21, s3  }
0x9d: {  	[timem:s7], [sflag:s22] =	dma.local [hbm:s5], s20  }
0x9e: {  	_ =	swait.ge [sflag:s22], s20  }
0x9f: {  	s4 =	ssub.s32 $0x0, s20;
	[sflag:s22] =	ssyncset.done $0x0  }
0xa0: {  	[sflag:s22] =	ssyncadd.s32 s4;
	_ =	sdelay $0x1  }
0xa1: {  	s23 =	simm.s32 $0x1B8B  }
0xa2: {  	_ =	swait.ge [sflag:s23], $0x1  }
0xa3: {  	[sflag:s23] =	ssyncset.done $0x0  }
0xa4: {  	s25 =	simm.s32 $0x1B8E;
	s24 =	sld [smem:$0x3FFE];
	[sflag:s23] =	ssyncadd.s32 $0xFFFFFFFF  }
0xa5: {  	s26 =	simm.s32 $execute0_lowered;
	[smem:$0x3FD2] =	sst s25  }
0xa6: {  	s5 =	sshll.u32 s26, $0x1;
	_ =	strace $0x80000046;
	[dreg:$0x1] =	wrdreg $0xFFFFFFFF  }
0xa7: {  	s28 =	simm.s32 $_size_execute0_lowered;
	s3 =	sadd.s32 s3, s5;
	[dreg:$0x0] =	wrdreg $0x0  }
0xa8: {  	s5 =	sshll.u32 s28, $0x1;
	[dreg:$0x2] =	wrdreg s3  }
0xa9: {  	[dreg:$0x3] =	wrdreg s5  }
0xaa: {  	[dreg:$0x4] =	wrdreg $0xC0  }
0xab: {  	_ =	task [dreg:s7], $0x5FFFF  }
0xac: {  	[dreg:$0x1] =	wrdreg $0xFFFFFFFF  }
0xad: {  	[dreg:$0x0] =	wrdreg $0x60  }
0xae: {  	[dreg:$0x2] =	wrdreg s24  }
0xaf: {  	[dreg:$0x3] =	wrdreg s2  }
0xb0: {  	[dreg:$0x4] =	wrdreg $0x24800  }
0xb1: {  	[dreg:$0x5] =	wrdreg $0x9  }
0xb2: {  	_ =	task.clear_ibuf [dreg:s7], $0x6FFFF;
	_ =	strace $0x90000046  }
0xb3: {  	s29 =	simm.s32 $0x9;
	_ =	strace $0x80000048  }
0xb4: {  	_ =	swait.ge [sflag:s29], $0x1  }
0xb5: {  	[sflag:s29] =	ssyncadd.s32 $0xFFFFFFFF  }
0xb6: {  	_ =	strace $0x90000048  }
0xb7: {  	_ =	sfence  }
0xb8: {  	s30 =	sld [smem:$0x0];
	_ =	sdelay $0x2  }
0xb9: {  	s31 =	sshll.u32 s1, $0xD;
	s1 =	sshrl.u32 s1, $0x2  }
0xba: {  	s3 =	sand.u32 $0x4000, s31;
	s1 =	sadd.s32 s1, s30  }
0xbb: {  	s0 =	sor.u32 s3, s0;
	s1 =	sshll.u32 s1, $0x11  }
0xbc: {  	s0 =	sor.u32 s1, s0  }
0xbd: {  	s0 =	sadd.s32 $0x8F2B, s0  }
0xbe: {  	[sflag:s0] =	ssyncadd.remote.s32 $0x1  }
0xbf: {  	_ =	sfence.sel $0xFFFF  }
0xc0: {  	[dreg:$0x0] =	wrdreg $0xFFFFFFFF;
	(pc) =	sbr.abs _section_cstart, $3  }
0xc1: {  	[dreg:$0x1] =	wrdreg $0xFFFFFFFF  }
0xc2: {  	_ =	task.clear_ibuf [dreg:s7], $0x2FFFF;
	_ =	strace $0x9FFFFFFF  }
0xc3: {  	(tm) =	ssettm $0x7FFFFFFF  }
tec
execute0_lowered:
.L_overlay_start_1:
0x0: {  	(tag) =	ssettag $0x1  }
0x1: {  	s4 =	rddreg [dreg:$0x0]  }
0x2: {  	s0 =	srdreg.scid;
	s5 =	rddreg [dreg:$0x1]  }
0x3: {  	s2 =	rddreg [dreg:$0x2];
	s6 =	sand.u32 $0x1, s0  }
0x4: {  	s0 =	stileid.u32;
	s7 =	smul.u32 $0x18C000, s6  }
0x5: {  	s1 =	rddreg [dreg:$0x3];
	s8 =	smul.u32 $0x18C00, s0  }
0x6: {  	s3 =	simm.s32 $0x0;
	s13 =	simm.s32 $0x0;
	s9 =	smul.u32 $0x1880, s0  }
0x7: {  	[smem:$0x7FF] =	sst s3;
	s10 =	smul.u32 $0x18800, s6;
	s6 =	ssub.s32 $0x2, s6  }
0x8: {  	_ =	strace $0x80000047;
	s11 =	sshll.u32 s0, $0x6;
	s31 =	sshrl.u32 s6, $0x1  }
0x9: {  	s11 =	sor.u32 $0x1C01, s11;
	s7 =	sadd.s32 s8, s7;
	s30 =	sadd.s32 s9, s10  }
0xa: {  	s6 =	ssub.s32 s6, s31;
	s10 =	simm.s32 $0x600;
	s7 =	sshrl.u32 s7, $0x3  }
0xb: {  	s8 =	sshrl.u32 s30, $0x3;
	s6 =	smax.u32 s6, $0x1;
	s7 =	sadd.s32 s7, s4  }
0xc: {  	s4 =	sadd.s32 s9, s2;
	s5 =	sadd.s32 s5, s8;
	s8 =	simm.s32 $0xC00  }
0xd: {  	v0 =	vimm.f32 $1.000000000e+00;
	v1 =	vimm.f32 $0.0e+00;
	s9 =	simm.s32 $0x1;
	s7 =	sadd.s32 $0x35400, s7;
	s12 =	sshrl.u32 s4, $0x3  }
.LBB2_1:
0xe: {  	s14 =	simm.s32 $0x0  }
.LBB2_2:
0xf: {  	p0 =	sne.s32 s14, $0x17C0  }
.Ltmp0:
0x10: {  	_ = 	snop;
	(pc) =	sbr.rel @p0 .LBB2_2-.Ltmp0, $3  }
0x11: {  	_ =	sdelay $0x1  }
0x12: {  	s15 =	sshra.s32 s14, $0x2  }
0x13: {  	s14 =	sadd.s32 $0x40, s14;
	[tilespmem:s15+$0x600] =	vst v0  }
0x14: {  	s14 =	simm.s32 $0x40;
	s15 =	simm.s32 $0x0  }
.LBB2_4:
0x15: {  	p0 =	sne.s32 s14, $0x61C0;
	[tilespmem:s15+$0xC00] =	vst v1;
	s15 =	smov.u32 s14;
	s14 =	sadd.s32 $0x40, s14  }
.Ltmp1:
0x16: {  	(pc) =	sbr.rel @p0 .LBB2_4-.Ltmp1, $2  }
0x17: {  	_ =	sdelay $0x2  }
0x18: {  	s15 =	sshra.s32 s15, $0x2  }
0x19: {  	[tilespmem:s15+$0xC00] =	vst v1  }
0x1a: {  	[spmem:s4] =	stream.linear.scatter [tilespmem:s8], [sflag:$0x1], $0x1880, $0x38;
	[tilespmem:$0x3D00] =	vst v63  }
0x1b: {  	_ =	swait.ge [sflag:s9], $0x1880  }
0x1c: {  	[sflag:s9] =	ssyncset.done $0x0  }
0x1d: {  	[sflag:s9] =	ssyncadd.s32 $0xFFFFE780  }
0x1e: {  	s14 =	sadd.s32 $0x0, s7;
	[bflag:$0x0] =	sbarrier.arrive $0xFFFF  }
0x1f: {  	[tilespmem:s3], [sflag:$0x1] =	stream.linear.gather [hbm4b:s14+s3], $0x600, $0x38;
	[tilespmem:$0x3D00] =	vst v63  }
0x20: {  	_ =	swait.ge [sflag:s9], $0x600  }
0x21: {  	[sflag:s9] =	ssyncset.done $0x0  }
0x22: {  	[sflag:s9] =	ssyncadd.s32 $0xFFFFFA00  }
0x23: {  	[spmem:s2] =	stream.indirect.scatter.add.f32 [tilespmem:s10], [sflag:$0x1], $0x1, s3, s10, $0xb8;
	[tilespmem:$0x3D00] =	vst v63  }
0x24: {  	_ =	swait.ge [sflag:s9], $0x600  }
0x25: {  	s15 =	simm.s32 $0x180;
	s14 =	simm.s32 $0xC0;
	[sflag:s9] =	ssyncset.done $0x0  }
.LBB2_6:
0x26: {  	s16 =	sadd.s32 s14, s7  }
0x27: {  	[sflag:s9] =	ssyncadd.s32 $0xFFFFFA00;
	s14 =	smov.u32 s15;
	s17 =	sadd.s32 $0xC0, s15  }
0x28: {  	[tilespmem:s3], [sflag:$0x1] =	stream.linear.gather [hbm4b:s16+s3], $0x600, $0x38;
	[tilespmem:$0x3D00] =	vst v63  }
0x29: {  	p0 =	sne.s32 s15, $0x30C0;
	_ =	swait.ge [sflag:s9], $0x600  }
.Ltmp2:
0x2a: {  	[sflag:s9] =	ssyncset.done $0x0;
	(pc) =	sbr.rel @p0 .LBB2_6-.Ltmp2, $4  }
0x2b: {  	[sflag:s9] =	ssyncadd.s32 $0xFFFFFA00  }
0x2c: {  	[spmem:s2] =	stream.indirect.scatter.add.f32 [tilespmem:s10], [sflag:$0x1], $0x1, s3, s10, $0xb8;
	[tilespmem:$0x3D00] =	vst v63  }
0x2d: {  	_ =	swait.ge [sflag:s9], $0x600  }
0x2e: {  	s15 =	smov.u32 s17;
	[sflag:s9] =	ssyncset.done $0x0  }
0x2f: {  	s14 =	sadd.s32 s14, s7;
	[sflag:s9] =	ssyncadd.s32 $0xFFFFFA00  }
0x30: {  	[tilespmem:s3], [sflag:$0x1] =	stream.linear.gather [hbm4b:s14+s3], $0x600, $0x38;
	[tilespmem:$0x3D00] =	vst v63  }
0x31: {  	_ =	swait.ge [sflag:s9], $0x600  }
0x32: {  	[sflag:s9] =	ssyncset.done $0x0  }
0x33: {  	[sflag:s9] =	ssyncadd.s32 $0xFFFFFA00  }
0x34: {  	[spmem:s2] =	stream.indirect.scatter.add.f32 [tilespmem:s10], [sflag:$0x1], $0x1, s3, s10, $0xb8;
	[tilespmem:$0x3D00] =	vst v63  }
0x35: {  	_ =	swait.ge [sflag:s9], $0x600  }
0x36: {  	s13 =	sadd.s32 $0x1, s13;
	[sflag:s9] =	ssyncset.done $0x0  }
0x37: {  	p0 =	sne.s32 s13, s6;
	[sflag:s9] =	ssyncadd.s32 $0xFFFFFA00  }
.Ltmp3:
0x38: {  	[bflag:$0x0] =	sbarrier.arrive $0xFFFF;
	(pc) =	sbr.rel @p0 .LBB2_1-.Ltmp3, $4  }
0x39: {  	[hbm:s5], [sflag:s11] =	dma.local [spmem:s12], $0x310  }
0x3a: {  	_ =	swait.ge [sflag:s9], $0x310  }
0x3b: {  	[sflag:s9] =	ssyncset.done $0x0  }
0x3c: {  	[sflag:s9] =	ssyncadd.s32 $0xFFFFFCF0  }
0x3d: {  	_ =	sfence.sel $0x180000  }
0x3e: {  	[bflag:$0x0] =	sbarrier.arrive $0xFFFF  }
0x3f: {  	p0 =	sne.s32 s0, $0x0;
	_ =	strace $0x90000047  }
0x40: {  	s0 =	sadd.s32 @!p0 $0x100000, s1;
	[bflag:$0x2] =	sbarrier.arrive $0xFFFF  }
0x41: {  	[sflag:s0] =	ssyncadd.tile.s32 @!p0 $0x1;
	_ =	shalt  }
.Lfunc_end2:
_tile_overlayer_lowered:
.L_overlay_start_2:
0x42: {  	(tag) =	ssettag $0x2  }
0x43: {  	s0 =	rddreg [dreg:$0x0];
	s2 =	stileid.u32  }
0x44: {  	s1 =	rddreg [dreg:$0x1];
	p0 =	sne.s32 s2, $0x0  }
0x45: {  	s3 =	rddreg [dreg:$0x2];
	[bflag:$0x3] =	sbarrier.arrive $0xFFFF;
	s2 =	simm.s32 @!p0 $0x1C01  }
0x46: {  	[timem:s3], [sflag:s2] =	dma.local @!p0 [hbm:s0], s1  }
0x47: {  	s0 =	simm.s32 @!p0 $0x1  }
0x48: {  	_ =	swait.ge @!p0 [sflag:s0], s1  }
0x49: {  	s1 =	ssub.s32 @!p0 $0x0, s1;
	[sflag:s0] =	ssyncset.done @!p0 $0x0  }
0x4a: {  	[sflag:s0] =	ssyncadd.s32 @!p0 s1  }
0x4b: {  	[bflag:$0x3] =	sbarrier.arrive $0xFFFF  }
0x4c: {  	_ =	shalt  }

// kernel: kernel.17.cloned.1.call-start
scs
__scs_entry_jumppad:
0x0: {  	(pc) =	sbr.rel $0x88, $3  }
0x1: {  	(tag) =	ssettag $0x0;
	lr =	simm.s32 $0x1  }
0x2: {  	[smem:$0x3F95] =	sst lr;
	_ =	strace $0xD0000000  }
0x3: {  	_ = 	snop  }
0x4: {  	_ = 	snop  }
0x5: {  	_ = 	snop  }
0x6: {  	_ = 	snop  }
0x7: {  	_ = 	snop  }
__scs_overlays_trampoline_lowered:
0x8: {  	[smem:$0x3FA4] =	sst s0  }
0x9: {  	[smem:$0x3FA5] =	sst s1  }
0xa: {  	[smem:$0x3FA6] =	sst s2  }
0xb: {  	[smem:$0x3FA7] =	sst s3  }
0xc: {  	[smem:$0x3FA8] =	sst s4  }
0xd: {  	[smem:$0x3FA9] =	sst s5  }
0xe: {  	[smem:$0x3FAA] =	sst s6  }
0xf: {  	[smem:$0x3FAB] =	sst s7  }
0x10: {  	[smem:$0x3FAC] =	sst s8  }
0x11: {  	[smem:$0x3FAD] =	sst s9;
	s0 =	simm.s32 @!p0 $0x0  }
0x12: {  	s1 =	sld [smem:$0x3F93];
	s0 =	simm.s32 @p0 $0x1  }
0x13: {  	[smem:$0x3FAE] =	sst s0;
	s0 =	simm.s32 @!p1 $0x0  }
0x14: {  	s2 =	sld [smem:$0x3F92];
	s0 =	simm.s32 @p1 $0x1  }
0x15: {  	[smem:$0x3FAF] =	sst s0;
	s0 =	simm.s32 @!p2 $0x0  }
0x16: {  	s3 =	sld [smem:$0x3FDB];
	s0 =	simm.s32 @p2 $0x1  }
0x17: {  	s4 =	simm.s32 $0x1BF5;
	[smem:$0x3FB1] =	sst s0  }
0x18: {  	s0 =	sld [smem:$0x3F94];
	_ =	swait.ge [sflag:s4], $0x0  }
0x19: {  	s7 =	sld [smem:$0x3F95]  }
0x1a: {  	s8 =	sadd.s32 $0xFFFFE003, lr  }
0x1b: {  	s9 =	sadd.s32 $0xFFFFFEF7, lr;
	s5 =	simm.s32 $0xFFFFFFFF;
	p2 =	slt.u32 s8, $0xFFFFF086  }
0x1c: {  	p1 =	slt.u32 s9, $0xF7A;
	s5 =	simm.s32 @!p2 $0x0  }
0x1d: {  	s5 =	simm.s32 @p1 $0x1;
	p0 =	seq.s32 s7, s2  }
0x1e: {  	s7 =	smul.u32 @!p0 $0xF7A, s2;
	p2 =	seq.s32 @!p0 s5, $0x0  }
0x1f: {  	s9 =	smul.u32 $0xF7A, s1;
	s8 =	simm.s32 @!p0 $0x1BF5;
	p2 =	por !p2, p0  }
0x20: {  	[sflag:s8] =	ssyncset.s32 @!p0 $0xFFFFF086;
	s6 =	sadd.s32 @!p0 s3, s7;
	s7 =	simm.s32 @!p0 $0x108  }
0x21: {  	s3 =	sadd.s32 s3, s9;
	s6 =	sadd.s32 @!p0 $0x88, s6;
	s7 =	simm.s32 @p2 $0x1082  }
0x22: {  	[simem:s7], [sflag:s8] =	dma.local @!p0 [hbm:s6], $0xF7A  }
0x23: {  	s9 =	sor.u32 $0xD0000000, s2;
	s6 =	simm.s32 $0x108;
	_ =	swait.ge @!p0 [sflag:s8], $0x0  }
0x24: {  	s3 =	sadd.s32 $0x88, s3;
	s6 =	simm.s32 @!p1 $0x1082;
	[sflag:s4] =	ssyncset.s32 $0xFFFFF086  }
0x25: {  	[simem:s6], [sflag:s4] =	dma.local [hbm:s3], $0xF7A  }
0x26: {  	[smem:$0x3F95] =	sst s1;
	(tag) =	ssettag s2;
	_ =	strace s9  }
0x27: {  	s1 =	sld [smem:$0x3FA5]  }
0x28: {  	s2 =	sld [smem:$0x3FA6]  }
0x29: {  	s4 =	sld [smem:$0x3FA8]  }
0x2a: {  	p0 =	seq.s32 s5, $0x0;
	s5 =	sld [smem:$0x3FA9]  }
0x2b: {  	s6 =	sld [smem:$0x3FAA]  }
0x2c: {  	s7 =	sld [smem:$0x3FAB]  }
0x2d: {  	s3 =	simm.s32 $0x108;
	s8 =	sld [smem:$0x3FAC]  }
0x2e: {  	s3 =	simm.s32 @!p0 $0x1082;
	s9 =	sld [smem:$0x3FAD]  }
0x2f: {  	lr =	sadd.s32 s0, s3;
	s0 =	sld [smem:$0x3FA4]  }
0x30: {  	s3 =	sld [smem:$0x3FA7]  }
0x31: {  	[smem:$0x3FB0] =	sst s10  }
0x32: {  	s10 =	sld [smem:$0x3FAE];
	_ =	sdelay $0x3  }
0x33: {  	p0 =	seq.s32 s10, $0x1;
	s10 =	sld [smem:$0x3FB0];
	_ =	sdelay $0x3  }
0x34: {  	[smem:$0x3FB0] =	sst s10  }
0x35: {  	s10 =	sld [smem:$0x3FAF];
	_ =	sdelay $0x3  }
0x36: {  	p1 =	seq.s32 s10, $0x1;
	s10 =	sld [smem:$0x3FB0];
	_ =	sdelay $0x3  }
0x37: {  	[smem:$0x3FB0] =	sst s10  }
0x38: {  	s10 =	sld [smem:$0x3FB1]  }
0x39: {  	_ = 	snop;
	(pc) =	sbr.ind lr, $3  }
0x3a: {  	_ = 	snop  }
0x3b: {  	_ = 	snop  }
0x3c: {  	p2 =	seq.s32 s10, $0x1;
	s10 =	sld [smem:$0x3FB0]  }
0x3d: {  	_ =	shalt  }
0x3e: {  	_ =	shalt  }
0x3f: {  	_ =	shalt  }
0x40: {  	_ =	shalt  }
0x41: {  	_ =	shalt  }
0x42: {  	_ =	shalt  }
0x43: {  	_ =	shalt  }
0x44: {  	_ =	shalt  }
0x45: {  	_ =	shalt  }
0x46: {  	_ =	shalt  }
0x47: {  	_ =	shalt  }
0x48: {  	_ =	shalt  }
0x49: {  	_ =	shalt  }
0x4a: {  	_ =	shalt  }
0x4b: {  	_ =	shalt  }
0x4c: {  	_ =	shalt  }
0x4d: {  	_ =	shalt  }
0x4e: {  	_ =	shalt  }
0x4f: {  	_ =	shalt  }
0x50: {  	_ =	shalt  }
0x51: {  	_ =	shalt  }
0x52: {  	_ =	shalt  }
0x53: {  	_ =	shalt  }
0x54: {  	_ =	shalt  }
0x55: {  	_ =	shalt  }
0x56: {  	_ =	shalt  }
0x57: {  	_ =	shalt  }
0x58: {  	_ =	shalt  }
0x59: {  	_ =	shalt  }
0x5a: {  	_ =	shalt  }
0x5b: {  	_ =	shalt  }
0x5c: {  	_ =	shalt  }
0x5d: {  	_ =	shalt  }
0x5e: {  	_ =	shalt  }
0x5f: {  	_ =	shalt  }
0x60: {  	_ =	shalt  }
0x61: {  	_ =	shalt  }
0x62: {  	_ =	shalt  }
0x63: {  	_ =	shalt  }
0x64: {  	_ =	shalt  }
0x65: {  	_ =	shalt  }
0x66: {  	_ =	shalt  }
0x67: {  	_ =	shalt  }
0x68: {  	_ =	shalt  }
0x69: {  	_ =	shalt  }
0x6a: {  	_ =	shalt  }
0x6b: {  	_ =	shalt  }
0x6c: {  	_ =	shalt  }
0x6d: {  	_ =	shalt  }
0x6e: {  	_ =	shalt  }
0x6f: {  	_ =	shalt  }
0x70: {  	_ =	shalt  }
0x71: {  	_ =	shalt  }
0x72: {  	_ =	shalt  }
0x73: {  	_ =	shalt  }
0x74: {  	_ =	shalt  }
0x75: {  	_ =	shalt  }
0x76: {  	_ =	shalt  }
0x77: {  	_ =	shalt  }
0x78: {  	_ =	shalt  }
0x79: {  	_ =	shalt  }
0x7a: {  	_ =	shalt  }
0x7b: {  	_ =	shalt  }
0x7c: {  	_ =	shalt  }
0x7d: {  	_ =	shalt  }
0x7e: {  	_ =	shalt  }
0x7f: {  	_ =	shalt  }
0x80: {  	_ =	shalt  }
0x81: {  	_ =	shalt  }
0x82: {  	_ =	shalt  }
0x83: {  	_ =	shalt  }
0x84: {  	_ =	shalt  }
0x85: {  	_ =	shalt  }
0x86: {  	_ =	shalt  }
0x87: {  	_ =	shalt  }
.Lfunc_end0:
.L_simem_size_0:
called_computation.1_lowered:
.L_overlay_start_0:
0x88: {  	s2 =	sld [smem:$0x3FD9]  }
0x89: {  	s3 =	sld [smem:$0x3FFE];
	_ =	sdelay $0x1  }
0x8a: {  	s1 =	srdreg.scid  }
0x8b: {  	s0 =	sand.u32 $0x1, s1  }
0x8c: {  	s16 =	sshll.u32 s0, $0xA;
	s2 =	sadd.s32 s3, s2  }
0x8d: {  	s2 =	sadd.s32 s2, s16  }
0x8e: {  	[smem:$0x3FBC] =	sst s2  }
0x8f: {  	_ = 	snop  }
0x90: {  	(tm) =	ssettm $0x1  }
0x91: {  	s17 =	sld [smem:$0x3FFB];
	_ =	sdelay $0x3  }
0x92: {  	_ =	strace s17  }
0x93: {  	s2 =	sld [smem:$0x3FFC];
	_ =	sdelay $0x3  }
0x94: {  	_ =	strace s2  }
0x95: {  	s2 =	sld [smem:$0x3FFD];
	_ =	sdelay $0x3  }
0x96: {  	_ =	strace s2  }
0x97: {  	_ =	strace $0x8FFFFFFF  }
0x98: {  	s18 =	sld [smem:$0x3FDB];
	_ =	sdelay $0x1  }
0x99: {  	s19 =	simm.s32 $_scs_section_size  }
0x9a: {  	s4 =	simm.s32 $_size__tile_overlayer_lowered;
	s5 =	simm.s32 $_tile_overlayer_lowered  }
0x9b: {  	s22 =	simm.s32 $0x1BFF;
	s21 =	sshll.u32 s5, $0x1;
	s2 =	sadd.s32 s19, s18  }
0x9c: {  	s6 =	simm.s32 $0x0;
	s20 =	sshll.u32 s4, $0x1;
	s4 =	sadd.s32 s21, s2  }
0x9d: {  	[timem:s6], [sflag:s22] =	dma.local [hbm:s4], s20  }
0x9e: {  	_ =	swait.ge [sflag:s22], s20  }
0x9f: {  	s3 =	ssub.s32 $0x0, s20;
	[sflag:s22] =	ssyncset.done $0x0  }
0xa0: {  	[sflag:s22] =	ssyncadd.s32 s3;
	_ =	sdelay $0x1  }
0xa1: {  	s23 =	simm.s32 $0x1B8B  }
0xa2: {  	_ =	swait.ge [sflag:s23], $0x1  }
0xa3: {  	[sflag:s23] =	ssyncset.done $0x0  }
0xa4: {  	s25 =	simm.s32 $0x1B8E;
	s24 =	sld [smem:$0x3FFE];
	[sflag:s23] =	ssyncadd.s32 $0xFFFFFFFF  }
0xa5: {  	s26 =	simm.s32 $execute0_lowered;
	[smem:$0x3FD2] =	sst s25  }
0xa6: {  	s4 =	sshll.u32 s26, $0x1;
	_ =	strace $0x80000049;
	[dreg:$0x1] =	wrdreg $0xFFFFFFFF  }
0xa7: {  	s28 =	simm.s32 $_size_execute0_lowered;
	s2 =	sadd.s32 s2, s4;
	[dreg:$0x0] =	wrdreg $0x0  }
0xa8: {  	s4 =	sshll.u32 s28, $0x1;
	[dreg:$0x2] =	wrdreg s2  }
0xa9: {  	[dreg:$0x3] =	wrdreg s4  }
0xaa: {  	[dreg:$0x4] =	wrdreg $0xC0  }
0xab: {  	_ =	task [dreg:s6], $0x5FFFF  }
0xac: {  	[dreg:$0x1] =	wrdreg $0xFFFFFFFF  }
0xad: {  	[dreg:$0x0] =	wrdreg $0x60  }
0xae: {  	[dreg:$0x2] =	wrdreg s24  }
0xaf: {  	[dreg:$0x3] =	wrdreg $0x6C000  }
0xb0: {  	[dreg:$0x4] =	wrdreg $0x9  }
0xb1: {  	_ =	task.clear_ibuf [dreg:s6], $0x5FFFF;
	_ =	strace $0x90000049  }
0xb2: {  	s29 =	simm.s32 $0x9;
	_ =	strace $0x8000004B  }
0xb3: {  	_ =	swait.ge [sflag:s29], $0x1  }
0xb4: {  	[sflag:s29] =	ssyncadd.s32 $0xFFFFFFFF  }
0xb5: {  	_ =	strace $0x9000004B  }
0xb6: {  	_ =	sfence  }
0xb7: {  	s30 =	sld [smem:$0x0];
	_ =	sdelay $0x2  }
0xb8: {  	s31 =	sshll.u32 s1, $0xD;
	s1 =	sshrl.u32 s1, $0x2  }
0xb9: {  	s3 =	sand.u32 $0x4000, s31;
	s1 =	sadd.s32 s1, s30  }
0xba: {  	s0 =	sor.u32 s3, s0;
	s1 =	sshll.u32 s1, $0x11  }
0xbb: {  	s0 =	sor.u32 s1, s0  }
0xbc: {  	s0 =	sadd.s32 $0x8F2B, s0  }
0xbd: {  	[sflag:s0] =	ssyncadd.remote.s32 $0x1  }
0xbe: {  	_ =	sfence.sel $0xFFFF  }
0xbf: {  	[dreg:$0x0] =	wrdreg $0xFFFFFFFF;
	(pc) =	sbr.abs _section_cstart, $3  }
0xc0: {  	[dreg:$0x1] =	wrdreg $0xFFFFFFFF  }
0xc1: {  	_ =	task.clear_ibuf [dreg:s6], $0x2FFFF;
	_ =	strace $0x9FFFFFFF  }
0xc2: {  	(tm) =	ssettm $0x7FFFFFFF  }
0xc3: {  	_ =	shalt  }
tec
execute0_lowered:
.L_overlay_start_1:
0x0: {  	(tag) =	ssettag $0x1  }
0x1: {  	s1 =	srdreg.scid;
	s5 =	rddreg [dreg:$0x0]  }
0x2: {  	s0 =	stileid.u32;
	s2 =	rddreg [dreg:$0x1];
	s3 =	simm.s32 $0x0  }
0x3: {  	s16 =	simm.s32 $0x600;
	s19 =	simm.s32 $0x0;
	s7 =	smul.u32 $0x18800, s0  }
0x4: {  	s6 =	sand.u32 $0x1, s1;
	s1 =	rddreg [dreg:$0x2];
	s9 =	smul.u32 $0x62000, s0  }
0x5: {  	[smem:$0x7FF] =	sst s3;
	s13 =	sadd.s32 $0x35400, s5;
	s12 =	smul.u32 $0xC600, s0  }
0x6: {  	s17 =	sshll.u32 s0, $0x6;
	s4 =	smul.u32 $0x188000, s6;
	_ =	strace $0x8000004A  }
0x7: {  	s26 =	ssub.s32 $0x2, s6;
	s29 =	smul.u32 $0xC6000, s6;
	s17 =	sor.u32 $0x1C01, s17  }
0x8: {  	s28 =	sshrl.u32 s9, $0x2;
	s30 =	sshrl.u32 s26, $0x1;
	s4 =	sadd.s32 s7, s4  }
0x9: {  	s11 =	sadd.s32 s28, s2;
	s14 =	ssub.s32 s26, s30;
	s12 =	sadd.s32 s12, s29  }
0xa: {  	s8 =	sshrl.u32 s4, $0x3;
	s4 =	sadd.s32 $0x98400, s5;
	s6 =	sadd.s32 $0x6000, s11  }
0xb: {  	s9 =	sadd.s32 $0x18000, s11;
	s15 =	sadd.s32 $0x18C000, s12;
	s12 =	sshrl.u32 s12, $0x3  }
0xc: {  	s10 =	sadd.s32 s8, s5;
	s5 =	sadd.s32 s7, s2;
	s7 =	sadd.s32 $0xC000, s11  }
0xd: {  	s8 =	sadd.s32 $0x12000, s11;
	s11 =	smax.u32 s14, $0x1;
	s31 =	sshrl.u32 s15, $0x3  }
0xe: {  	s12 =	sadd.s32 s12, s13;
	s14 =	simm.s32 $0xC00;
	s15 =	simm.s32 $0x1  }
0xf: {  	v0 =	vimm.f32 $0.0e+00;
	s10 =	sadd.s32 $0xC9400, s10;
	s13 =	sadd.s32 s31, s13;
	s18 =	sshrl.u32 s5, $0x3  }
.LBB2_1:
0x10: {  	s20 =	simm.s32 $0x40;
	s21 =	simm.s32 $0x0  }
.LBB2_2:
0x11: {  	p0 =	sne.s32 s20, $0x17FC0;
	[tilespmem:s21+$0xC00] =	vst v0;
	s21 =	smov.u32 s20;
	s20 =	sadd.s32 $0x40, s20  }
.Ltmp0:
0x12: {  	(pc) =	sbr.rel @p0 .LBB2_2-.Ltmp0, $2  }
0x13: {  	_ =	sdelay $0x2  }
0x14: {  	s21 =	sshra.s32 s21, $0x2  }
0x15: {  	[tilespmem:s21+$0xC00] =	vst v0  }
0x16: {  	[spmem:s5] =	stream.linear.scatter [tilespmem:s14], [sflag:$0x1], $0x6000, $0x38;
	[tilespmem:$0x1F400] =	vst v63  }
0x17: {  	_ =	swait.ge [sflag:s15], $0x6000  }
0x18: {  	[sflag:s15] =	ssyncset.done $0x0  }
0x19: {  	[sflag:s15] =	ssyncadd.s32 $0xFFFFA000  }
0x1a: {  	[spmem:s6] =	stream.linear.scatter [tilespmem:s14], [sflag:$0x1], $0x6000, $0x38;
	[tilespmem:$0x1F400] =	vst v63  }
0x1b: {  	_ =	swait.ge [sflag:s15], $0x6000  }
0x1c: {  	[sflag:s15] =	ssyncset.done $0x0  }
0x1d: {  	[sflag:s15] =	ssyncadd.s32 $0xFFFFA000  }
0x1e: {  	[spmem:s7] =	stream.linear.scatter [tilespmem:s14], [sflag:$0x1], $0x6000, $0x38;
	[tilespmem:$0x1F400] =	vst v63  }
0x1f: {  	_ =	swait.ge [sflag:s15], $0x6000  }
0x20: {  	[sflag:s15] =	ssyncset.done $0x0  }
0x21: {  	[sflag:s15] =	ssyncadd.s32 $0xFFFFA000  }
0x22: {  	[spmem:s8] =	stream.linear.scatter [tilespmem:s14], [sflag:$0x1], $0x6000, $0x38;
	[tilespmem:$0x1F400] =	vst v63  }
0x23: {  	_ =	swait.ge [sflag:s15], $0x6000  }
0x24: {  	[sflag:s15] =	ssyncset.done $0x0  }
0x25: {  	[sflag:s15] =	ssyncadd.s32 $0xFFFFA000  }
0x26: {  	[spmem:s9] =	stream.linear.scatter [tilespmem:s14], [sflag:$0x1], $0x800, $0x38;
	[tilespmem:$0x1F400] =	vst v63  }
0x27: {  	_ =	swait.ge [sflag:s15], $0x800  }
0x28: {  	[sflag:s15] =	ssyncset.done $0x0  }
0x29: {  	[sflag:s15] =	ssyncadd.s32 $0xFFFFF800  }
0x2a: {  	s20 =	sadd.s32 $0x0, s12;
	[bflag:$0x0] =	sbarrier.arrive $0xFFFF  }
0x2b: {  	[tilespmem:s3], [sflag:$0x1] =	stream.linear.gather [hbm4b:s20+s3], $0x600, $0x38;
	[tilespmem:$0x1F400] =	vst v63  }
0x2c: {  	_ =	swait.ge [sflag:s15], $0x600  }
0x2d: {  	[sflag:s15] =	ssyncset.done $0x0  }
0x2e: {  	s31 =	sadd.s32 $0x0, s13;
	[sflag:s15] =	ssyncadd.s32 $0xFFFFFA00  }
0x2f: {  	[tilespmem:s16], [sflag:$0x1] =	stream.linear.gather [hbm4b:s31+s3], $0x600, $0x38;
	[tilespmem:$0x1F400] =	vst v63  }
0x30: {  	_ =	swait.ge [sflag:s15], $0x600  }
0x31: {  	[sflag:s15] =	ssyncset.done $0x0  }
0x32: {  	[sflag:s15] =	ssyncadd.s32 $0xFFFFFA00  }
0x33: {  	[tilespmem:s14], [sflag:$0x1] =	stream.indirect.gather [hbm4b:s4+s16], $0x10, s3, s16, $0xb8;
	[tilespmem:$0x1F400] =	vst v63  }
0x34: {  	_ =	swait.ge [sflag:s15], $0x6000  }
0x35: {  	[sflag:s15] =	ssyncset.done $0x0  }
0x36: {  	[sflag:s15] =	ssyncadd.s32 $0xFFFFA000  }
0x37: {  	[spmem:s2] =	stream.indirect.scatter.add.f32 [tilespmem:s14], [sflag:$0x1], $0x10, s16, s16, $0xb8;
	[tilespmem:$0x1F400] =	vst v63  }
0x38: {  	_ =	swait.ge [sflag:s15], $0x6000  }
0x39: {  	s21 =	simm.s32 $0x180;
	s20 =	simm.s32 $0xC0;
	[sflag:s15] =	ssyncset.done $0x0  }
.LBB2_4:
0x3a: {  	s22 =	sadd.s32 s20, s12  }
0x3b: {  	[sflag:s15] =	ssyncadd.s32 $0xFFFFA000;
	s23 =	smov.u32 s21;
	s24 =	sadd.s32 $0xC0, s21  }
0x3c: {  	[tilespmem:s3], [sflag:$0x1] =	stream.linear.gather [hbm4b:s22+s3], $0x600, $0x38;
	[tilespmem:$0x1F400] =	vst v63  }
0x3d: {  	p0 =	sne.s32 s21, $0x1800;
	_ =	swait.ge [sflag:s15], $0x600  }
0x3e: {  	[sflag:s15] =	ssyncset.done $0x0  }
0x3f: {  	s21 =	sadd.s32 s20, s13;
	s20 =	smov.u32 s23;
	[sflag:s15] =	ssyncadd.s32 $0xFFFFFA00  }
0x40: {  	[tilespmem:s16], [sflag:$0x1] =	stream.linear.gather [hbm4b:s21+s3], $0x600, $0x38;
	[tilespmem:$0x1F400] =	vst v63  }
0x41: {  	_ =	swait.ge [sflag:s15], $0x600  }
0x42: {  	[sflag:s15] =	ssyncset.done $0x0  }
0x43: {  	[sflag:s15] =	ssyncadd.s32 $0xFFFFFA00  }
0x44: {  	[tilespmem:s14], [sflag:$0x1] =	stream.indirect.gather [hbm4b:s4+s16], $0x10, s3, s16, $0xb8;
	[tilespmem:$0x1F400] =	vst v63  }
0x45: {  	_ =	swait.ge [sflag:s15], $0x6000  }
.Ltmp1:
0x46: {  	[sflag:s15] =	ssyncset.done $0x0;
	(pc) =	sbr.rel @p0 .LBB2_4-.Ltmp1, $4  }
0x47: {  	[sflag:s15] =	ssyncadd.s32 $0xFFFFA000  }
0x48: {  	[spmem:s2] =	stream.indirect.scatter.add.f32 [tilespmem:s14], [sflag:$0x1], $0x10, s16, s16, $0xb8;
	[tilespmem:$0x1F400] =	vst v63  }
0x49: {  	_ =	swait.ge [sflag:s15], $0x6000  }
0x4a: {  	s21 =	smov.u32 s24;
	[sflag:s15] =	ssyncset.done $0x0  }
0x4b: {  	s21 =	sadd.s32 s20, s12;
	[sflag:s15] =	ssyncadd.s32 $0xFFFFA000  }
0x4c: {  	[tilespmem:s3], [sflag:$0x1] =	stream.linear.gather [hbm4b:s21+s3], $0x600, $0x38;
	[tilespmem:$0x1F400] =	vst v63  }
0x4d: {  	_ =	swait.ge [sflag:s15], $0x600  }
0x4e: {  	[sflag:s15] =	ssyncset.done $0x0  }
0x4f: {  	s31 =	sadd.s32 s20, s13;
	[sflag:s15] =	ssyncadd.s32 $0xFFFFFA00  }
0x50: {  	[tilespmem:s16], [sflag:$0x1] =	stream.linear.gather [hbm4b:s31+s3], $0x600, $0x38;
	[tilespmem:$0x1F400] =	vst v63  }
0x51: {  	_ =	swait.ge [sflag:s15], $0x600  }
0x52: {  	[sflag:s15] =	ssyncset.done $0x0  }
0x53: {  	[sflag:s15] =	ssyncadd.s32 $0xFFFFFA00  }
0x54: {  	[tilespmem:s14], [sflag:$0x1] =	stream.indirect.gather [hbm4b:s4+s16], $0x10, s3, s16, $0xb8;
	[tilespmem:$0x1F400] =	vst v63  }
0x55: {  	_ =	swait.ge [sflag:s15], $0x6000  }
0x56: {  	[sflag:s15] =	ssyncset.done $0x0  }
0x57: {  	[sflag:s15] =	ssyncadd.s32 $0xFFFFA000  }
0x58: {  	[spmem:s2] =	stream.indirect.scatter.add.f32 [tilespmem:s14], [sflag:$0x1], $0x10, s16, s16, $0xb8;
	[tilespmem:$0x1F400] =	vst v63  }
0x59: {  	_ =	swait.ge [sflag:s15], $0x6000  }
0x5a: {  	s19 =	sadd.s32 $0x1, s19;
	[sflag:s15] =	ssyncset.done $0x0  }
0x5b: {  	p0 =	sne.s32 s19, s11;
	[sflag:s15] =	ssyncadd.s32 $0xFFFFA000  }
.Ltmp2:
0x5c: {  	[bflag:$0x0] =	sbarrier.arrive $0xFFFF;
	(pc) =	sbr.rel @p0 .LBB2_1-.Ltmp2, $4  }
0x5d: {  	[hbm:s10], [sflag:s17] =	dma.local [spmem:s18], $0x3100  }
0x5e: {  	_ =	swait.ge [sflag:s15], $0x3100  }
0x5f: {  	[sflag:s15] =	ssyncset.done $0x0  }
0x60: {  	[sflag:s15] =	ssyncadd.s32 $0xFFFFCF00  }
0x61: {  	_ =	sfence.sel $0x180000  }
0x62: {  	[bflag:$0x0] =	sbarrier.arrive $0xFFFF  }
0x63: {  	p0 =	sne.s32 s0, $0x0;
	_ =	strace $0x9000004A  }
0x64: {  	s0 =	sadd.s32 @!p0 $0x100000, s1;
	[bflag:$0x2] =	sbarrier.arrive $0xFFFF  }
0x65: {  	[sflag:s0] =	ssyncadd.tile.s32 @!p0 $0x1;
	_ =	shalt  }
.Lfunc_end2:
_tile_overlayer_lowered:
.L_overlay_start_2:
0x66: {  	(tag) =	ssettag $0x2  }
0x67: {  	s0 =	rddreg [dreg:$0x0];
	s2 =	stileid.u32  }
0x68: {  	s1 =	rddreg [dreg:$0x1];
	p0 =	sne.s32 s2, $0x0  }
0x69: {  	s3 =	rddreg [dreg:$0x2];
	[bflag:$0x3] =	sbarrier.arrive $0xFFFF;
	s2 =	simm.s32 @!p0 $0x1C01  }
0x6a: {  	[timem:s3], [sflag:s2] =	dma.local @!p0 [hbm:s0], s1  }
0x6b: {  	s0 =	simm.s32 @!p0 $0x1  }
0x6c: {  	_ =	swait.ge @!p0 [sflag:s0], s1  }
0x6d: {  	s1 =	ssub.s32 @!p0 $0x0, s1;
	[sflag:s0] =	ssyncset.done @!p0 $0x0  }
0x6e: {  	[sflag:s0] =	ssyncadd.s32 @!p0 s1  }
0x6f: {  	[bflag:$0x3] =	sbarrier.arrive $0xFFFF  }
0x70: {  	_ =	shalt  }

// kernel: kernel.20.cloned.1.call-start
scs
__scs_entry_jumppad:
0x0: {  	(pc) =	sbr.rel $0x88, $3  }
0x1: {  	(tag) =	ssettag $0x0;
	lr =	simm.s32 $0x1  }
0x2: {  	[smem:$0x3F95] =	sst lr;
	_ =	strace $0xD0000000  }
0x3: {  	_ = 	snop  }
0x4: {  	_ = 	snop  }
0x5: {  	_ = 	snop  }
0x6: {  	_ = 	snop  }
0x7: {  	_ = 	snop  }
__scs_overlays_trampoline_lowered:
0x8: {  	[smem:$0x3FA4] =	sst s0  }
0x9: {  	[smem:$0x3FA5] =	sst s1  }
0xa: {  	[smem:$0x3FA6] =	sst s2  }
0xb: {  	[smem:$0x3FA7] =	sst s3  }
0xc: {  	[smem:$0x3FA8] =	sst s4  }
0xd: {  	[smem:$0x3FA9] =	sst s5  }
0xe: {  	[smem:$0x3FAA] =	sst s6  }
0xf: {  	[smem:$0x3FAB] =	sst s7  }
0x10: {  	[smem:$0x3FAC] =	sst s8  }
0x11: {  	[smem:$0x3FAD] =	sst s9;
	s0 =	simm.s32 @!p0 $0x0  }
0x12: {  	s1 =	sld [smem:$0x3F93];
	s0 =	simm.s32 @p0 $0x1  }
0x13: {  	[smem:$0x3FAE] =	sst s0;
	s0 =	simm.s32 @!p1 $0x0  }
0x14: {  	s2 =	sld [smem:$0x3F92];
	s0 =	simm.s32 @p1 $0x1  }
0x15: {  	[smem:$0x3FAF] =	sst s0;
	s0 =	simm.s32 @!p2 $0x0  }
0x16: {  	s3 =	sld [smem:$0x3FDB];
	s0 =	simm.s32 @p2 $0x1  }
0x17: {  	s4 =	simm.s32 $0x1BF5;
	[smem:$0x3FB1] =	sst s0  }
0x18: {  	s0 =	sld [smem:$0x3F94];
	_ =	swait.ge [sflag:s4], $0x0  }
0x19: {  	s7 =	sld [smem:$0x3F95]  }
0x1a: {  	s8 =	sadd.s32 $0xFFFFE003, lr  }
0x1b: {  	s9 =	sadd.s32 $0xFFFFFEF7, lr;
	s5 =	simm.s32 $0xFFFFFFFF;
	p2 =	slt.u32 s8, $0xFFFFF086  }
0x1c: {  	p1 =	slt.u32 s9, $0xF7A;
	s5 =	simm.s32 @!p2 $0x0  }
0x1d: {  	s5 =	simm.s32 @p1 $0x1;
	p0 =	seq.s32 s7, s2  }
0x1e: {  	s7 =	smul.u32 @!p0 $0xF7A, s2;
	p2 =	seq.s32 @!p0 s5, $0x0  }
0x1f: {  	s9 =	smul.u32 $0xF7A, s1;
	s8 =	simm.s32 @!p0 $0x1BF5;
	p2 =	por !p2, p0  }
0x20: {  	[sflag:s8] =	ssyncset.s32 @!p0 $0xFFFFF086;
	s6 =	sadd.s32 @!p0 s3, s7;
	s7 =	simm.s32 @!p0 $0x108  }
0x21: {  	s3 =	sadd.s32 s3, s9;
	s6 =	sadd.s32 @!p0 $0x88, s6;
	s7 =	simm.s32 @p2 $0x1082  }
0x22: {  	[simem:s7], [sflag:s8] =	dma.local @!p0 [hbm:s6], $0xF7A  }
0x23: {  	s9 =	sor.u32 $0xD0000000, s2;
	s6 =	simm.s32 $0x108;
	_ =	swait.ge @!p0 [sflag:s8], $0x0  }
0x24: {  	s3 =	sadd.s32 $0x88, s3;
	s6 =	simm.s32 @!p1 $0x1082;
	[sflag:s4] =	ssyncset.s32 $0xFFFFF086  }
0x25: {  	[simem:s6], [sflag:s4] =	dma.local [hbm:s3], $0xF7A  }
0x26: {  	[smem:$0x3F95] =	sst s1;
	(tag) =	ssettag s2;
	_ =	strace s9  }
0x27: {  	s1 =	sld [smem:$0x3FA5]  }
0x28: {  	s2 =	sld [smem:$0x3FA6]  }
0x29: {  	s4 =	sld [smem:$0x3FA8]  }
0x2a: {  	p0 =	seq.s32 s5, $0x0;
	s5 =	sld [smem:$0x3FA9]  }
0x2b: {  	s6 =	sld [smem:$0x3FAA]  }
0x2c: {  	s7 =	sld [smem:$0x3FAB]  }
0x2d: {  	s3 =	simm.s32 $0x108;
	s8 =	sld [smem:$0x3FAC]  }
0x2e: {  	s3 =	simm.s32 @!p0 $0x1082;
	s9 =	sld [smem:$0x3FAD]  }
0x2f: {  	lr =	sadd.s32 s0, s3;
	s0 =	sld [smem:$0x3FA4]  }
0x30: {  	s3 =	sld [smem:$0x3FA7]  }
0x31: {  	[smem:$0x3FB0] =	sst s10  }
0x32: {  	s10 =	sld [smem:$0x3FAE];
	_ =	sdelay $0x3  }
0x33: {  	p0 =	seq.s32 s10, $0x1;
	s10 =	sld [smem:$0x3FB0];
	_ =	sdelay $0x3  }
0x34: {  	[smem:$0x3FB0] =	sst s10  }
0x35: {  	s10 =	sld [smem:$0x3FAF];
	_ =	sdelay $0x3  }
0x36: {  	p1 =	seq.s32 s10, $0x1;
	s10 =	sld [smem:$0x3FB0];
	_ =	sdelay $0x3  }
0x37: {  	[smem:$0x3FB0] =	sst s10  }
0x38: {  	s10 =	sld [smem:$0x3FB1]  }
0x39: {  	_ = 	snop;
	(pc) =	sbr.ind lr, $3  }
0x3a: {  	_ = 	snop  }
0x3b: {  	_ = 	snop  }
0x3c: {  	p2 =	seq.s32 s10, $0x1;
	s10 =	sld [smem:$0x3FB0]  }
0x3d: {  	_ =	shalt  }
0x3e: {  	_ =	shalt  }
0x3f: {  	_ =	shalt  }
0x40: {  	_ =	shalt  }
0x41: {  	_ =	shalt  }
0x42: {  	_ =	shalt  }
0x43: {  	_ =	shalt  }
0x44: {  	_ =	shalt  }
0x45: {  	_ =	shalt  }
0x46: {  	_ =	shalt  }
0x47: {  	_ =	shalt  }
0x48: {  	_ =	shalt  }
0x49: {  	_ =	shalt  }
0x4a: {  	_ =	shalt  }
0x4b: {  	_ =	shalt  }
0x4c: {  	_ =	shalt  }
0x4d: {  	_ =	shalt  }
0x4e: {  	_ =	shalt  }
0x4f: {  	_ =	shalt  }
0x50: {  	_ =	shalt  }
0x51: {  	_ =	shalt  }
0x52: {  	_ =	shalt  }
0x53: {  	_ =	shalt  }
0x54: {  	_ =	shalt  }
0x55: {  	_ =	shalt  }
0x56: {  	_ =	shalt  }
0x57: {  	_ =	shalt  }
0x58: {  	_ =	shalt  }
0x59: {  	_ =	shalt  }
0x5a: {  	_ =	shalt  }
0x5b: {  	_ =	shalt  }
0x5c: {  	_ =	shalt  }
0x5d: {  	_ =	shalt  }
0x5e: {  	_ =	shalt  }
0x5f: {  	_ =	shalt  }
0x60: {  	_ =	shalt  }
0x61: {  	_ =	shalt  }
0x62: {  	_ =	shalt  }
0x63: {  	_ =	shalt  }
0x64: {  	_ =	shalt  }
0x65: {  	_ =	shalt  }
0x66: {  	_ =	shalt  }
0x67: {  	_ =	shalt  }
0x68: {  	_ =	shalt  }
0x69: {  	_ =	shalt  }
0x6a: {  	_ =	shalt  }
0x6b: {  	_ =	shalt  }
0x6c: {  	_ =	shalt  }
0x6d: {  	_ =	shalt  }
0x6e: {  	_ =	shalt  }
0x6f: {  	_ =	shalt  }
0x70: {  	_ =	shalt  }
0x71: {  	_ =	shalt  }
0x72: {  	_ =	shalt  }
0x73: {  	_ =	shalt  }
0x74: {  	_ =	shalt  }
0x75: {  	_ =	shalt  }
0x76: {  	_ =	shalt  }
0x77: {  	_ =	shalt  }
0x78: {  	_ =	shalt  }
0x79: {  	_ =	shalt  }
0x7a: {  	_ =	shalt  }
0x7b: {  	_ =	shalt  }
0x7c: {  	_ =	shalt  }
0x7d: {  	_ =	shalt  }
0x7e: {  	_ =	shalt  }
0x7f: {  	_ =	shalt  }
0x80: {  	_ =	shalt  }
0x81: {  	_ =	shalt  }
0x82: {  	_ =	shalt  }
0x83: {  	_ =	shalt  }
0x84: {  	_ =	shalt  }
0x85: {  	_ =	shalt  }
0x86: {  	_ =	shalt  }
0x87: {  	_ =	shalt  }
.Lfunc_end0:
.L_simem_size_0:
called_computation.2_lowered:
.L_overlay_start_0:
0x88: {  	s2 =	sld [smem:$0x3FD9]  }
0x89: {  	s3 =	sld [smem:$0x3FFE];
	_ =	sdelay $0x1  }
0x8a: {  	s1 =	srdreg.scid  }
0x8b: {  	s0 =	sand.u32 $0x1, s1  }
0x8c: {  	s16 =	sshll.u32 s0, $0xA;
	s2 =	sadd.s32 s3, s2  }
0x8d: {  	s2 =	sadd.s32 s2, s16  }
0x8e: {  	[smem:$0x3FBC] =	sst s2  }
0x8f: {  	_ = 	snop  }
0x90: {  	(tm) =	ssettm $0x1  }
0x91: {  	s17 =	sld [smem:$0x3FFB];
	_ =	sdelay $0x3  }
0x92: {  	_ =	strace s17  }
0x93: {  	s2 =	sld [smem:$0x3FFC];
	_ =	sdelay $0x3  }
0x94: {  	_ =	strace s2  }
0x95: {  	s2 =	sld [smem:$0x3FFD];
	_ =	sdelay $0x3  }
0x96: {  	_ =	strace s2  }
0x97: {  	_ =	strace $0x8FFFFFFF  }
0x98: {  	s18 =	sld [smem:$0x3FDB];
	_ =	sdelay $0x1  }
0x99: {  	s19 =	simm.s32 $_scs_section_size  }
0x9a: {  	s4 =	simm.s32 $_size__tile_overlayer_lowered;
	s5 =	simm.s32 $_tile_overlayer_lowered  }
0x9b: {  	s22 =	simm.s32 $0x1BFF;
	s21 =	sshll.u32 s5, $0x1;
	s2 =	sadd.s32 s19, s18  }
0x9c: {  	s6 =	simm.s32 $0x0;
	s20 =	sshll.u32 s4, $0x1;
	s4 =	sadd.s32 s21, s2  }
0x9d: {  	[timem:s6], [sflag:s22] =	dma.local [hbm:s4], s20  }
0x9e: {  	_ =	swait.ge [sflag:s22], s20  }
0x9f: {  	s3 =	ssub.s32 $0x0, s20;
	[sflag:s22] =	ssyncset.done $0x0  }
0xa0: {  	[sflag:s22] =	ssyncadd.s32 s3;
	_ =	sdelay $0x1  }
0xa1: {  	s23 =	simm.s32 $0x1B8B  }
0xa2: {  	_ =	swait.ge [sflag:s23], $0x1  }
0xa3: {  	[sflag:s23] =	ssyncset.done $0x0  }
0xa4: {  	s25 =	simm.s32 $0x1B8E;
	s24 =	sld [smem:$0x3FFE];
	[sflag:s23] =	ssyncadd.s32 $0xFFFFFFFF  }
0xa5: {  	s26 =	simm.s32 $execute0_lowered;
	[smem:$0x3FD2] =	sst s25  }
0xa6: {  	s4 =	sshll.u32 s26, $0x1;
	_ =	strace $0x8000004C;
	[dreg:$0x1] =	wrdreg $0xFFFFFFFF  }
0xa7: {  	s28 =	simm.s32 $_size_execute0_lowered;
	s2 =	sadd.s32 s2, s4;
	[dreg:$0x0] =	wrdreg $0x0  }
0xa8: {  	s4 =	sshll.u32 s28, $0x1;
	[dreg:$0x2] =	wrdreg s2  }
0xa9: {  	[dreg:$0x3] =	wrdreg s4  }
0xaa: {  	[dreg:$0x4] =	wrdreg $0xC0  }
0xab: {  	_ =	task [dreg:s6], $0x5FFFF  }
0xac: {  	[dreg:$0x1] =	wrdreg $0xFFFFFFFF  }
0xad: {  	[dreg:$0x0] =	wrdreg $0x60  }
0xae: {  	[dreg:$0x2] =	wrdreg s24  }
0xaf: {  	[dreg:$0x3] =	wrdreg $0x6C000  }
0xb0: {  	[dreg:$0x4] =	wrdreg $0x9  }
0xb1: {  	_ =	task.clear_ibuf [dreg:s6], $0x5FFFF;
	_ =	strace $0x9000004C  }
0xb2: {  	s29 =	simm.s32 $0x9;
	_ =	strace $0x8000004E  }
0xb3: {  	_ =	swait.ge [sflag:s29], $0x1  }
0xb4: {  	[sflag:s29] =	ssyncadd.s32 $0xFFFFFFFF  }
0xb5: {  	_ =	strace $0x9000004E  }
0xb6: {  	_ =	sfence  }
0xb7: {  	s30 =	sld [smem:$0x0];
	_ =	sdelay $0x2  }
0xb8: {  	s31 =	sshll.u32 s1, $0xD;
	s1 =	sshrl.u32 s1, $0x2  }
0xb9: {  	s3 =	sand.u32 $0x4000, s31;
	s1 =	sadd.s32 s1, s30  }
0xba: {  	s0 =	sor.u32 s3, s0;
	s1 =	sshll.u32 s1, $0x11  }
0xbb: {  	s0 =	sor.u32 s1, s0  }
0xbc: {  	s0 =	sadd.s32 $0x8F2B, s0  }
0xbd: {  	[sflag:s0] =	ssyncadd.remote.s32 $0x1  }
0xbe: {  	_ =	sfence.sel $0xFFFF  }
0xbf: {  	[dreg:$0x0] =	wrdreg $0xFFFFFFFF;
	(pc) =	sbr.abs _section_cstart, $3  }
0xc0: {  	[dreg:$0x1] =	wrdreg $0xFFFFFFFF  }
0xc1: {  	_ =	task.clear_ibuf [dreg:s6], $0x2FFFF;
	_ =	strace $0x9FFFFFFF  }
0xc2: {  	(tm) =	ssettm $0x7FFFFFFF  }
0xc3: {  	_ =	shalt  }
tec
execute0_lowered:
.L_overlay_start_1:
0x0: {  	(tag) =	ssettag $0x1  }
0x1: {  	s5 =	rddreg [dreg:$0x0]  }
0x2: {  	s2 =	rddreg [dreg:$0x1]  }
0x3: {  	s0 =	rddreg [dreg:$0x2];
	s3 =	simm.s32 $0x0;
	s1 =	stileid.u32  }
0x4: {  	s8 =	srdreg.scid;
	s17 =	simm.s32 $0x8;
	s18 =	simm.s32 $0x2  }
0x5: {  	s19 =	simm.s32 $0x0;
	s6 =	smul.u32 $0x31000, s1;
	s4 =	sadd.s32 $0x6B6E00, s5  }
0x6: {  	[smem:$0x7FF] =	sst s3;
	s7 =	smul.u32 $0x3180, s1;
	s12 =	sadd.s32 $0x15C400, s5  }
0x7: {  	s8 =	sand.u32 $0x1, s8;
	s11 =	sadd.s32 $0x222400, s5;
	s13 =	smul.u32 $0x18C00, s1  }
0x8: {  	s25 =	smul.u32 $0xC4000, s1;
	s15 =	sshll.u32 s1, $0x6;
	_ =	strace $0x8000004D  }
0x9: {  	s22 =	ssub.s32 $0x2, s8;
	s26 =	sshll.u32 s8, $0x6;
	s8 =	smul.u32 $0x318000, s8  }
0xa: {  	s9 =	sshrl.u32 s6, $0x4;
	s10 =	sadd.s32 s7, s5;
	s23 =	sshrl.u32 s22, $0x1  }
0xb: {  	s24 =	sshrl.u32 s6, $0x1;
	s7 =	sor.u32 s26, s25;
	s6 =	sor.u32 $0x1C01, s15  }
0xc: {  	s15 =	simm.s32 $0x600;
	s21 =	sadd.s32 s9, s5;
	s9 =	ssub.s32 s22, s23  }
0xd: {  	s14 =	sadd.s32 s24, s2;
	s28 =	sshrl.u32 s7, $0x4;
	s16 =	sor.u32 $0x20, s7  }
0xe: {  	s13 =	sadd.s32 s13, s8;
	s10 =	sadd.s32 $0x66C00, s10;
	s5 =	sadd.s32 $0x12B400, s21  }
0xf: {  	s7 =	sadd.s32 s11, s28;
	s29 =	sshrl.u32 s16, $0x4;
	s9 =	smax.u32 s9, $0x1  }
0x10: {  	s30 =	sadd.s32 $0x18C000, s13;
	s13 =	sshrl.u32 s13, $0x3;
	s16 =	simm.s32 $0xC00  }
0x11: {  	s8 =	sadd.s32 s11, s29;
	s31 =	sshrl.u32 s30, $0x3;
	s11 =	sadd.s32 s13, s12  }
0x12: {  	s13 =	sshrl.u32 s14, $0x3;
	s14 =	simm.s32 $0x1;
	s12 =	sadd.s32 s31, s12  }
.LBB2_1:
0x13: {  	[spmem:s13], [sflag:s6] =	dma.local [hbm:s5], $0x3100  }
0x14: {  	_ =	swait.ge [sflag:s14], $0x3100  }
0x15: {  	[sflag:s14] =	ssyncset.done $0x0  }
0x16: {  	[sflag:s14] =	ssyncadd.s32 $0xFFFFCF00  }
0x17: {  	s20 =	sadd.s32 $0x0, s11;
	[bflag:$0x0] =	sbarrier.arrive $0xFFFF  }
0x18: {  	[tilespmem:s3], [sflag:$0x1] =	stream.linear.gather [hbm4b:s20+s3], $0x600, $0x38;
	[tilespmem:$0x1F400] =	vst v63  }
0x19: {  	_ =	swait.ge [sflag:s14], $0x600  }
0x1a: {  	[sflag:s14] =	ssyncset.done $0x0  }
0x1b: {  	s31 =	sadd.s32 $0x0, s10;
	[sflag:s14] =	ssyncadd.s32 $0xFFFFFA00  }
0x1c: {  	[tilespmem:s15], [sflag:$0x1] =	stream.linear.gather [hbm4b:s31+s3], $0x600, $0x38;
	[tilespmem:$0x1F400] =	vst v63  }
0x1d: {  	_ =	swait.ge [sflag:s14], $0x600  }
0x1e: {  	[sflag:s14] =	ssyncset.done $0x0  }
0x1f: {  	[sflag:s14] =	ssyncadd.s32 $0xFFFFFA00  }
0x20: {  	[tilespmem:s16], [sflag:$0x1] =	stream.indirect.gather [hbm4b:s4+s15], $0x10, s3, s15, $0xb8;
	[tilespmem:$0x1F400] =	vst v63  }
0x21: {  	_ =	swait.ge [sflag:s14], $0x6000  }
0x22: {  	[sflag:s14] =	ssyncset.done $0x0  }
0x23: {  	[sflag:s14] =	ssyncadd.s32 $0xFFFFA000  }
0x24: {  	[spmem:s2] =	stream.indirect.scatter.add.bf16 [tilespmem:s16], [sflag:$0x1], $0x10, s15, s15, $0xb8;
	[tilespmem:$0x1F400] =	vst v63  }
0x25: {  	_ =	swait.ge [sflag:s14], $0x6000  }
0x26: {  	s21 =	simm.s32 $0x180;
	s20 =	simm.s32 $0xC0;
	[sflag:s14] =	ssyncset.done $0x0  }
.LBB2_2:
0x27: {  	s22 =	sadd.s32 s20, s11  }
0x28: {  	[sflag:s14] =	ssyncadd.s32 $0xFFFFA000;
	s23 =	smov.u32 s21;
	s24 =	sadd.s32 $0xC0, s21  }
0x29: {  	[tilespmem:s3], [sflag:$0x1] =	stream.linear.gather [hbm4b:s22+s3], $0x600, $0x38;
	[tilespmem:$0x1F400] =	vst v63  }
0x2a: {  	p0 =	sne.s32 s21, $0x30C0;
	_ =	swait.ge [sflag:s14], $0x600  }
0x2b: {  	[sflag:s14] =	ssyncset.done $0x0  }
0x2c: {  	s21 =	sadd.s32 s20, s10;
	s20 =	smov.u32 s23;
	[sflag:s14] =	ssyncadd.s32 $0xFFFFFA00  }
0x2d: {  	[tilespmem:s15], [sflag:$0x1] =	stream.linear.gather [hbm4b:s21+s3], $0x600, $0x38;
	[tilespmem:$0x1F400] =	vst v63  }
0x2e: {  	_ =	swait.ge [sflag:s14], $0x600  }
0x2f: {  	[sflag:s14] =	ssyncset.done $0x0  }
0x30: {  	[sflag:s14] =	ssyncadd.s32 $0xFFFFFA00  }
0x31: {  	[tilespmem:s16], [sflag:$0x1] =	stream.indirect.gather [hbm4b:s4+s15], $0x10, s3, s15, $0xb8;
	[tilespmem:$0x1F400] =	vst v63  }
0x32: {  	_ =	swait.ge [sflag:s14], $0x6000  }
.Ltmp0:
0x33: {  	[sflag:s14] =	ssyncset.done $0x0;
	(pc) =	sbr.rel @p0 .LBB2_2-.Ltmp0, $4  }
0x34: {  	[sflag:s14] =	ssyncadd.s32 $0xFFFFA000  }
0x35: {  	[spmem:s2] =	stream.indirect.scatter.add.bf16 [tilespmem:s16], [sflag:$0x1], $0x10, s15, s15, $0xb8;
	[tilespmem:$0x1F400] =	vst v63  }
0x36: {  	_ =	swait.ge [sflag:s14], $0x6000  }
0x37: {  	s21 =	smov.u32 s24;
	[sflag:s14] =	ssyncset.done $0x0  }
0x38: {  	s21 =	sadd.s32 s20, s11;
	[sflag:s14] =	ssyncadd.s32 $0xFFFFA000  }
0x39: {  	[tilespmem:s3], [sflag:$0x1] =	stream.linear.gather [hbm4b:s21+s3], $0x600, $0x38;
	[tilespmem:$0x1F400] =	vst v63  }
0x3a: {  	_ =	swait.ge [sflag:s14], $0x600  }
0x3b: {  	[sflag:s14] =	ssyncset.done $0x0  }
0x3c: {  	s29 =	sadd.s32 s20, s10;
	[sflag:s14] =	ssyncadd.s32 $0xFFFFFA00  }
0x3d: {  	[tilespmem:s15], [sflag:$0x1] =	stream.linear.gather [hbm4b:s29+s3], $0x600, $0x38;
	[tilespmem:$0x1F400] =	vst v63  }
0x3e: {  	_ =	swait.ge [sflag:s14], $0x600  }
0x3f: {  	[sflag:s14] =	ssyncset.done $0x0  }
0x40: {  	[sflag:s14] =	ssyncadd.s32 $0xFFFFFA00  }
0x41: {  	[tilespmem:s16], [sflag:$0x1] =	stream.indirect.gather [hbm4b:s4+s15], $0x10, s3, s15, $0xb8;
	[tilespmem:$0x1F400] =	vst v63  }
0x42: {  	_ =	swait.ge [sflag:s14], $0x6000  }
0x43: {  	[sflag:s14] =	ssyncset.done $0x0  }
0x44: {  	[sflag:s14] =	ssyncadd.s32 $0xFFFFA000  }
0x45: {  	[spmem:s2] =	stream.indirect.scatter.add.bf16 [tilespmem:s16], [sflag:$0x1], $0x10, s15, s15, $0xb8;
	[tilespmem:$0x1F400] =	vst v63  }
0x46: {  	_ =	swait.ge [sflag:s14], $0x6000  }
0x47: {  	[sflag:s14] =	ssyncset.done $0x0  }
0x48: {  	[sflag:s14] =	ssyncadd.s32 $0xFFFFA000  }
0x49: {  	[bflag:$0x0] =	sbarrier.arrive $0xFFFF  }
0x4a: {  	[hbm:s7@s17], [sflag:s6] =	dma.strided [spmem:s13@s18], $0x3100, s14, $0x2   }
0x4b: {  	_ =	swait.ge [sflag:s14], $0x3100  }
0x4c: {  	[sflag:s14] =	ssyncset.done $0x0  }
0x4d: {  	[sflag:s14] =	ssyncadd.s32 $0xFFFFCF00  }
0x4e: {  	[spmem:s13], [sflag:s6] =	dma.local [hbm:s5], $0x3100  }
0x4f: {  	_ =	swait.ge [sflag:s14], $0x3100  }
0x50: {  	[sflag:s14] =	ssyncset.done $0x0  }
0x51: {  	[sflag:s14] =	ssyncadd.s32 $0xFFFFCF00  }
0x52: {  	s30 =	sadd.s32 $0x0, s12;
	[bflag:$0x0] =	sbarrier.arrive $0xFFFF  }
0x53: {  	[tilespmem:s3], [sflag:$0x1] =	stream.linear.gather [hbm4b:s30+s3], $0x600, $0x38;
	[tilespmem:$0x1F400] =	vst v63  }
0x54: {  	_ =	swait.ge [sflag:s14], $0x600  }
0x55: {  	[sflag:s14] =	ssyncset.done $0x0  }
0x56: {  	s31 =	sadd.s32 $0x0, s10;
	[sflag:s14] =	ssyncadd.s32 $0xFFFFFA00  }
0x57: {  	[tilespmem:s15], [sflag:$0x1] =	stream.linear.gather [hbm4b:s31+s3], $0x600, $0x38;
	[tilespmem:$0x1F400] =	vst v63  }
0x58: {  	_ =	swait.ge [sflag:s14], $0x600  }
0x59: {  	[sflag:s14] =	ssyncset.done $0x0  }
0x5a: {  	[sflag:s14] =	ssyncadd.s32 $0xFFFFFA00  }
0x5b: {  	[tilespmem:s16], [sflag:$0x1] =	stream.indirect.gather [hbm4b:s4+s15], $0x10, s3, s15, $0xb8;
	[tilespmem:$0x1F400] =	vst v63  }
0x5c: {  	_ =	swait.ge [sflag:s14], $0x6000  }
0x5d: {  	[sflag:s14] =	ssyncset.done $0x0  }
0x5e: {  	[sflag:s14] =	ssyncadd.s32 $0xFFFFA000  }
0x5f: {  	[spmem:s2] =	stream.indirect.scatter.add.bf16 [tilespmem:s16], [sflag:$0x1], $0x10, s15, s15, $0xb8;
	[tilespmem:$0x1F400] =	vst v63  }
0x60: {  	_ =	swait.ge [sflag:s14], $0x6000  }
0x61: {  	s20 =	simm.s32 $0xC0;
	s21 =	simm.s32 $0x180;
	[sflag:s14] =	ssyncset.done $0x0  }
.LBB2_4:
0x62: {  	s22 =	sadd.s32 s20, s12  }
0x63: {  	[sflag:s14] =	ssyncadd.s32 $0xFFFFA000;
	s23 =	smov.u32 s21;
	s24 =	sadd.s32 $0xC0, s21  }
0x64: {  	[tilespmem:s3], [sflag:$0x1] =	stream.linear.gather [hbm4b:s22+s3], $0x600, $0x38;
	[tilespmem:$0x1F400] =	vst v63  }
0x65: {  	p0 =	sne.s32 s21, $0x30C0;
	_ =	swait.ge [sflag:s14], $0x600  }
0x66: {  	[sflag:s14] =	ssyncset.done $0x0  }
0x67: {  	s21 =	sadd.s32 s20, s10;
	s20 =	smov.u32 s23;
	[sflag:s14] =	ssyncadd.s32 $0xFFFFFA00  }
0x68: {  	[tilespmem:s15], [sflag:$0x1] =	stream.linear.gather [hbm4b:s21+s3], $0x600, $0x38;
	[tilespmem:$0x1F400] =	vst v63  }
0x69: {  	_ =	swait.ge [sflag:s14], $0x600  }
0x6a: {  	[sflag:s14] =	ssyncset.done $0x0  }
0x6b: {  	[sflag:s14] =	ssyncadd.s32 $0xFFFFFA00  }
0x6c: {  	[tilespmem:s16], [sflag:$0x1] =	stream.indirect.gather [hbm4b:s4+s15], $0x10, s3, s15, $0xb8;
	[tilespmem:$0x1F400] =	vst v63  }
0x6d: {  	_ =	swait.ge [sflag:s14], $0x6000  }
.Ltmp1:
0x6e: {  	[sflag:s14] =	ssyncset.done $0x0;
	(pc) =	sbr.rel @p0 .LBB2_4-.Ltmp1, $4  }
0x6f: {  	[sflag:s14] =	ssyncadd.s32 $0xFFFFA000  }
0x70: {  	[spmem:s2] =	stream.indirect.scatter.add.bf16 [tilespmem:s16], [sflag:$0x1], $0x10, s15, s15, $0xb8;
	[tilespmem:$0x1F400] =	vst v63  }
0x71: {  	_ =	swait.ge [sflag:s14], $0x6000  }
0x72: {  	s21 =	smov.u32 s24;
	[sflag:s14] =	ssyncset.done $0x0  }
0x73: {  	s21 =	sadd.s32 s20, s12;
	[sflag:s14] =	ssyncadd.s32 $0xFFFFA000  }
0x74: {  	[tilespmem:s3], [sflag:$0x1] =	stream.linear.gather [hbm4b:s21+s3], $0x600, $0x38;
	[tilespmem:$0x1F400] =	vst v63  }
0x75: {  	_ =	swait.ge [sflag:s14], $0x600  }
0x76: {  	[sflag:s14] =	ssyncset.done $0x0  }
0x77: {  	s31 =	sadd.s32 s20, s10;
	[sflag:s14] =	ssyncadd.s32 $0xFFFFFA00  }
0x78: {  	[tilespmem:s15], [sflag:$0x1] =	stream.linear.gather [hbm4b:s31+s3], $0x600, $0x38;
	[tilespmem:$0x1F400] =	vst v63  }
0x79: {  	_ =	swait.ge [sflag:s14], $0x600  }
0x7a: {  	[sflag:s14] =	ssyncset.done $0x0  }
0x7b: {  	[sflag:s14] =	ssyncadd.s32 $0xFFFFFA00  }
0x7c: {  	[tilespmem:s16], [sflag:$0x1] =	stream.indirect.gather [hbm4b:s4+s15], $0x10, s3, s15, $0xb8;
	[tilespmem:$0x1F400] =	vst v63  }
0x7d: {  	_ =	swait.ge [sflag:s14], $0x6000  }
0x7e: {  	[sflag:s14] =	ssyncset.done $0x0  }
0x7f: {  	[sflag:s14] =	ssyncadd.s32 $0xFFFFA000  }
0x80: {  	[spmem:s2] =	stream.indirect.scatter.add.bf16 [tilespmem:s16], [sflag:$0x1], $0x10, s15, s15, $0xb8;
	[tilespmem:$0x1F400] =	vst v63  }
0x81: {  	_ =	swait.ge [sflag:s14], $0x6000  }
0x82: {  	s19 =	sadd.s32 $0x1, s19;
	[sflag:s14] =	ssyncset.done $0x0  }
0x83: {  	p0 =	sne.s32 s19, s9;
	[sflag:s14] =	ssyncadd.s32 $0xFFFFA000  }
.Ltmp2:
0x84: {  	[bflag:$0x0] =	sbarrier.arrive $0xFFFF;
	(pc) =	sbr.rel @p0 .LBB2_1-.Ltmp2, $4  }
0x85: {  	[hbm:s8@s17], [sflag:s6] =	dma.strided [spmem:s13@s18], $0x3100, s14, $0x2   }
0x86: {  	_ =	swait.ge [sflag:s14], $0x3100  }
0x87: {  	[sflag:s14] =	ssyncset.done $0x0  }
0x88: {  	[sflag:s14] =	ssyncadd.s32 $0xFFFFCF00  }
0x89: {  	_ =	sfence.sel $0x180000  }
0x8a: {  	[bflag:$0x0] =	sbarrier.arrive $0xFFFF  }
0x8b: {  	p0 =	sne.s32 s1, $0x0;
	_ =	strace $0x9000004D  }
0x8c: {  	s0 =	sadd.s32 @!p0 $0x100000, s0;
	[bflag:$0x2] =	sbarrier.arrive $0xFFFF  }
0x8d: {  	[sflag:s0] =	ssyncadd.tile.s32 @!p0 $0x1;
	_ =	shalt  }
.Lfunc_end2:
_tile_overlayer_lowered:
.L_overlay_start_2:
0x8e: {  	(tag) =	ssettag $0x2  }
0x8f: {  	s0 =	rddreg [dreg:$0x0];
	s2 =	stileid.u32  }
0x90: {  	s1 =	rddreg [dreg:$0x1];
	p0 =	sne.s32 s2, $0x0  }
0x91: {  	s3 =	rddreg [dreg:$0x2];
	[bflag:$0x3] =	sbarrier.arrive $0xFFFF;
	s2 =	simm.s32 @!p0 $0x1C01  }
0x92: {  	[timem:s3], [sflag:s2] =	dma.local @!p0 [hbm:s0], s1  }
0x93: {  	s0 =	simm.s32 @!p0 $0x1  }
0x94: {  	_ =	swait.ge @!p0 [sflag:s0], s1  }
0x95: {  	s1 =	ssub.s32 @!p0 $0x0, s1;
	[sflag:s0] =	ssyncset.done @!p0 $0x0  }
0x96: {  	[sflag:s0] =	ssyncadd.s32 @!p0 s1  }
0x97: {  	[bflag:$0x3] =	sbarrier.arrive $0xFFFF  }
0x98: {  	_ =	shalt  }

// kernel: kernel.23.cloned.1.call-start
scs
__scs_entry_jumppad:
0x0: {  	(pc) =	sbr.rel $0x88, $3  }
0x1: {  	(tag) =	ssettag $0x0;
	lr =	simm.s32 $0x1  }
0x2: {  	[smem:$0x3F95] =	sst lr;
	_ =	strace $0xD0000000  }
0x3: {  	_ = 	snop  }
0x4: {  	_ = 	snop  }
0x5: {  	_ = 	snop  }
0x6: {  	_ = 	snop  }
0x7: {  	_ = 	snop  }
__scs_overlays_trampoline_lowered:
0x8: {  	[smem:$0x3FA4] =	sst s0  }
0x9: {  	[smem:$0x3FA5] =	sst s1  }
0xa: {  	[smem:$0x3FA6] =	sst s2  }
0xb: {  	[smem:$0x3FA7] =	sst s3  }
0xc: {  	[smem:$0x3FA8] =	sst s4  }
0xd: {  	[smem:$0x3FA9] =	sst s5  }
0xe: {  	[smem:$0x3FAA] =	sst s6  }
0xf: {  	[smem:$0x3FAB] =	sst s7  }
0x10: {  	[smem:$0x3FAC] =	sst s8  }
0x11: {  	[smem:$0x3FAD] =	sst s9;
	s0 =	simm.s32 @!p0 $0x0  }
0x12: {  	s1 =	sld [smem:$0x3F93];
	s0 =	simm.s32 @p0 $0x1  }
0x13: {  	[smem:$0x3FAE] =	sst s0;
	s0 =	simm.s32 @!p1 $0x0  }
0x14: {  	s2 =	sld [smem:$0x3F92];
	s0 =	simm.s32 @p1 $0x1  }
0x15: {  	[smem:$0x3FAF] =	sst s0;
	s0 =	simm.s32 @!p2 $0x0  }
0x16: {  	s3 =	sld [smem:$0x3FDB];
	s0 =	simm.s32 @p2 $0x1  }
0x17: {  	s4 =	simm.s32 $0x1BF5;
	[smem:$0x3FB1] =	sst s0  }
0x18: {  	s0 =	sld [smem:$0x3F94];
	_ =	swait.ge [sflag:s4], $0x0  }
0x19: {  	s7 =	sld [smem:$0x3F95]  }
0x1a: {  	s8 =	sadd.s32 $0xFFFFE003, lr  }
0x1b: {  	s9 =	sadd.s32 $0xFFFFFEF7, lr;
	s5 =	simm.s32 $0xFFFFFFFF;
	p2 =	slt.u32 s8, $0xFFFFF086  }
0x1c: {  	p1 =	slt.u32 s9, $0xF7A;
	s5 =	simm.s32 @!p2 $0x0  }
0x1d: {  	s5 =	simm.s32 @p1 $0x1;
	p0 =	seq.s32 s7, s2  }
0x1e: {  	s7 =	smul.u32 @!p0 $0xF7A, s2;
	p2 =	seq.s32 @!p0 s5, $0x0  }
0x1f: {  	s9 =	smul.u32 $0xF7A, s1;
	s8 =	simm.s32 @!p0 $0x1BF5;
	p2 =	por !p2, p0  }
0x20: {  	[sflag:s8] =	ssyncset.s32 @!p0 $0xFFFFF086;
	s6 =	sadd.s32 @!p0 s3, s7;
	s7 =	simm.s32 @!p0 $0x108  }
0x21: {  	s3 =	sadd.s32 s3, s9;
	s6 =	sadd.s32 @!p0 $0x88, s6;
	s7 =	simm.s32 @p2 $0x1082  }
0x22: {  	[simem:s7], [sflag:s8] =	dma.local @!p0 [hbm:s6], $0xF7A  }
0x23: {  	s9 =	sor.u32 $0xD0000000, s2;
	s6 =	simm.s32 $0x108;
	_ =	swait.ge @!p0 [sflag:s8], $0x0  }
0x24: {  	s3 =	sadd.s32 $0x88, s3;
	s6 =	simm.s32 @!p1 $0x1082;
	[sflag:s4] =	ssyncset.s32 $0xFFFFF086  }
0x25: {  	[simem:s6], [sflag:s4] =	dma.local [hbm:s3], $0xF7A  }
0x26: {  	[smem:$0x3F95] =	sst s1;
	(tag) =	ssettag s2;
	_ =	strace s9  }
0x27: {  	s1 =	sld [smem:$0x3FA5]  }
0x28: {  	s2 =	sld [smem:$0x3FA6]  }
0x29: {  	s4 =	sld [smem:$0x3FA8]  }
0x2a: {  	p0 =	seq.s32 s5, $0x0;
	s5 =	sld [smem:$0x3FA9]  }
0x2b: {  	s6 =	sld [smem:$0x3FAA]  }
0x2c: {  	s7 =	sld [smem:$0x3FAB]  }
0x2d: {  	s3 =	simm.s32 $0x108;
	s8 =	sld [smem:$0x3FAC]  }
0x2e: {  	s3 =	simm.s32 @!p0 $0x1082;
	s9 =	sld [smem:$0x3FAD]  }
0x2f: {  	lr =	sadd.s32 s0, s3;
	s0 =	sld [smem:$0x3FA4]  }
0x30: {  	s3 =	sld [smem:$0x3FA7]  }
0x31: {  	[smem:$0x3FB0] =	sst s10  }
0x32: {  	s10 =	sld [smem:$0x3FAE];
	_ =	sdelay $0x3  }
0x33: {  	p0 =	seq.s32 s10, $0x1;
	s10 =	sld [smem:$0x3FB0];
	_ =	sdelay $0x3  }
0x34: {  	[smem:$0x3FB0] =	sst s10  }
0x35: {  	s10 =	sld [smem:$0x3FAF];
	_ =	sdelay $0x3  }
0x36: {  	p1 =	seq.s32 s10, $0x1;
	s10 =	sld [smem:$0x3FB0];
	_ =	sdelay $0x3  }
0x37: {  	[smem:$0x3FB0] =	sst s10  }
0x38: {  	s10 =	sld [smem:$0x3FB1]  }
0x39: {  	_ = 	snop;
	(pc) =	sbr.ind lr, $3  }
0x3a: {  	_ = 	snop  }
0x3b: {  	_ = 	snop  }
0x3c: {  	p2 =	seq.s32 s10, $0x1;
	s10 =	sld [smem:$0x3FB0]  }
0x3d: {  	_ =	shalt  }
0x3e: {  	_ =	shalt  }
0x3f: {  	_ =	shalt  }
0x40: {  	_ =	shalt  }
0x41: {  	_ =	shalt  }
0x42: {  	_ =	shalt  }
0x43: {  	_ =	shalt  }
0x44: {  	_ =	shalt  }
0x45: {  	_ =	shalt  }
0x46: {  	_ =	shalt  }
0x47: {  	_ =	shalt  }
0x48: {  	_ =	shalt  }
0x49: {  	_ =	shalt  }
0x4a: {  	_ =	shalt  }
0x4b: {  	_ =	shalt  }
0x4c: {  	_ =	shalt  }
0x4d: {  	_ =	shalt  }
0x4e: {  	_ =	shalt  }
0x4f: {  	_ =	shalt  }
0x50: {  	_ =	shalt  }
0x51: {  	_ =	shalt  }
0x52: {  	_ =	shalt  }
0x53: {  	_ =	shalt  }
0x54: {  	_ =	shalt  }
0x55: {  	_ =	shalt  }
0x56: {  	_ =	shalt  }
0x57: {  	_ =	shalt  }
0x58: {  	_ =	shalt  }
0x59: {  	_ =	shalt  }
0x5a: {  	_ =	shalt  }
0x5b: {  	_ =	shalt  }
0x5c: {  	_ =	shalt  }
0x5d: {  	_ =	shalt  }
0x5e: {  	_ =	shalt  }
0x5f: {  	_ =	shalt  }
0x60: {  	_ =	shalt  }
0x61: {  	_ =	shalt  }
0x62: {  	_ =	shalt  }
0x63: {  	_ =	shalt  }
0x64: {  	_ =	shalt  }
0x65: {  	_ =	shalt  }
0x66: {  	_ =	shalt  }
0x67: {  	_ =	shalt  }
0x68: {  	_ =	shalt  }
0x69: {  	_ =	shalt  }
0x6a: {  	_ =	shalt  }
0x6b: {  	_ =	shalt  }
0x6c: {  	_ =	shalt  }
0x6d: {  	_ =	shalt  }
0x6e: {  	_ =	shalt  }
0x6f: {  	_ =	shalt  }
0x70: {  	_ =	shalt  }
0x71: {  	_ =	shalt  }
0x72: {  	_ =	shalt  }
0x73: {  	_ =	shalt  }
0x74: {  	_ =	shalt  }
0x75: {  	_ =	shalt  }
0x76: {  	_ =	shalt  }
0x77: {  	_ =	shalt  }
0x78: {  	_ =	shalt  }
0x79: {  	_ =	shalt  }
0x7a: {  	_ =	shalt  }
0x7b: {  	_ =	shalt  }
0x7c: {  	_ =	shalt  }
0x7d: {  	_ =	shalt  }
0x7e: {  	_ =	shalt  }
0x7f: {  	_ =	shalt  }
0x80: {  	_ =	shalt  }
0x81: {  	_ =	shalt  }
0x82: {  	_ =	shalt  }
0x83: {  	_ =	shalt  }
0x84: {  	_ =	shalt  }
0x85: {  	_ =	shalt  }
0x86: {  	_ =	shalt  }
0x87: {  	_ =	shalt  }
.Lfunc_end0:
.L_simem_size_0:
called_computation.3_lowered:
.L_overlay_start_0:
0x88: {  	s2 =	sld [smem:$0x3FD9]  }
0x89: {  	s3 =	sld [smem:$0x3FFE];
	_ =	sdelay $0x1  }
0x8a: {  	s1 =	srdreg.scid  }
0x8b: {  	s0 =	sand.u32 $0x1, s1  }
0x8c: {  	s16 =	sshll.u32 s0, $0xA;
	s2 =	sadd.s32 s3, s2  }
0x8d: {  	s2 =	sadd.s32 s2, s16  }
0x8e: {  	[smem:$0x3FBC] =	sst s2  }
0x8f: {  	_ = 	snop  }
0x90: {  	(tm) =	ssettm $0x1  }
0x91: {  	s17 =	sld [smem:$0x3FFB];
	_ =	sdelay $0x3  }
0x92: {  	_ =	strace s17  }
0x93: {  	s2 =	sld [smem:$0x3FFC];
	_ =	sdelay $0x3  }
0x94: {  	_ =	strace s2  }
0x95: {  	s2 =	sld [smem:$0x3FFD];
	_ =	sdelay $0x3  }
0x96: {  	_ =	strace s2  }
0x97: {  	_ =	strace $0x8FFFFFFF  }
0x98: {  	s18 =	sld [smem:$0x3FDB];
	_ =	sdelay $0x1  }
0x99: {  	s19 =	simm.s32 $_scs_section_size  }
0x9a: {  	s4 =	simm.s32 $_size__tile_overlayer_lowered;
	s5 =	simm.s32 $_tile_overlayer_lowered  }
0x9b: {  	s22 =	simm.s32 $0x1BFF;
	s21 =	sshll.u32 s5, $0x1;
	s2 =	sadd.s32 s19, s18  }
0x9c: {  	s6 =	simm.s32 $0x0;
	s20 =	sshll.u32 s4, $0x1;
	s4 =	sadd.s32 s21, s2  }
0x9d: {  	[timem:s6], [sflag:s22] =	dma.local [hbm:s4], s20  }
0x9e: {  	_ =	swait.ge [sflag:s22], s20  }
0x9f: {  	s3 =	ssub.s32 $0x0, s20;
	[sflag:s22] =	ssyncset.done $0x0  }
0xa0: {  	[sflag:s22] =	ssyncadd.s32 s3;
	_ =	sdelay $0x1  }
0xa1: {  	s23 =	simm.s32 $0x1B8B  }
0xa2: {  	_ =	swait.ge [sflag:s23], $0x1  }
0xa3: {  	[sflag:s23] =	ssyncset.done $0x0  }
0xa4: {  	s25 =	simm.s32 $0x1B8E;
	s24 =	sld [smem:$0x3FFE];
	[sflag:s23] =	ssyncadd.s32 $0xFFFFFFFF  }
0xa5: {  	s26 =	simm.s32 $execute0_lowered;
	[smem:$0x3FD2] =	sst s25  }
0xa6: {  	s4 =	sshll.u32 s26, $0x1;
	_ =	strace $0x8000004F;
	[dreg:$0x1] =	wrdreg $0xFFFFFFFF  }
0xa7: {  	s28 =	simm.s32 $_size_execute0_lowered;
	s2 =	sadd.s32 s2, s4;
	[dreg:$0x0] =	wrdreg $0x0  }
0xa8: {  	s4 =	sshll.u32 s28, $0x1;
	[dreg:$0x2] =	wrdreg s2  }
0xa9: {  	[dreg:$0x3] =	wrdreg s4  }
0xaa: {  	[dreg:$0x4] =	wrdreg $0xC0  }
0xab: {  	_ =	task [dreg:s6], $0x5FFFF  }
0xac: {  	[dreg:$0x1] =	wrdreg $0xFFFFFFFF  }
0xad: {  	[dreg:$0x0] =	wrdreg $0x60  }
0xae: {  	[dreg:$0x2] =	wrdreg s24  }
0xaf: {  	[dreg:$0x3] =	wrdreg $0x6C000  }
0xb0: {  	[dreg:$0x4] =	wrdreg $0x9  }
0xb1: {  	_ =	task.clear_ibuf [dreg:s6], $0x5FFFF;
	_ =	strace $0x9000004F  }
0xb2: {  	s29 =	simm.s32 $0x9;
	_ =	strace $0x80000051  }
0xb3: {  	_ =	swait.ge [sflag:s29], $0x1  }
0xb4: {  	[sflag:s29] =	ssyncadd.s32 $0xFFFFFFFF  }
0xb5: {  	_ =	strace $0x90000051  }
0xb6: {  	_ =	sfence  }
0xb7: {  	s30 =	sld [smem:$0x0];
	_ =	sdelay $0x2  }
0xb8: {  	s31 =	sshll.u32 s1, $0xD;
	s1 =	sshrl.u32 s1, $0x2  }
0xb9: {  	s3 =	sand.u32 $0x4000, s31;
	s1 =	sadd.s32 s1, s30  }
0xba: {  	s0 =	sor.u32 s3, s0;
	s1 =	sshll.u32 s1, $0x11  }
0xbb: {  	s0 =	sor.u32 s1, s0  }
0xbc: {  	s0 =	sadd.s32 $0x8F2B, s0  }
0xbd: {  	[sflag:s0] =	ssyncadd.remote.s32 $0x1  }
0xbe: {  	_ =	sfence.sel $0xFFFF  }
0xbf: {  	[dreg:$0x0] =	wrdreg $0xFFFFFFFF;
	(pc) =	sbr.abs _section_cstart, $3  }
0xc0: {  	[dreg:$0x1] =	wrdreg $0xFFFFFFFF  }
0xc1: {  	_ =	task.clear_ibuf [dreg:s6], $0x2FFFF;
	_ =	strace $0x9FFFFFFF  }
0xc2: {  	(tm) =	ssettm $0x7FFFFFFF  }
0xc3: {  	_ =	shalt  }
tec
execute0_lowered:
.L_overlay_start_1:
0x0: {  	(tag) =	ssettag $0x1  }
0x1: {  	s5 =	rddreg [dreg:$0x0]  }
0x2: {  	s2 =	rddreg [dreg:$0x1]  }
0x3: {  	s0 =	rddreg [dreg:$0x2];
	s3 =	simm.s32 $0x0;
	s1 =	stileid.u32  }
0x4: {  	s8 =	srdreg.scid;
	s17 =	simm.s32 $0x8;
	s18 =	simm.s32 $0x2  }
0x5: {  	s19 =	simm.s32 $0x0;
	s6 =	smul.u32 $0x31000, s1;
	s4 =	sadd.s32 $0x6B6E00, s5  }
0x6: {  	[smem:$0x7FF] =	sst s3;
	s7 =	smul.u32 $0x3180, s1;
	s12 =	sadd.s32 $0x15C400, s5  }
0x7: {  	s8 =	sand.u32 $0x1, s8;
	s11 =	sadd.s32 $0x222400, s5;
	s13 =	smul.u32 $0x18C00, s1  }
0x8: {  	s25 =	smul.u32 $0xC4000, s1;
	s15 =	sshll.u32 s1, $0x6;
	_ =	strace $0x80000050  }
0x9: {  	s22 =	ssub.s32 $0x2, s8;
	s26 =	sshll.u32 s8, $0x6;
	s8 =	smul.u32 $0x318000, s8  }
0xa: {  	s9 =	sshrl.u32 s6, $0x4;
	s10 =	sadd.s32 s7, s5;
	s23 =	sshrl.u32 s22, $0x1  }
0xb: {  	s24 =	sshrl.u32 s6, $0x1;
	s7 =	sor.u32 s26, s25;
	s6 =	sor.u32 $0x1C01, s15  }
0xc: {  	s15 =	simm.s32 $0x600;
	s21 =	sadd.s32 s9, s5;
	s9 =	ssub.s32 s22, s23  }
0xd: {  	s14 =	sadd.s32 s24, s2;
	s28 =	sshrl.u32 s7, $0x4;
	s16 =	sor.u32 $0x20, s7  }
0xe: {  	s13 =	sadd.s32 s13, s8;
	s10 =	sadd.s32 $0x66C00, s10;
	s5 =	sadd.s32 $0x12B400, s21  }
0xf: {  	s7 =	sadd.s32 s11, s28;
	s29 =	sshrl.u32 s16, $0x4;
	s9 =	smax.u32 s9, $0x1  }
0x10: {  	s30 =	sadd.s32 $0x18C000, s13;
	s13 =	sshrl.u32 s13, $0x3;
	s16 =	simm.s32 $0xC00  }
0x11: {  	s8 =	sadd.s32 s11, s29;
	s31 =	sshrl.u32 s30, $0x3;
	s11 =	sadd.s32 s13, s12  }
0x12: {  	s13 =	sshrl.u32 s14, $0x3;
	s14 =	simm.s32 $0x1;
	s12 =	sadd.s32 s31, s12  }
.LBB2_1:
0x13: {  	[spmem:s13], [sflag:s6] =	dma.local [hbm:s5], $0x3100  }
0x14: {  	_ =	swait.ge [sflag:s14], $0x3100  }
0x15: {  	[sflag:s14] =	ssyncset.done $0x0  }
0x16: {  	[sflag:s14] =	ssyncadd.s32 $0xFFFFCF00  }
0x17: {  	s20 =	sadd.s32 $0x0, s11;
	[bflag:$0x0] =	sbarrier.arrive $0xFFFF  }
0x18: {  	[tilespmem:s3], [sflag:$0x1] =	stream.linear.gather [hbm4b:s20+s3], $0x600, $0x38;
	[tilespmem:$0x1F400] =	vst v63  }
0x19: {  	_ =	swait.ge [sflag:s14], $0x600  }
0x1a: {  	[sflag:s14] =	ssyncset.done $0x0  }
0x1b: {  	s31 =	sadd.s32 $0x0, s10;
	[sflag:s14] =	ssyncadd.s32 $0xFFFFFA00  }
0x1c: {  	[tilespmem:s15], [sflag:$0x1] =	stream.linear.gather [hbm4b:s31+s3], $0x600, $0x38;
	[tilespmem:$0x1F400] =	vst v63  }
0x1d: {  	_ =	swait.ge [sflag:s14], $0x600  }
0x1e: {  	[sflag:s14] =	ssyncset.done $0x0  }
0x1f: {  	[sflag:s14] =	ssyncadd.s32 $0xFFFFFA00  }
0x20: {  	[tilespmem:s16], [sflag:$0x1] =	stream.indirect.gather [hbm4b:s4+s15], $0x10, s3, s15, $0xb8;
	[tilespmem:$0x1F400] =	vst v63  }
0x21: {  	_ =	swait.ge [sflag:s14], $0x6000  }
0x22: {  	[sflag:s14] =	ssyncset.done $0x0  }
0x23: {  	[sflag:s14] =	ssyncadd.s32 $0xFFFFA000  }
0x24: {  	[spmem:s2] =	stream.indirect.scatter.add.bf16 [tilespmem:s16], [sflag:$0x1], $0x10, s15, s15, $0xb8;
	[tilespmem:$0x1F400] =	vst v63  }
0x25: {  	_ =	swait.ge [sflag:s14], $0x6000  }
0x26: {  	s21 =	simm.s32 $0x180;
	s20 =	simm.s32 $0xC0;
	[sflag:s14] =	ssyncset.done $0x0  }
.LBB2_2:
0x27: {  	s22 =	sadd.s32 s20, s11  }
0x28: {  	[sflag:s14] =	ssyncadd.s32 $0xFFFFA000;
	s23 =	smov.u32 s21;
	s24 =	sadd.s32 $0xC0, s21  }
0x29: {  	[tilespmem:s3], [sflag:$0x1] =	stream.linear.gather [hbm4b:s22+s3], $0x600, $0x38;
	[tilespmem:$0x1F400] =	vst v63  }
0x2a: {  	p0 =	sne.s32 s21, $0x30C0;
	_ =	swait.ge [sflag:s14], $0x600  }
0x2b: {  	[sflag:s14] =	ssyncset.done $0x0  }
0x2c: {  	s21 =	sadd.s32 s20, s10;
	s20 =	smov.u32 s23;
	[sflag:s14] =	ssyncadd.s32 $0xFFFFFA00  }
0x2d: {  	[tilespmem:s15], [sflag:$0x1] =	stream.linear.gather [hbm4b:s21+s3], $0x600, $0x38;
	[tilespmem:$0x1F400] =	vst v63  }
0x2e: {  	_ =	swait.ge [sflag:s14], $0x600  }
0x2f: {  	[sflag:s14] =	ssyncset.done $0x0  }
0x30: {  	[sflag:s14] =	ssyncadd.s32 $0xFFFFFA00  }
0x31: {  	[tilespmem:s16], [sflag:$0x1] =	stream.indirect.gather [hbm4b:s4+s15], $0x10, s3, s15, $0xb8;
	[tilespmem:$0x1F400] =	vst v63  }
0x32: {  	_ =	swait.ge [sflag:s14], $0x6000  }
.Ltmp0:
0x33: {  	[sflag:s14] =	ssyncset.done $0x0;
	(pc) =	sbr.rel @p0 .LBB2_2-.Ltmp0, $4  }
0x34: {  	[sflag:s14] =	ssyncadd.s32 $0xFFFFA000  }
0x35: {  	[spmem:s2] =	stream.indirect.scatter.add.bf16 [tilespmem:s16], [sflag:$0x1], $0x10, s15, s15, $0xb8;
	[tilespmem:$0x1F400] =	vst v63  }
0x36: {  	_ =	swait.ge [sflag:s14], $0x6000  }
0x37: {  	s21 =	smov.u32 s24;
	[sflag:s14] =	ssyncset.done $0x0  }
0x38: {  	s21 =	sadd.s32 s20, s11;
	[sflag:s14] =	ssyncadd.s32 $0xFFFFA000  }
0x39: {  	[tilespmem:s3], [sflag:$0x1] =	stream.linear.gather [hbm4b:s21+s3], $0x600, $0x38;
	[tilespmem:$0x1F400] =	vst v63  }
0x3a: {  	_ =	swait.ge [sflag:s14], $0x600  }
0x3b: {  	[sflag:s14] =	ssyncset.done $0x0  }
0x3c: {  	s29 =	sadd.s32 s20, s10;
	[sflag:s14] =	ssyncadd.s32 $0xFFFFFA00  }
0x3d: {  	[tilespmem:s15], [sflag:$0x1] =	stream.linear.gather [hbm4b:s29+s3], $0x600, $0x38;
	[tilespmem:$0x1F400] =	vst v63  }
0x3e: {  	_ =	swait.ge [sflag:s14], $0x600  }
0x3f: {  	[sflag:s14] =	ssyncset.done $0x0  }
0x40: {  	[sflag:s14] =	ssyncadd.s32 $0xFFFFFA00  }
0x41: {  	[tilespmem:s16], [sflag:$0x1] =	stream.indirect.gather [hbm4b:s4+s15], $0x10, s3, s15, $0xb8;
	[tilespmem:$0x1F400] =	vst v63  }
0x42: {  	_ =	swait.ge [sflag:s14], $0x6000  }
0x43: {  	[sflag:s14] =	ssyncset.done $0x0  }
0x44: {  	[sflag:s14] =	ssyncadd.s32 $0xFFFFA000  }
0x45: {  	[spmem:s2] =	stream.indirect.scatter.add.bf16 [tilespmem:s16], [sflag:$0x1], $0x10, s15, s15, $0xb8;
	[tilespmem:$0x1F400] =	vst v63  }
0x46: {  	_ =	swait.ge [sflag:s14], $0x6000  }
0x47: {  	[sflag:s14] =	ssyncset.done $0x0  }
0x48: {  	[sflag:s14] =	ssyncadd.s32 $0xFFFFA000  }
0x49: {  	[bflag:$0x0] =	sbarrier.arrive $0xFFFF  }
0x4a: {  	[hbm:s7@s17], [sflag:s6] =	dma.strided [spmem:s13@s18], $0x3100, s14, $0x2   }
0x4b: {  	_ =	swait.ge [sflag:s14], $0x3100  }
0x4c: {  	[sflag:s14] =	ssyncset.done $0x0  }
0x4d: {  	[sflag:s14] =	ssyncadd.s32 $0xFFFFCF00  }
0x4e: {  	[spmem:s13], [sflag:s6] =	dma.local [hbm:s5], $0x3100  }
0x4f: {  	_ =	swait.ge [sflag:s14], $0x3100  }
0x50: {  	[sflag:s14] =	ssyncset.done $0x0  }
0x51: {  	[sflag:s14] =	ssyncadd.s32 $0xFFFFCF00  }
0x52: {  	s30 =	sadd.s32 $0x0, s12;
	[bflag:$0x0] =	sbarrier.arrive $0xFFFF  }
0x53: {  	[tilespmem:s3], [sflag:$0x1] =	stream.linear.gather [hbm4b:s30+s3], $0x600, $0x38;
	[tilespmem:$0x1F400] =	vst v63  }
0x54: {  	_ =	swait.ge [sflag:s14], $0x600  }
0x55: {  	[sflag:s14] =	ssyncset.done $0x0  }
0x56: {  	s31 =	sadd.s32 $0x0, s10;
	[sflag:s14] =	ssyncadd.s32 $0xFFFFFA00  }
0x57: {  	[tilespmem:s15], [sflag:$0x1] =	stream.linear.gather [hbm4b:s31+s3], $0x600, $0x38;
	[tilespmem:$0x1F400] =	vst v63  }
0x58: {  	_ =	swait.ge [sflag:s14], $0x600  }
0x59: {  	[sflag:s14] =	ssyncset.done $0x0  }
0x5a: {  	[sflag:s14] =	ssyncadd.s32 $0xFFFFFA00  }
0x5b: {  	[tilespmem:s16], [sflag:$0x1] =	stream.indirect.gather [hbm4b:s4+s15], $0x10, s3, s15, $0xb8;
	[tilespmem:$0x1F400] =	vst v63  }
0x5c: {  	_ =	swait.ge [sflag:s14], $0x6000  }
0x5d: {  	[sflag:s14] =	ssyncset.done $0x0  }
0x5e: {  	[sflag:s14] =	ssyncadd.s32 $0xFFFFA000  }
0x5f: {  	[spmem:s2] =	stream.indirect.scatter.add.bf16 [tilespmem:s16], [sflag:$0x1], $0x10, s15, s15, $0xb8;
	[tilespmem:$0x1F400] =	vst v63  }
0x60: {  	_ =	swait.ge [sflag:s14], $0x6000  }
0x61: {  	s20 =	simm.s32 $0xC0;
	s21 =	simm.s32 $0x180;
	[sflag:s14] =	ssyncset.done $0x0  }
.LBB2_4:
0x62: {  	s22 =	sadd.s32 s20, s12  }
0x63: {  	[sflag:s14] =	ssyncadd.s32 $0xFFFFA000;
	s23 =	smov.u32 s21;
	s24 =	sadd.s32 $0xC0, s21  }
0x64: {  	[tilespmem:s3], [sflag:$0x1] =	stream.linear.gather [hbm4b:s22+s3], $0x600, $0x38;
	[tilespmem:$0x1F400] =	vst v63  }
0x65: {  	p0 =	sne.s32 s21, $0x30C0;
	_ =	swait.ge [sflag:s14], $0x600  }
0x66: {  	[sflag:s14] =	ssyncset.done $0x0  }
0x67: {  	s21 =	sadd.s32 s20, s10;
	s20 =	smov.u32 s23;
	[sflag:s14] =	ssyncadd.s32 $0xFFFFFA00  }
0x68: {  	[tilespmem:s15], [sflag:$0x1] =	stream.linear.gather [hbm4b:s21+s3], $0x600, $0x38;
	[tilespmem:$0x1F400] =	vst v63  }
0x69: {  	_ =	swait.ge [sflag:s14], $0x600  }
0x6a: {  	[sflag:s14] =	ssyncset.done $0x0  }
0x6b: {  	[sflag:s14] =	ssyncadd.s32 $0xFFFFFA00  }
0x6c: {  	[tilespmem:s16], [sflag:$0x1] =	stream.indirect.gather [hbm4b:s4+s15], $0x10, s3, s15, $0xb8;
	[tilespmem:$0x1F400] =	vst v63  }
0x6d: {  	_ =	swait.ge [sflag:s14], $0x6000  }
.Ltmp1:
0x6e: {  	[sflag:s14] =	ssyncset.done $0x0;
	(pc) =	sbr.rel @p0 .LBB2_4-.Ltmp1, $4  }
0x6f: {  	[sflag:s14] =	ssyncadd.s32 $0xFFFFA000  }
0x70: {  	[spmem:s2] =	stream.indirect.scatter.add.bf16 [tilespmem:s16], [sflag:$0x1], $0x10, s15, s15, $0xb8;
	[tilespmem:$0x1F400] =	vst v63  }
0x71: {  	_ =	swait.ge [sflag:s14], $0x6000  }
0x72: {  	s21 =	smov.u32 s24;
	[sflag:s14] =	ssyncset.done $0x0  }
0x73: {  	s21 =	sadd.s32 s20, s12;
	[sflag:s14] =	ssyncadd.s32 $0xFFFFA000  }
0x74: {  	[tilespmem:s3], [sflag:$0x1] =	stream.linear.gather [hbm4b:s21+s3], $0x600, $0x38;
	[tilespmem:$0x1F400] =	vst v63  }
0x75: {  	_ =	swait.ge [sflag:s14], $0x600  }
0x76: {  	[sflag:s14] =	ssyncset.done $0x0  }
0x77: {  	s31 =	sadd.s32 s20, s10;
	[sflag:s14] =	ssyncadd.s32 $0xFFFFFA00  }
0x78: {  	[tilespmem:s15], [sflag:$0x1] =	stream.linear.gather [hbm4b:s31+s3], $0x600, $0x38;
	[tilespmem:$0x1F400] =	vst v63  }
0x79: {  	_ =	swait.ge [sflag:s14], $0x600  }
0x7a: {  	[sflag:s14] =	ssyncset.done $0x0  }
0x7b: {  	[sflag:s14] =	ssyncadd.s32 $0xFFFFFA00  }
0x7c: {  	[tilespmem:s16], [sflag:$0x1] =	stream.indirect.gather [hbm4b:s4+s15], $0x10, s3, s15, $0xb8;
	[tilespmem:$0x1F400] =	vst v63  }
0x7d: {  	_ =	swait.ge [sflag:s14], $0x6000  }
0x7e: {  	[sflag:s14] =	ssyncset.done $0x0  }
0x7f: {  	[sflag:s14] =	ssyncadd.s32 $0xFFFFA000  }
0x80: {  	[spmem:s2] =	stream.indirect.scatter.add.bf16 [tilespmem:s16], [sflag:$0x1], $0x10, s15, s15, $0xb8;
	[tilespmem:$0x1F400] =	vst v63  }
0x81: {  	_ =	swait.ge [sflag:s14], $0x6000  }
0x82: {  	s19 =	sadd.s32 $0x1, s19;
	[sflag:s14] =	ssyncset.done $0x0  }
0x83: {  	p0 =	sne.s32 s19, s9;
	[sflag:s14] =	ssyncadd.s32 $0xFFFFA000  }
.Ltmp2:
0x84: {  	[bflag:$0x0] =	sbarrier.arrive $0xFFFF;
	(pc) =	sbr.rel @p0 .LBB2_1-.Ltmp2, $4  }
0x85: {  	[hbm:s8@s17], [sflag:s6] =	dma.strided [spmem:s13@s18], $0x3100, s14, $0x2   }
0x86: {  	_ =	swait.ge [sflag:s14], $0x3100  }
0x87: {  	[sflag:s14] =	ssyncset.done $0x0  }
0x88: {  	[sflag:s14] =	ssyncadd.s32 $0xFFFFCF00  }
0x89: {  	_ =	sfence.sel $0x180000  }
0x8a: {  	[bflag:$0x0] =	sbarrier.arrive $0xFFFF  }
0x8b: {  	p0 =	sne.s32 s1, $0x0;
	_ =	strace $0x90000050  }
0x8c: {  	s0 =	sadd.s32 @!p0 $0x100000, s0;
	[bflag:$0x2] =	sbarrier.arrive $0xFFFF  }
0x8d: {  	[sflag:s0] =	ssyncadd.tile.s32 @!p0 $0x1;
	_ =	shalt  }
.Lfunc_end2:
_tile_overlayer_lowered:
.L_overlay_start_2:
0x8e: {  	(tag) =	ssettag $0x2  }
0x8f: {  	s0 =	rddreg [dreg:$0x0];
	s2 =	stileid.u32  }
0x90: {  	s1 =	rddreg [dreg:$0x1];
	p0 =	sne.s32 s2, $0x0  }
0x91: {  	s3 =	rddreg [dreg:$0x2];
	[bflag:$0x3] =	sbarrier.arrive $0xFFFF;
	s2 =	simm.s32 @!p0 $0x1C01  }
0x92: {  	[timem:s3], [sflag:s2] =	dma.local @!p0 [hbm:s0], s1  }
0x93: {  	s0 =	simm.s32 @!p0 $0x1  }
0x94: {  	_ =	swait.ge @!p0 [sflag:s0], s1  }
0x95: {  	s1 =	ssub.s32 @!p0 $0x0, s1;
	[sflag:s0] =	ssyncset.done @!p0 $0x0  }
0x96: {  	[sflag:s0] =	ssyncadd.s32 @!p0 s1  }
0x97: {  	[bflag:$0x3] =	sbarrier.arrive $0xFFFF  }
0x98: {  	_ =	shalt  }

// kernel: kernel.26.cloned.1.call-start
scs
__scs_entry_jumppad:
0x0: {  	(pc) =	sbr.rel $0x88, $3  }
0x1: {  	(tag) =	ssettag $0x0;
	lr =	simm.s32 $0x1  }
0x2: {  	[smem:$0x3F95] =	sst lr;
	_ =	strace $0xD0000000  }
0x3: {  	_ = 	snop  }
0x4: {  	_ = 	snop  }
0x5: {  	_ = 	snop  }
0x6: {  	_ = 	snop  }
0x7: {  	_ = 	snop  }
__scs_overlays_trampoline_lowered:
0x8: {  	[smem:$0x3FA4] =	sst s0  }
0x9: {  	[smem:$0x3FA5] =	sst s1  }
0xa: {  	[smem:$0x3FA6] =	sst s2  }
0xb: {  	[smem:$0x3FA7] =	sst s3  }
0xc: {  	[smem:$0x3FA8] =	sst s4  }
0xd: {  	[smem:$0x3FA9] =	sst s5  }
0xe: {  	[smem:$0x3FAA] =	sst s6  }
0xf: {  	[smem:$0x3FAB] =	sst s7  }
0x10: {  	[smem:$0x3FAC] =	sst s8  }
0x11: {  	[smem:$0x3FAD] =	sst s9;
	s0 =	simm.s32 @!p0 $0x0  }
0x12: {  	s1 =	sld [smem:$0x3F93];
	s0 =	simm.s32 @p0 $0x1  }
0x13: {  	[smem:$0x3FAE] =	sst s0;
	s0 =	simm.s32 @!p1 $0x0  }
0x14: {  	s2 =	sld [smem:$0x3F92];
	s0 =	simm.s32 @p1 $0x1  }
0x15: {  	[smem:$0x3FAF] =	sst s0;
	s0 =	simm.s32 @!p2 $0x0  }
0x16: {  	s3 =	sld [smem:$0x3FDB];
	s0 =	simm.s32 @p2 $0x1  }
0x17: {  	s4 =	simm.s32 $0x1BF5;
	[smem:$0x3FB1] =	sst s0  }
0x18: {  	s0 =	sld [smem:$0x3F94];
	_ =	swait.ge [sflag:s4], $0x0  }
0x19: {  	s7 =	sld [smem:$0x3F95]  }
0x1a: {  	s8 =	sadd.s32 $0xFFFFE003, lr  }
0x1b: {  	s9 =	sadd.s32 $0xFFFFFEF7, lr;
	s5 =	simm.s32 $0xFFFFFFFF;
	p2 =	slt.u32 s8, $0xFFFFF086  }
0x1c: {  	p1 =	slt.u32 s9, $0xF7A;
	s5 =	simm.s32 @!p2 $0x0  }
0x1d: {  	s5 =	simm.s32 @p1 $0x1;
	p0 =	seq.s32 s7, s2  }
0x1e: {  	s7 =	smul.u32 @!p0 $0xF7A, s2;
	p2 =	seq.s32 @!p0 s5, $0x0  }
0x1f: {  	s9 =	smul.u32 $0xF7A, s1;
	s8 =	simm.s32 @!p0 $0x1BF5;
	p2 =	por !p2, p0  }
0x20: {  	[sflag:s8] =	ssyncset.s32 @!p0 $0xFFFFF086;
	s6 =	sadd.s32 @!p0 s3, s7;
	s7 =	simm.s32 @!p0 $0x108  }
0x21: {  	s3 =	sadd.s32 s3, s9;
	s6 =	sadd.s32 @!p0 $0x88, s6;
	s7 =	simm.s32 @p2 $0x1082  }
0x22: {  	[simem:s7], [sflag:s8] =	dma.local @!p0 [hbm:s6], $0xF7A  }
0x23: {  	s9 =	sor.u32 $0xD0000000, s2;
	s6 =	simm.s32 $0x108;
	_ =	swait.ge @!p0 [sflag:s8], $0x0  }
0x24: {  	s3 =	sadd.s32 $0x88, s3;
	s6 =	simm.s32 @!p1 $0x1082;
	[sflag:s4] =	ssyncset.s32 $0xFFFFF086  }
0x25: {  	[simem:s6], [sflag:s4] =	dma.local [hbm:s3], $0xF7A  }
0x26: {  	[smem:$0x3F95] =	sst s1;
	(tag) =	ssettag s2;
	_ =	strace s9  }
0x27: {  	s1 =	sld [smem:$0x3FA5]  }
0x28: {  	s2 =	sld [smem:$0x3FA6]  }
0x29: {  	s4 =	sld [smem:$0x3FA8]  }
0x2a: {  	p0 =	seq.s32 s5, $0x0;
	s5 =	sld [smem:$0x3FA9]  }
0x2b: {  	s6 =	sld [smem:$0x3FAA]  }
0x2c: {  	s7 =	sld [smem:$0x3FAB]  }
0x2d: {  	s3 =	simm.s32 $0x108;
	s8 =	sld [smem:$0x3FAC]  }
0x2e: {  	s3 =	simm.s32 @!p0 $0x1082;
	s9 =	sld [smem:$0x3FAD]  }
0x2f: {  	lr =	sadd.s32 s0, s3;
	s0 =	sld [smem:$0x3FA4]  }
0x30: {  	s3 =	sld [smem:$0x3FA7]  }
0x31: {  	[smem:$0x3FB0] =	sst s10  }
0x32: {  	s10 =	sld [smem:$0x3FAE];
	_ =	sdelay $0x3  }
0x33: {  	p0 =	seq.s32 s10, $0x1;
	s10 =	sld [smem:$0x3FB0];
	_ =	sdelay $0x3  }
0x34: {  	[smem:$0x3FB0] =	sst s10  }
0x35: {  	s10 =	sld [smem:$0x3FAF];
	_ =	sdelay $0x3  }
0x36: {  	p1 =	seq.s32 s10, $0x1;
	s10 =	sld [smem:$0x3FB0];
	_ =	sdelay $0x3  }
0x37: {  	[smem:$0x3FB0] =	sst s10  }
0x38: {  	s10 =	sld [smem:$0x3FB1]  }
0x39: {  	_ = 	snop;
	(pc) =	sbr.ind lr, $3  }
0x3a: {  	_ = 	snop  }
0x3b: {  	_ = 	snop  }
0x3c: {  	p2 =	seq.s32 s10, $0x1;
	s10 =	sld [smem:$0x3FB0]  }
0x3d: {  	_ =	shalt  }
0x3e: {  	_ =	shalt  }
0x3f: {  	_ =	shalt  }
0x40: {  	_ =	shalt  }
0x41: {  	_ =	shalt  }
0x42: {  	_ =	shalt  }
0x43: {  	_ =	shalt  }
0x44: {  	_ =	shalt  }
0x45: {  	_ =	shalt  }
0x46: {  	_ =	shalt  }
0x47: {  	_ =	shalt  }
0x48: {  	_ =	shalt  }
0x49: {  	_ =	shalt  }
0x4a: {  	_ =	shalt  }
0x4b: {  	_ =	shalt  }
0x4c: {  	_ =	shalt  }
0x4d: {  	_ =	shalt  }
0x4e: {  	_ =	shalt  }
0x4f: {  	_ =	shalt  }
0x50: {  	_ =	shalt  }
0x51: {  	_ =	shalt  }
0x52: {  	_ =	shalt  }
0x53: {  	_ =	shalt  }
0x54: {  	_ =	shalt  }
0x55: {  	_ =	shalt  }
0x56: {  	_ =	shalt  }
0x57: {  	_ =	shalt  }
0x58: {  	_ =	shalt  }
0x59: {  	_ =	shalt  }
0x5a: {  	_ =	shalt  }
0x5b: {  	_ =	shalt  }
0x5c: {  	_ =	shalt  }
0x5d: {  	_ =	shalt  }
0x5e: {  	_ =	shalt  }
0x5f: {  	_ =	shalt  }
0x60: {  	_ =	shalt  }
0x61: {  	_ =	shalt  }
0x62: {  	_ =	shalt  }
0x63: {  	_ =	shalt  }
0x64: {  	_ =	shalt  }
0x65: {  	_ =	shalt  }
0x66: {  	_ =	shalt  }
0x67: {  	_ =	shalt  }
0x68: {  	_ =	shalt  }
0x69: {  	_ =	shalt  }
0x6a: {  	_ =	shalt  }
0x6b: {  	_ =	shalt  }
0x6c: {  	_ =	shalt  }
0x6d: {  	_ =	shalt  }
0x6e: {  	_ =	shalt  }
0x6f: {  	_ =	shalt  }
0x70: {  	_ =	shalt  }
0x71: {  	_ =	shalt  }
0x72: {  	_ =	shalt  }
0x73: {  	_ =	shalt  }
0x74: {  	_ =	shalt  }
0x75: {  	_ =	shalt  }
0x76: {  	_ =	shalt  }
0x77: {  	_ =	shalt  }
0x78: {  	_ =	shalt  }
0x79: {  	_ =	shalt  }
0x7a: {  	_ =	shalt  }
0x7b: {  	_ =	shalt  }
0x7c: {  	_ =	shalt  }
0x7d: {  	_ =	shalt  }
0x7e: {  	_ =	shalt  }
0x7f: {  	_ =	shalt  }
0x80: {  	_ =	shalt  }
0x81: {  	_ =	shalt  }
0x82: {  	_ =	shalt  }
0x83: {  	_ =	shalt  }
0x84: {  	_ =	shalt  }
0x85: {  	_ =	shalt  }
0x86: {  	_ =	shalt  }
0x87: {  	_ =	shalt  }
.Lfunc_end0:
.L_simem_size_0:
called_computation.4_lowered:
.L_overlay_start_0:
0x88: {  	s2 =	sld [smem:$0x3FD9]  }
0x89: {  	s3 =	sld [smem:$0x3FFE];
	_ =	sdelay $0x1  }
0x8a: {  	s1 =	srdreg.scid  }
0x8b: {  	s0 =	sand.u32 $0x1, s1  }
0x8c: {  	s16 =	sshll.u32 s0, $0xA;
	s2 =	sadd.s32 s3, s2  }
0x8d: {  	s2 =	sadd.s32 s2, s16  }
0x8e: {  	[smem:$0x3FBC] =	sst s2  }
0x8f: {  	_ = 	snop  }
0x90: {  	(tm) =	ssettm $0x1  }
0x91: {  	s17 =	sld [smem:$0x3FFB];
	_ =	sdelay $0x3  }
0x92: {  	_ =	strace s17  }
0x93: {  	s2 =	sld [smem:$0x3FFC];
	_ =	sdelay $0x3  }
0x94: {  	_ =	strace s2  }
0x95: {  	s2 =	sld [smem:$0x3FFD];
	_ =	sdelay $0x3  }
0x96: {  	_ =	strace s2  }
0x97: {  	_ =	strace $0x8FFFFFFF  }
0x98: {  	s18 =	sld [smem:$0x3FDB];
	_ =	sdelay $0x1  }
0x99: {  	s19 =	simm.s32 $_scs_section_size  }
0x9a: {  	s4 =	simm.s32 $_size__tile_overlayer_lowered;
	s5 =	simm.s32 $_tile_overlayer_lowered  }
0x9b: {  	s22 =	simm.s32 $0x1BFF;
	s21 =	sshll.u32 s5, $0x1;
	s2 =	sadd.s32 s19, s18  }
0x9c: {  	s6 =	simm.s32 $0x0;
	s20 =	sshll.u32 s4, $0x1;
	s4 =	sadd.s32 s21, s2  }
0x9d: {  	[timem:s6], [sflag:s22] =	dma.local [hbm:s4], s20  }
0x9e: {  	_ =	swait.ge [sflag:s22], s20  }
0x9f: {  	s3 =	ssub.s32 $0x0, s20;
	[sflag:s22] =	ssyncset.done $0x0  }
0xa0: {  	[sflag:s22] =	ssyncadd.s32 s3;
	_ =	sdelay $0x1  }
0xa1: {  	s23 =	simm.s32 $0x1B8B  }
0xa2: {  	_ =	swait.ge [sflag:s23], $0x1  }
0xa3: {  	[sflag:s23] =	ssyncset.done $0x0  }
0xa4: {  	s25 =	simm.s32 $0x1B8E;
	s24 =	sld [smem:$0x3FFE];
	[sflag:s23] =	ssyncadd.s32 $0xFFFFFFFF  }
0xa5: {  	s26 =	simm.s32 $execute0_lowered;
	[smem:$0x3FD2] =	sst s25  }
0xa6: {  	s4 =	sshll.u32 s26, $0x1;
	_ =	strace $0x80000052;
	[dreg:$0x1] =	wrdreg $0xFFFFFFFF  }
0xa7: {  	s28 =	simm.s32 $_size_execute0_lowered;
	s2 =	sadd.s32 s2, s4;
	[dreg:$0x0] =	wrdreg $0x0  }
0xa8: {  	s4 =	sshll.u32 s28, $0x1;
	[dreg:$0x2] =	wrdreg s2  }
0xa9: {  	[dreg:$0x3] =	wrdreg s4  }
0xaa: {  	[dreg:$0x4] =	wrdreg $0xC0  }
0xab: {  	_ =	task [dreg:s6], $0x5FFFF  }
0xac: {  	[dreg:$0x1] =	wrdreg $0xFFFFFFFF  }
0xad: {  	[dreg:$0x0] =	wrdreg $0x60  }
0xae: {  	[dreg:$0x2] =	wrdreg s24  }
0xaf: {  	[dreg:$0x3] =	wrdreg $0x6C000  }
0xb0: {  	[dreg:$0x4] =	wrdreg $0x9  }
0xb1: {  	_ =	task.clear_ibuf [dreg:s6], $0x5FFFF;
	_ =	strace $0x90000052  }
0xb2: {  	s29 =	simm.s32 $0x9;
	_ =	strace $0x80000054  }
0xb3: {  	_ =	swait.ge [sflag:s29], $0x1  }
0xb4: {  	[sflag:s29] =	ssyncadd.s32 $0xFFFFFFFF  }
0xb5: {  	_ =	strace $0x90000054  }
0xb6: {  	_ =	sfence  }
0xb7: {  	s30 =	sld [smem:$0x0];
	_ =	sdelay $0x2  }
0xb8: {  	s31 =	sshll.u32 s1, $0xD;
	s1 =	sshrl.u32 s1, $0x2  }
0xb9: {  	s3 =	sand.u32 $0x4000, s31;
	s1 =	sadd.s32 s1, s30  }
0xba: {  	s0 =	sor.u32 s3, s0;
	s1 =	sshll.u32 s1, $0x11  }
0xbb: {  	s0 =	sor.u32 s1, s0  }
0xbc: {  	s0 =	sadd.s32 $0x8F2B, s0  }
0xbd: {  	[sflag:s0] =	ssyncadd.remote.s32 $0x1  }
0xbe: {  	_ =	sfence.sel $0xFFFF  }
0xbf: {  	[dreg:$0x0] =	wrdreg $0xFFFFFFFF;
	(pc) =	sbr.abs _section_cstart, $3  }
0xc0: {  	[dreg:$0x1] =	wrdreg $0xFFFFFFFF  }
0xc1: {  	_ =	task.clear_ibuf [dreg:s6], $0x2FFFF;
	_ =	strace $0x9FFFFFFF  }
0xc2: {  	(tm) =	ssettm $0x7FFFFFFF  }
0xc3: {  	_ =	shalt  }
tec
execute0_lowered:
.L_overlay_start_1:
0x0: {  	(tag) =	ssettag $0x1  }
0x1: {  	s5 =	rddreg [dreg:$0x0]  }
0x2: {  	s2 =	rddreg [dreg:$0x1]  }
0x3: {  	s0 =	rddreg [dreg:$0x2];
	s3 =	simm.s32 $0x0;
	s1 =	stileid.u32  }
0x4: {  	s8 =	srdreg.scid;
	s17 =	simm.s32 $0x8;
	s18 =	simm.s32 $0x2  }
0x5: {  	s19 =	simm.s32 $0x0;
	s6 =	smul.u32 $0x31000, s1;
	s4 =	sadd.s32 $0x6B6E00, s5  }
0x6: {  	[smem:$0x7FF] =	sst s3;
	s7 =	smul.u32 $0x3180, s1;
	s12 =	sadd.s32 $0x15C400, s5  }
0x7: {  	s8 =	sand.u32 $0x1, s8;
	s11 =	sadd.s32 $0x222400, s5;
	s13 =	smul.u32 $0x18C00, s1  }
0x8: {  	s25 =	smul.u32 $0xC4000, s1;
	s15 =	sshll.u32 s1, $0x6;
	_ =	strace $0x80000053  }
0x9: {  	s22 =	ssub.s32 $0x2, s8;
	s26 =	sshll.u32 s8, $0x6;
	s8 =	smul.u32 $0x318000, s8  }
0xa: {  	s9 =	sshrl.u32 s6, $0x4;
	s10 =	sadd.s32 s7, s5;
	s23 =	sshrl.u32 s22, $0x1  }
0xb: {  	s24 =	sshrl.u32 s6, $0x1;
	s7 =	sor.u32 s26, s25;
	s6 =	sor.u32 $0x1C01, s15  }
0xc: {  	s15 =	simm.s32 $0x600;
	s21 =	sadd.s32 s9, s5;
	s9 =	ssub.s32 s22, s23  }
0xd: {  	s14 =	sadd.s32 s24, s2;
	s28 =	sshrl.u32 s7, $0x4;
	s16 =	sor.u32 $0x20, s7  }
0xe: {  	s13 =	sadd.s32 s13, s8;
	s10 =	sadd.s32 $0x66C00, s10;
	s5 =	sadd.s32 $0x12B400, s21  }
0xf: {  	s7 =	sadd.s32 s11, s28;
	s29 =	sshrl.u32 s16, $0x4;
	s9 =	smax.u32 s9, $0x1  }
0x10: {  	s30 =	sadd.s32 $0x18C000, s13;
	s13 =	sshrl.u32 s13, $0x3;
	s16 =	simm.s32 $0xC00  }
0x11: {  	s8 =	sadd.s32 s11, s29;
	s31 =	sshrl.u32 s30, $0x3;
	s11 =	sadd.s32 s13, s12  }
0x12: {  	s13 =	sshrl.u32 s14, $0x3;
	s14 =	simm.s32 $0x1;
	s12 =	sadd.s32 s31, s12  }
.LBB2_1:
0x13: {  	[spmem:s13], [sflag:s6] =	dma.local [hbm:s5], $0x3100  }
0x14: {  	_ =	swait.ge [sflag:s14], $0x3100  }
0x15: {  	[sflag:s14] =	ssyncset.done $0x0  }
0x16: {  	[sflag:s14] =	ssyncadd.s32 $0xFFFFCF00  }
0x17: {  	s20 =	sadd.s32 $0x0, s11;
	[bflag:$0x0] =	sbarrier.arrive $0xFFFF  }
0x18: {  	[tilespmem:s3], [sflag:$0x1] =	stream.linear.gather [hbm4b:s20+s3], $0x600, $0x38;
	[tilespmem:$0x1F400] =	vst v63  }
0x19: {  	_ =	swait.ge [sflag:s14], $0x600  }
0x1a: {  	[sflag:s14] =	ssyncset.done $0x0  }
0x1b: {  	s31 =	sadd.s32 $0x0, s10;
	[sflag:s14] =	ssyncadd.s32 $0xFFFFFA00  }
0x1c: {  	[tilespmem:s15], [sflag:$0x1] =	stream.linear.gather [hbm4b:s31+s3], $0x600, $0x38;
	[tilespmem:$0x1F400] =	vst v63  }
0x1d: {  	_ =	swait.ge [sflag:s14], $0x600  }
0x1e: {  	[sflag:s14] =	ssyncset.done $0x0  }
0x1f: {  	[sflag:s14] =	ssyncadd.s32 $0xFFFFFA00  }
0x20: {  	[tilespmem:s16], [sflag:$0x1] =	stream.indirect.gather [hbm4b:s4+s15], $0x10, s3, s15, $0xb8;
	[tilespmem:$0x1F400] =	vst v63  }
0x21: {  	_ =	swait.ge [sflag:s14], $0x6000  }
0x22: {  	[sflag:s14] =	ssyncset.done $0x0  }
0x23: {  	[sflag:s14] =	ssyncadd.s32 $0xFFFFA000  }
0x24: {  	[spmem:s2] =	stream.indirect.scatter.add.bf16 [tilespmem:s16], [sflag:$0x1], $0x10, s15, s15, $0xb8;
	[tilespmem:$0x1F400] =	vst v63  }
0x25: {  	_ =	swait.ge [sflag:s14], $0x6000  }
0x26: {  	s21 =	simm.s32 $0x180;
	s20 =	simm.s32 $0xC0;
	[sflag:s14] =	ssyncset.done $0x0  }
.LBB2_2:
0x27: {  	s22 =	sadd.s32 s20, s11  }
0x28: {  	[sflag:s14] =	ssyncadd.s32 $0xFFFFA000;
	s23 =	smov.u32 s21;
	s24 =	sadd.s32 $0xC0, s21  }
0x29: {  	[tilespmem:s3], [sflag:$0x1] =	stream.linear.gather [hbm4b:s22+s3], $0x600, $0x38;
	[tilespmem:$0x1F400] =	vst v63  }
0x2a: {  	p0 =	sne.s32 s21, $0x30C0;
	_ =	swait.ge [sflag:s14], $0x600  }
0x2b: {  	[sflag:s14] =	ssyncset.done $0x0  }
0x2c: {  	s21 =	sadd.s32 s20, s10;
	s20 =	smov.u32 s23;
	[sflag:s14] =	ssyncadd.s32 $0xFFFFFA00  }
0x2d: {  	[tilespmem:s15], [sflag:$0x1] =	stream.linear.gather [hbm4b:s21+s3], $0x600, $0x38;
	[tilespmem:$0x1F400] =	vst v63  }
0x2e: {  	_ =	swait.ge [sflag:s14], $0x600  }
0x2f: {  	[sflag:s14] =	ssyncset.done $0x0  }
0x30: {  	[sflag:s14] =	ssyncadd.s32 $0xFFFFFA00  }
0x31: {  	[tilespmem:s16], [sflag:$0x1] =	stream.indirect.gather [hbm4b:s4+s15], $0x10, s3, s15, $0xb8;
	[tilespmem:$0x1F400] =	vst v63  }
0x32: {  	_ =	swait.ge [sflag:s14], $0x6000  }
.Ltmp0:
0x33: {  	[sflag:s14] =	ssyncset.done $0x0;
	(pc) =	sbr.rel @p0 .LBB2_2-.Ltmp0, $4  }
0x34: {  	[sflag:s14] =	ssyncadd.s32 $0xFFFFA000  }
0x35: {  	[spmem:s2] =	stream.indirect.scatter.add.bf16 [tilespmem:s16], [sflag:$0x1], $0x10, s15, s15, $0xb8;
	[tilespmem:$0x1F400] =	vst v63  }
0x36: {  	_ =	swait.ge [sflag:s14], $0x6000  }
0x37: {  	s21 =	smov.u32 s24;
	[sflag:s14] =	ssyncset.done $0x0  }
0x38: {  	s21 =	sadd.s32 s20, s11;
	[sflag:s14] =	ssyncadd.s32 $0xFFFFA000  }
0x39: {  	[tilespmem:s3], [sflag:$0x1] =	stream.linear.gather [hbm4b:s21+s3], $0x600, $0x38;
	[tilespmem:$0x1F400] =	vst v63  }
0x3a: {  	_ =	swait.ge [sflag:s14], $0x600  }
0x3b: {  	[sflag:s14] =	ssyncset.done $0x0  }
0x3c: {  	s29 =	sadd.s32 s20, s10;
	[sflag:s14] =	ssyncadd.s32 $0xFFFFFA00  }
0x3d: {  	[tilespmem:s15], [sflag:$0x1] =	stream.linear.gather [hbm4b:s29+s3], $0x600, $0x38;
	[tilespmem:$0x1F400] =	vst v63  }
0x3e: {  	_ =	swait.ge [sflag:s14], $0x600  }
0x3f: {  	[sflag:s14] =	ssyncset.done $0x0  }
0x40: {  	[sflag:s14] =	ssyncadd.s32 $0xFFFFFA00  }
0x41: {  	[tilespmem:s16], [sflag:$0x1] =	stream.indirect.gather [hbm4b:s4+s15], $0x10, s3, s15, $0xb8;
	[tilespmem:$0x1F400] =	vst v63  }
0x42: {  	_ =	swait.ge [sflag:s14], $0x6000  }
0x43: {  	[sflag:s14] =	ssyncset.done $0x0  }
0x44: {  	[sflag:s14] =	ssyncadd.s32 $0xFFFFA000  }
0x45: {  	[spmem:s2] =	stream.indirect.scatter.add.bf16 [tilespmem:s16], [sflag:$0x1], $0x10, s15, s15, $0xb8;
	[tilespmem:$0x1F400] =	vst v63  }
0x46: {  	_ =	swait.ge [sflag:s14], $0x6000  }
0x47: {  	[sflag:s14] =	ssyncset.done $0x0  }
0x48: {  	[sflag:s14] =	ssyncadd.s32 $0xFFFFA000  }
0x49: {  	[bflag:$0x0] =	sbarrier.arrive $0xFFFF  }
0x4a: {  	[hbm:s7@s17], [sflag:s6] =	dma.strided [spmem:s13@s18], $0x3100, s14, $0x2   }
0x4b: {  	_ =	swait.ge [sflag:s14], $0x3100  }
0x4c: {  	[sflag:s14] =	ssyncset.done $0x0  }
0x4d: {  	[sflag:s14] =	ssyncadd.s32 $0xFFFFCF00  }
0x4e: {  	[spmem:s13], [sflag:s6] =	dma.local [hbm:s5], $0x3100  }
0x4f: {  	_ =	swait.ge [sflag:s14], $0x3100  }
0x50: {  	[sflag:s14] =	ssyncset.done $0x0  }
0x51: {  	[sflag:s14] =	ssyncadd.s32 $0xFFFFCF00  }
0x52: {  	s30 =	sadd.s32 $0x0, s12;
	[bflag:$0x0] =	sbarrier.arrive $0xFFFF  }
0x53: {  	[tilespmem:s3], [sflag:$0x1] =	stream.linear.gather [hbm4b:s30+s3], $0x600, $0x38;
	[tilespmem:$0x1F400] =	vst v63  }
0x54: {  	_ =	swait.ge [sflag:s14], $0x600  }
0x55: {  	[sflag:s14] =	ssyncset.done $0x0  }
0x56: {  	s31 =	sadd.s32 $0x0, s10;
	[sflag:s14] =	ssyncadd.s32 $0xFFFFFA00  }
0x57: {  	[tilespmem:s15], [sflag:$0x1] =	stream.linear.gather [hbm4b:s31+s3], $0x600, $0x38;
	[tilespmem:$0x1F400] =	vst v63  }
0x58: {  	_ =	swait.ge [sflag:s14], $0x600  }
0x59: {  	[sflag:s14] =	ssyncset.done $0x0  }
0x5a: {  	[sflag:s14] =	ssyncadd.s32 $0xFFFFFA00  }
0x5b: {  	[tilespmem:s16], [sflag:$0x1] =	stream.indirect.gather [hbm4b:s4+s15], $0x10, s3, s15, $0xb8;
	[tilespmem:$0x1F400] =	vst v63  }
0x5c: {  	_ =	swait.ge [sflag:s14], $0x6000  }
0x5d: {  	[sflag:s14] =	ssyncset.done $0x0  }
0x5e: {  	[sflag:s14] =	ssyncadd.s32 $0xFFFFA000  }
0x5f: {  	[spmem:s2] =	stream.indirect.scatter.add.bf16 [tilespmem:s16], [sflag:$0x1], $0x10, s15, s15, $0xb8;
	[tilespmem:$0x1F400] =	vst v63  }
0x60: {  	_ =	swait.ge [sflag:s14], $0x6000  }
0x61: {  	s20 =	simm.s32 $0xC0;
	s21 =	simm.s32 $0x180;
	[sflag:s14] =	ssyncset.done $0x0  }
.LBB2_4:
0x62: {  	s22 =	sadd.s32 s20, s12  }
0x63: {  	[sflag:s14] =	ssyncadd.s32 $0xFFFFA000;
	s23 =	smov.u32 s21;
	s24 =	sadd.s32 $0xC0, s21  }
0x64: {  	[tilespmem:s3], [sflag:$0x1] =	stream.linear.gather [hbm4b:s22+s3], $0x600, $0x38;
	[tilespmem:$0x1F400] =	vst v63  }
0x65: {  	p0 =	sne.s32 s21, $0x30C0;
	_ =	swait.ge [sflag:s14], $0x600  }
0x66: {  	[sflag:s14] =	ssyncset.done $0x0  }
0x67: {  	s21 =	sadd.s32 s20, s10;
	s20 =	smov.u32 s23;
	[sflag:s14] =	ssyncadd.s32 $0xFFFFFA00  }
0x68: {  	[tilespmem:s15], [sflag:$0x1] =	stream.linear.gather [hbm4b:s21+s3], $0x600, $0x38;
	[tilespmem:$0x1F400] =	vst v63  }
0x69: {  	_ =	swait.ge [sflag:s14], $0x600  }
0x6a: {  	[sflag:s14] =	ssyncset.done $0x0  }
0x6b: {  	[sflag:s14] =	ssyncadd.s32 $0xFFFFFA00  }
0x6c: {  	[tilespmem:s16], [sflag:$0x1] =	stream.indirect.gather [hbm4b:s4+s15], $0x10, s3, s15, $0xb8;
	[tilespmem:$0x1F400] =	vst v63  }
0x6d: {  	_ =	swait.ge [sflag:s14], $0x6000  }
.Ltmp1:
0x6e: {  	[sflag:s14] =	ssyncset.done $0x0;
	(pc) =	sbr.rel @p0 .LBB2_4-.Ltmp1, $4  }
0x6f: {  	[sflag:s14] =	ssyncadd.s32 $0xFFFFA000  }
0x70: {  	[spmem:s2] =	stream.indirect.scatter.add.bf16 [tilespmem:s16], [sflag:$0x1], $0x10, s15, s15, $0xb8;
	[tilespmem:$0x1F400] =	vst v63  }
0x71: {  	_ =	swait.ge [sflag:s14], $0x6000  }
0x72: {  	s21 =	smov.u32 s24;
	[sflag:s14] =	ssyncset.done $0x0  }
0x73: {  	s21 =	sadd.s32 s20, s12;
	[sflag:s14] =	ssyncadd.s32 $0xFFFFA000  }
0x74: {  	[tilespmem:s3], [sflag:$0x1] =	stream.linear.gather [hbm4b:s21+s3], $0x600, $0x38;
	[tilespmem:$0x1F400] =	vst v63  }
0x75: {  	_ =	swait.ge [sflag:s14], $0x600  }
0x76: {  	[sflag:s14] =	ssyncset.done $0x0  }
0x77: {  	s31 =	sadd.s32 s20, s10;
	[sflag:s14] =	ssyncadd.s32 $0xFFFFFA00  }
0x78: {  	[tilespmem:s15], [sflag:$0x1] =	stream.linear.gather [hbm4b:s31+s3], $0x600, $0x38;
	[tilespmem:$0x1F400] =	vst v63  }
0x79: {  	_ =	swait.ge [sflag:s14], $0x600  }
0x7a: {  	[sflag:s14] =	ssyncset.done $0x0  }
0x7b: {  	[sflag:s14] =	ssyncadd.s32 $0xFFFFFA00  }
0x7c: {  	[tilespmem:s16], [sflag:$0x1] =	stream.indirect.gather [hbm4b:s4+s15], $0x10, s3, s15, $0xb8;
	[tilespmem:$0x1F400] =	vst v63  }
0x7d: {  	_ =	swait.ge [sflag:s14], $0x6000  }
0x7e: {  	[sflag:s14] =	ssyncset.done $0x0  }
0x7f: {  	[sflag:s14] =	ssyncadd.s32 $0xFFFFA000  }
0x80: {  	[spmem:s2] =	stream.indirect.scatter.add.bf16 [tilespmem:s16], [sflag:$0x1], $0x10, s15, s15, $0xb8;
	[tilespmem:$0x1F400] =	vst v63  }
0x81: {  	_ =	swait.ge [sflag:s14], $0x6000  }
0x82: {  	s19 =	sadd.s32 $0x1, s19;
	[sflag:s14] =	ssyncset.done $0x0  }
0x83: {  	p0 =	sne.s32 s19, s9;
	[sflag:s14] =	ssyncadd.s32 $0xFFFFA000  }
.Ltmp2:
0x84: {  	[bflag:$0x0] =	sbarrier.arrive $0xFFFF;
	(pc) =	sbr.rel @p0 .LBB2_1-.Ltmp2, $4  }
0x85: {  	[hbm:s8@s17], [sflag:s6] =	dma.strided [spmem:s13@s18], $0x3100, s14, $0x2   }
0x86: {  	_ =	swait.ge [sflag:s14], $0x3100  }
0x87: {  	[sflag:s14] =	ssyncset.done $0x0  }
0x88: {  	[sflag:s14] =	ssyncadd.s32 $0xFFFFCF00  }
0x89: {  	_ =	sfence.sel $0x180000  }
0x8a: {  	[bflag:$0x0] =	sbarrier.arrive $0xFFFF  }
0x8b: {  	p0 =	sne.s32 s1, $0x0;
	_ =	strace $0x90000053  }
0x8c: {  	s0 =	sadd.s32 @!p0 $0x100000, s0;
	[bflag:$0x2] =	sbarrier.arrive $0xFFFF  }
0x8d: {  	[sflag:s0] =	ssyncadd.tile.s32 @!p0 $0x1;
	_ =	shalt  }
.Lfunc_end2:
_tile_overlayer_lowered:
.L_overlay_start_2:
0x8e: {  	(tag) =	ssettag $0x2  }
0x8f: {  	s0 =	rddreg [dreg:$0x0];
	s2 =	stileid.u32  }
0x90: {  	s1 =	rddreg [dreg:$0x1];
	p0 =	sne.s32 s2, $0x0  }
0x91: {  	s3 =	rddreg [dreg:$0x2];
	[bflag:$0x3] =	sbarrier.arrive $0xFFFF;
	s2 =	simm.s32 @!p0 $0x1C01  }
0x92: {  	[timem:s3], [sflag:s2] =	dma.local @!p0 [hbm:s0], s1  }
0x93: {  	s0 =	simm.s32 @!p0 $0x1  }
0x94: {  	_ =	swait.ge @!p0 [sflag:s0], s1  }
0x95: {  	s1 =	ssub.s32 @!p0 $0x0, s1;
	[sflag:s0] =	ssyncset.done @!p0 $0x0  }
0x96: {  	[sflag:s0] =	ssyncadd.s32 @!p0 s1  }
0x97: {  	[bflag:$0x3] =	sbarrier.arrive $0xFFFF  }
0x98: {  	_ =	shalt  }

// kernel: kernel.29.cloned.1.call-start
scs
__scs_entry_jumppad:
0x0: {  	(pc) =	sbr.rel $0x88, $3  }
0x1: {  	(tag) =	ssettag $0x0;
	lr =	simm.s32 $0x1  }
0x2: {  	[smem:$0x3F95] =	sst lr;
	_ =	strace $0xD0000000  }
0x3: {  	_ = 	snop  }
0x4: {  	_ = 	snop  }
0x5: {  	_ = 	snop  }
0x6: {  	_ = 	snop  }
0x7: {  	_ = 	snop  }
__scs_overlays_trampoline_lowered:
0x8: {  	[smem:$0x3FA4] =	sst s0  }
0x9: {  	[smem:$0x3FA5] =	sst s1  }
0xa: {  	[smem:$0x3FA6] =	sst s2  }
0xb: {  	[smem:$0x3FA7] =	sst s3  }
0xc: {  	[smem:$0x3FA8] =	sst s4  }
0xd: {  	[smem:$0x3FA9] =	sst s5  }
0xe: {  	[smem:$0x3FAA] =	sst s6  }
0xf: {  	[smem:$0x3FAB] =	sst s7  }
0x10: {  	[smem:$0x3FAC] =	sst s8  }
0x11: {  	[smem:$0x3FAD] =	sst s9;
	s0 =	simm.s32 @!p0 $0x0  }
0x12: {  	s1 =	sld [smem:$0x3F93];
	s0 =	simm.s32 @p0 $0x1  }
0x13: {  	[smem:$0x3FAE] =	sst s0;
	s0 =	simm.s32 @!p1 $0x0  }
0x14: {  	s2 =	sld [smem:$0x3F92];
	s0 =	simm.s32 @p1 $0x1  }
0x15: {  	[smem:$0x3FAF] =	sst s0;
	s0 =	simm.s32 @!p2 $0x0  }
0x16: {  	s3 =	sld [smem:$0x3FDB];
	s0 =	simm.s32 @p2 $0x1  }
0x17: {  	s4 =	simm.s32 $0x1BF5;
	[smem:$0x3FB1] =	sst s0  }
0x18: {  	s0 =	sld [smem:$0x3F94];
	_ =	swait.ge [sflag:s4], $0x0  }
0x19: {  	s7 =	sld [smem:$0x3F95]  }
0x1a: {  	s8 =	sadd.s32 $0xFFFFE003, lr  }
0x1b: {  	s9 =	sadd.s32 $0xFFFFFEF7, lr;
	s5 =	simm.s32 $0xFFFFFFFF;
	p2 =	slt.u32 s8, $0xFFFFF086  }
0x1c: {  	p1 =	slt.u32 s9, $0xF7A;
	s5 =	simm.s32 @!p2 $0x0  }
0x1d: {  	s5 =	simm.s32 @p1 $0x1;
	p0 =	seq.s32 s7, s2  }
0x1e: {  	s7 =	smul.u32 @!p0 $0xF7A, s2;
	p2 =	seq.s32 @!p0 s5, $0x0  }
0x1f: {  	s9 =	smul.u32 $0xF7A, s1;
	s8 =	simm.s32 @!p0 $0x1BF5;
	p2 =	por !p2, p0  }
0x20: {  	[sflag:s8] =	ssyncset.s32 @!p0 $0xFFFFF086;
	s6 =	sadd.s32 @!p0 s3, s7;
	s7 =	simm.s32 @!p0 $0x108  }
0x21: {  	s3 =	sadd.s32 s3, s9;
	s6 =	sadd.s32 @!p0 $0x88, s6;
	s7 =	simm.s32 @p2 $0x1082  }
0x22: {  	[simem:s7], [sflag:s8] =	dma.local @!p0 [hbm:s6], $0xF7A  }
0x23: {  	s9 =	sor.u32 $0xD0000000, s2;
	s6 =	simm.s32 $0x108;
	_ =	swait.ge @!p0 [sflag:s8], $0x0  }
0x24: {  	s3 =	sadd.s32 $0x88, s3;
	s6 =	simm.s32 @!p1 $0x1082;
	[sflag:s4] =	ssyncset.s32 $0xFFFFF086  }
0x25: {  	[simem:s6], [sflag:s4] =	dma.local [hbm:s3], $0xF7A  }
0x26: {  	[smem:$0x3F95] =	sst s1;
	(tag) =	ssettag s2;
	_ =	strace s9  }
0x27: {  	s1 =	sld [smem:$0x3FA5]  }
0x28: {  	s2 =	sld [smem:$0x3FA6]  }
0x29: {  	s4 =	sld [smem:$0x3FA8]  }
0x2a: {  	p0 =	seq.s32 s5, $0x0;
	s5 =	sld [smem:$0x3FA9]  }
0x2b: {  	s6 =	sld [smem:$0x3FAA]  }
0x2c: {  	s7 =	sld [smem:$0x3FAB]  }
0x2d: {  	s3 =	simm.s32 $0x108;
	s8 =	sld [smem:$0x3FAC]  }
0x2e: {  	s3 =	simm.s32 @!p0 $0x1082;
	s9 =	sld [smem:$0x3FAD]  }
0x2f: {  	lr =	sadd.s32 s0, s3;
	s0 =	sld [smem:$0x3FA4]  }
0x30: {  	s3 =	sld [smem:$0x3FA7]  }
0x31: {  	[smem:$0x3FB0] =	sst s10  }
0x32: {  	s10 =	sld [smem:$0x3FAE];
	_ =	sdelay $0x3  }
0x33: {  	p0 =	seq.s32 s10, $0x1;
	s10 =	sld [smem:$0x3FB0];
	_ =	sdelay $0x3  }
0x34: {  	[smem:$0x3FB0] =	sst s10  }
0x35: {  	s10 =	sld [smem:$0x3FAF];
	_ =	sdelay $0x3  }
0x36: {  	p1 =	seq.s32 s10, $0x1;
	s10 =	sld [smem:$0x3FB0];
	_ =	sdelay $0x3  }
0x37: {  	[smem:$0x3FB0] =	sst s10  }
0x38: {  	s10 =	sld [smem:$0x3FB1]  }
0x39: {  	_ = 	snop;
	(pc) =	sbr.ind lr, $3  }
0x3a: {  	_ = 	snop  }
0x3b: {  	_ = 	snop  }
0x3c: {  	p2 =	seq.s32 s10, $0x1;
	s10 =	sld [smem:$0x3FB0]  }
0x3d: {  	_ =	shalt  }
0x3e: {  	_ =	shalt  }
0x3f: {  	_ =	shalt  }
0x40: {  	_ =	shalt  }
0x41: {  	_ =	shalt  }
0x42: {  	_ =	shalt  }
0x43: {  	_ =	shalt  }
0x44: {  	_ =	shalt  }
0x45: {  	_ =	shalt  }
0x46: {  	_ =	shalt  }
0x47: {  	_ =	shalt  }
0x48: {  	_ =	shalt  }
0x49: {  	_ =	shalt  }
0x4a: {  	_ =	shalt  }
0x4b: {  	_ =	shalt  }
0x4c: {  	_ =	shalt  }
0x4d: {  	_ =	shalt  }
0x4e: {  	_ =	shalt  }
0x4f: {  	_ =	shalt  }
0x50: {  	_ =	shalt  }
0x51: {  	_ =	shalt  }
0x52: {  	_ =	shalt  }
0x53: {  	_ =	shalt  }
0x54: {  	_ =	shalt  }
0x55: {  	_ =	shalt  }
0x56: {  	_ =	shalt  }
0x57: {  	_ =	shalt  }
0x58: {  	_ =	shalt  }
0x59: {  	_ =	shalt  }
0x5a: {  	_ =	shalt  }
0x5b: {  	_ =	shalt  }
0x5c: {  	_ =	shalt  }
0x5d: {  	_ =	shalt  }
0x5e: {  	_ =	shalt  }
0x5f: {  	_ =	shalt  }
0x60: {  	_ =	shalt  }
0x61: {  	_ =	shalt  }
0x62: {  	_ =	shalt  }
0x63: {  	_ =	shalt  }
0x64: {  	_ =	shalt  }
0x65: {  	_ =	shalt  }
0x66: {  	_ =	shalt  }
0x67: {  	_ =	shalt  }
0x68: {  	_ =	shalt  }
0x69: {  	_ =	shalt  }
0x6a: {  	_ =	shalt  }
0x6b: {  	_ =	shalt  }
0x6c: {  	_ =	shalt  }
0x6d: {  	_ =	shalt  }
0x6e: {  	_ =	shalt  }
0x6f: {  	_ =	shalt  }
0x70: {  	_ =	shalt  }
0x71: {  	_ =	shalt  }
0x72: {  	_ =	shalt  }
0x73: {  	_ =	shalt  }
0x74: {  	_ =	shalt  }
0x75: {  	_ =	shalt  }
0x76: {  	_ =	shalt  }
0x77: {  	_ =	shalt  }
0x78: {  	_ =	shalt  }
0x79: {  	_ =	shalt  }
0x7a: {  	_ =	shalt  }
0x7b: {  	_ =	shalt  }
0x7c: {  	_ =	shalt  }
0x7d: {  	_ =	shalt  }
0x7e: {  	_ =	shalt  }
0x7f: {  	_ =	shalt  }
0x80: {  	_ =	shalt  }
0x81: {  	_ =	shalt  }
0x82: {  	_ =	shalt  }
0x83: {  	_ =	shalt  }
0x84: {  	_ =	shalt  }
0x85: {  	_ =	shalt  }
0x86: {  	_ =	shalt  }
0x87: {  	_ =	shalt  }
.Lfunc_end0:
.L_simem_size_0:
called_computation.5_lowered:
.L_overlay_start_0:
0x88: {  	s2 =	sld [smem:$0x3FD9]  }
0x89: {  	s3 =	sld [smem:$0x3FFE];
	_ =	sdelay $0x1  }
0x8a: {  	s1 =	srdreg.scid  }
0x8b: {  	s0 =	sand.u32 $0x1, s1  }
0x8c: {  	s16 =	sshll.u32 s0, $0xA;
	s2 =	sadd.s32 s3, s2  }
0x8d: {  	s2 =	sadd.s32 s2, s16  }
0x8e: {  	[smem:$0x3FBC] =	sst s2  }
0x8f: {  	_ = 	snop  }
0x90: {  	(tm) =	ssettm $0x1  }
0x91: {  	s17 =	sld [smem:$0x3FFB];
	_ =	sdelay $0x3  }
0x92: {  	_ =	strace s17  }
0x93: {  	s2 =	sld [smem:$0x3FFC];
	_ =	sdelay $0x3  }
0x94: {  	_ =	strace s2  }
0x95: {  	s2 =	sld [smem:$0x3FFD];
	_ =	sdelay $0x3  }
0x96: {  	_ =	strace s2  }
0x97: {  	_ =	strace $0x8FFFFFFF  }
0x98: {  	s18 =	sld [smem:$0x3FDB];
	_ =	sdelay $0x1  }
0x99: {  	s19 =	simm.s32 $_scs_section_size  }
0x9a: {  	s4 =	simm.s32 $_size__tile_overlayer_lowered;
	s5 =	simm.s32 $_tile_overlayer_lowered  }
0x9b: {  	s22 =	simm.s32 $0x1BFF;
	s21 =	sshll.u32 s5, $0x1;
	s2 =	sadd.s32 s19, s18  }
0x9c: {  	s6 =	simm.s32 $0x0;
	s20 =	sshll.u32 s4, $0x1;
	s4 =	sadd.s32 s21, s2  }
0x9d: {  	[timem:s6], [sflag:s22] =	dma.local [hbm:s4], s20  }
0x9e: {  	_ =	swait.ge [sflag:s22], s20  }
0x9f: {  	s3 =	ssub.s32 $0x0, s20;
	[sflag:s22] =	ssyncset.done $0x0  }
0xa0: {  	[sflag:s22] =	ssyncadd.s32 s3;
	_ =	sdelay $0x1  }
0xa1: {  	s23 =	simm.s32 $0x1B8B  }
0xa2: {  	_ =	swait.ge [sflag:s23], $0x1  }
0xa3: {  	[sflag:s23] =	ssyncset.done $0x0  }
0xa4: {  	s25 =	simm.s32 $0x1B8E;
	s24 =	sld [smem:$0x3FFE];
	[sflag:s23] =	ssyncadd.s32 $0xFFFFFFFF  }
0xa5: {  	s26 =	simm.s32 $execute0_lowered;
	[smem:$0x3FD2] =	sst s25  }
0xa6: {  	s4 =	sshll.u32 s26, $0x1;
	_ =	strace $0x80000055;
	[dreg:$0x1] =	wrdreg $0xFFFFFFFF  }
0xa7: {  	s28 =	simm.s32 $_size_execute0_lowered;
	s2 =	sadd.s32 s2, s4;
	[dreg:$0x0] =	wrdreg $0x0  }
0xa8: {  	s4 =	sshll.u32 s28, $0x1;
	[dreg:$0x2] =	wrdreg s2  }
0xa9: {  	[dreg:$0x3] =	wrdreg s4  }
0xaa: {  	[dreg:$0x4] =	wrdreg $0xC0  }
0xab: {  	_ =	task [dreg:s6], $0x5FFFF  }
0xac: {  	[dreg:$0x1] =	wrdreg $0xFFFFFFFF  }
0xad: {  	[dreg:$0x0] =	wrdreg $0x60  }
0xae: {  	[dreg:$0x2] =	wrdreg s24  }
0xaf: {  	[dreg:$0x3] =	wrdreg $0x6C000  }
0xb0: {  	[dreg:$0x4] =	wrdreg $0x9  }
0xb1: {  	_ =	task.clear_ibuf [dreg:s6], $0x5FFFF;
	_ =	strace $0x90000055  }
0xb2: {  	s29 =	simm.s32 $0x9;
	_ =	strace $0x80000057  }
0xb3: {  	_ =	swait.ge [sflag:s29], $0x1  }
0xb4: {  	[sflag:s29] =	ssyncadd.s32 $0xFFFFFFFF  }
0xb5: {  	_ =	strace $0x90000057  }
0xb6: {  	_ =	sfence  }
0xb7: {  	s30 =	sld [smem:$0x0];
	_ =	sdelay $0x2  }
0xb8: {  	s31 =	sshll.u32 s1, $0xD;
	s1 =	sshrl.u32 s1, $0x2  }
0xb9: {  	s3 =	sand.u32 $0x4000, s31;
	s1 =	sadd.s32 s1, s30  }
0xba: {  	s0 =	sor.u32 s3, s0;
	s1 =	sshll.u32 s1, $0x11  }
0xbb: {  	s0 =	sor.u32 s1, s0  }
0xbc: {  	s0 =	sadd.s32 $0x8F2B, s0  }
0xbd: {  	[sflag:s0] =	ssyncadd.remote.s32 $0x1  }
0xbe: {  	_ =	sfence.sel $0xFFFF  }
0xbf: {  	[dreg:$0x0] =	wrdreg $0xFFFFFFFF;
	(pc) =	sbr.abs _section_cstart, $3  }
0xc0: {  	[dreg:$0x1] =	wrdreg $0xFFFFFFFF  }
0xc1: {  	_ =	task.clear_ibuf [dreg:s6], $0x2FFFF;
	_ =	strace $0x9FFFFFFF  }
0xc2: {  	(tm) =	ssettm $0x7FFFFFFF  }
0xc3: {  	_ =	shalt  }
tec
execute0_lowered:
.L_overlay_start_1:
0x0: {  	(tag) =	ssettag $0x1  }
0x1: {  	s1 =	srdreg.scid;
	s5 =	rddreg [dreg:$0x0]  }
0x2: {  	s0 =	stileid.u32;
	s2 =	rddreg [dreg:$0x1];
	s3 =	simm.s32 $0x0  }
0x3: {  	s16 =	simm.s32 $0x600;
	s19 =	simm.s32 $0x0;
	s7 =	smul.u32 $0x18800, s0  }
0x4: {  	s6 =	sand.u32 $0x1, s1;
	s1 =	rddreg [dreg:$0x2];
	s9 =	smul.u32 $0x62000, s0  }
0x5: {  	[smem:$0x7FF] =	sst s3;
	s13 =	sadd.s32 $0x35400, s5;
	s12 =	smul.u32 $0xC600, s0  }
0x6: {  	s17 =	sshll.u32 s0, $0x6;
	s4 =	smul.u32 $0x188000, s6;
	_ =	strace $0x80000056  }
0x7: {  	s26 =	ssub.s32 $0x2, s6;
	s29 =	smul.u32 $0xC6000, s6;
	s17 =	sor.u32 $0x1C01, s17  }
0x8: {  	s28 =	sshrl.u32 s9, $0x2;
	s30 =	sshrl.u32 s26, $0x1;
	s4 =	sadd.s32 s7, s4  }
0x9: {  	s11 =	sadd.s32 s28, s2;
	s14 =	ssub.s32 s26, s30;
	s12 =	sadd.s32 s12, s29  }
0xa: {  	s8 =	sshrl.u32 s4, $0x3;
	s4 =	sadd.s32 $0x3A00, s5;
	s6 =	sadd.s32 $0x6000, s11  }
0xb: {  	s9 =	sadd.s32 $0x18000, s11;
	s15 =	sadd.s32 $0x18C000, s12;
	s12 =	sshrl.u32 s12, $0x3  }
0xc: {  	s10 =	sadd.s32 s8, s5;
	s5 =	sadd.s32 s7, s2;
	s7 =	sadd.s32 $0xC000, s11  }
0xd: {  	s8 =	sadd.s32 $0x12000, s11;
	s11 =	smax.u32 s14, $0x1;
	s31 =	sshrl.u32 s15, $0x3  }
0xe: {  	s12 =	sadd.s32 s12, s13;
	s14 =	simm.s32 $0xC00;
	s15 =	simm.s32 $0x1  }
0xf: {  	v0 =	vimm.f32 $0.0e+00;
	s10 =	sadd.s32 $0x98400, s10;
	s13 =	sadd.s32 s31, s13;
	s18 =	sshrl.u32 s5, $0x3  }
.LBB2_1:
0x10: {  	s20 =	simm.s32 $0x40;
	s21 =	simm.s32 $0x0  }
.LBB2_2:
0x11: {  	p0 =	sne.s32 s20, $0x17FC0;
	[tilespmem:s21+$0xC00] =	vst v0;
	s21 =	smov.u32 s20;
	s20 =	sadd.s32 $0x40, s20  }
.Ltmp0:
0x12: {  	(pc) =	sbr.rel @p0 .LBB2_2-.Ltmp0, $2  }
0x13: {  	_ =	sdelay $0x2  }
0x14: {  	s21 =	sshra.s32 s21, $0x2  }
0x15: {  	[tilespmem:s21+$0xC00] =	vst v0  }
0x16: {  	[spmem:s5] =	stream.linear.scatter [tilespmem:s14], [sflag:$0x1], $0x6000, $0x38;
	[tilespmem:$0x1F400] =	vst v63  }
0x17: {  	_ =	swait.ge [sflag:s15], $0x6000  }
0x18: {  	[sflag:s15] =	ssyncset.done $0x0  }
0x19: {  	[sflag:s15] =	ssyncadd.s32 $0xFFFFA000  }
0x1a: {  	[spmem:s6] =	stream.linear.scatter [tilespmem:s14], [sflag:$0x1], $0x6000, $0x38;
	[tilespmem:$0x1F400] =	vst v63  }
0x1b: {  	_ =	swait.ge [sflag:s15], $0x6000  }
0x1c: {  	[sflag:s15] =	ssyncset.done $0x0  }
0x1d: {  	[sflag:s15] =	ssyncadd.s32 $0xFFFFA000  }
0x1e: {  	[spmem:s7] =	stream.linear.scatter [tilespmem:s14], [sflag:$0x1], $0x6000, $0x38;
	[tilespmem:$0x1F400] =	vst v63  }
0x1f: {  	_ =	swait.ge [sflag:s15], $0x6000  }
0x20: {  	[sflag:s15] =	ssyncset.done $0x0  }
0x21: {  	[sflag:s15] =	ssyncadd.s32 $0xFFFFA000  }
0x22: {  	[spmem:s8] =	stream.linear.scatter [tilespmem:s14], [sflag:$0x1], $0x6000, $0x38;
	[tilespmem:$0x1F400] =	vst v63  }
0x23: {  	_ =	swait.ge [sflag:s15], $0x6000  }
0x24: {  	[sflag:s15] =	ssyncset.done $0x0  }
0x25: {  	[sflag:s15] =	ssyncadd.s32 $0xFFFFA000  }
0x26: {  	[spmem:s9] =	stream.linear.scatter [tilespmem:s14], [sflag:$0x1], $0x800, $0x38;
	[tilespmem:$0x1F400] =	vst v63  }
0x27: {  	_ =	swait.ge [sflag:s15], $0x800  }
0x28: {  	[sflag:s15] =	ssyncset.done $0x0  }
0x29: {  	[sflag:s15] =	ssyncadd.s32 $0xFFFFF800  }
0x2a: {  	s20 =	sadd.s32 $0x0, s12;
	[bflag:$0x0] =	sbarrier.arrive $0xFFFF  }
0x2b: {  	[tilespmem:s3], [sflag:$0x1] =	stream.linear.gather [hbm4b:s20+s3], $0x600, $0x38;
	[tilespmem:$0x1F400] =	vst v63  }
0x2c: {  	_ =	swait.ge [sflag:s15], $0x600  }
0x2d: {  	[sflag:s15] =	ssyncset.done $0x0  }
0x2e: {  	s31 =	sadd.s32 $0x0, s13;
	[sflag:s15] =	ssyncadd.s32 $0xFFFFFA00  }
0x2f: {  	[tilespmem:s16], [sflag:$0x1] =	stream.linear.gather [hbm4b:s31+s3], $0x600, $0x38;
	[tilespmem:$0x1F400] =	vst v63  }
0x30: {  	_ =	swait.ge [sflag:s15], $0x600  }
0x31: {  	[sflag:s15] =	ssyncset.done $0x0  }
0x32: {  	[sflag:s15] =	ssyncadd.s32 $0xFFFFFA00  }
0x33: {  	[tilespmem:s14], [sflag:$0x1] =	stream.indirect.gather [hbm4b:s4+s16], $0x10, s3, s16, $0xb8;
	[tilespmem:$0x1F400] =	vst v63  }
0x34: {  	_ =	swait.ge [sflag:s15], $0x6000  }
0x35: {  	[sflag:s15] =	ssyncset.done $0x0  }
0x36: {  	[sflag:s15] =	ssyncadd.s32 $0xFFFFA000  }
0x37: {  	[spmem:s2] =	stream.indirect.scatter.add.f32 [tilespmem:s14], [sflag:$0x1], $0x10, s16, s16, $0xb8;
	[tilespmem:$0x1F400] =	vst v63  }
0x38: {  	_ =	swait.ge [sflag:s15], $0x6000  }
0x39: {  	s21 =	simm.s32 $0x180;
	s20 =	simm.s32 $0xC0;
	[sflag:s15] =	ssyncset.done $0x0  }
.LBB2_4:
0x3a: {  	s22 =	sadd.s32 s20, s12  }
0x3b: {  	[sflag:s15] =	ssyncadd.s32 $0xFFFFA000;
	s23 =	smov.u32 s21;
	s24 =	sadd.s32 $0xC0, s21  }
0x3c: {  	[tilespmem:s3], [sflag:$0x1] =	stream.linear.gather [hbm4b:s22+s3], $0x600, $0x38;
	[tilespmem:$0x1F400] =	vst v63  }
0x3d: {  	p0 =	sne.s32 s21, $0x1800;
	_ =	swait.ge [sflag:s15], $0x600  }
0x3e: {  	[sflag:s15] =	ssyncset.done $0x0  }
0x3f: {  	s21 =	sadd.s32 s20, s13;
	s20 =	smov.u32 s23;
	[sflag:s15] =	ssyncadd.s32 $0xFFFFFA00  }
0x40: {  	[tilespmem:s16], [sflag:$0x1] =	stream.linear.gather [hbm4b:s21+s3], $0x600, $0x38;
	[tilespmem:$0x1F400] =	vst v63  }
0x41: {  	_ =	swait.ge [sflag:s15], $0x600  }
0x42: {  	[sflag:s15] =	ssyncset.done $0x0  }
0x43: {  	[sflag:s15] =	ssyncadd.s32 $0xFFFFFA00  }
0x44: {  	[tilespmem:s14], [sflag:$0x1] =	stream.indirect.gather [hbm4b:s4+s16], $0x10, s3, s16, $0xb8;
	[tilespmem:$0x1F400] =	vst v63  }
0x45: {  	_ =	swait.ge [sflag:s15], $0x6000  }
.Ltmp1:
0x46: {  	[sflag:s15] =	ssyncset.done $0x0;
	(pc) =	sbr.rel @p0 .LBB2_4-.Ltmp1, $4  }
0x47: {  	[sflag:s15] =	ssyncadd.s32 $0xFFFFA000  }
0x48: {  	[spmem:s2] =	stream.indirect.scatter.add.f32 [tilespmem:s14], [sflag:$0x1], $0x10, s16, s16, $0xb8;
	[tilespmem:$0x1F400] =	vst v63  }
0x49: {  	_ =	swait.ge [sflag:s15], $0x6000  }
0x4a: {  	s21 =	smov.u32 s24;
	[sflag:s15] =	ssyncset.done $0x0  }
0x4b: {  	s21 =	sadd.s32 s20, s12;
	[sflag:s15] =	ssyncadd.s32 $0xFFFFA000  }
0x4c: {  	[tilespmem:s3], [sflag:$0x1] =	stream.linear.gather [hbm4b:s21+s3], $0x600, $0x38;
	[tilespmem:$0x1F400] =	vst v63  }
0x4d: {  	_ =	swait.ge [sflag:s15], $0x600  }
0x4e: {  	[sflag:s15] =	ssyncset.done $0x0  }
0x4f: {  	s31 =	sadd.s32 s20, s13;
	[sflag:s15] =	ssyncadd.s32 $0xFFFFFA00  }
0x50: {  	[tilespmem:s16], [sflag:$0x1] =	stream.linear.gather [hbm4b:s31+s3], $0x600, $0x38;
	[tilespmem:$0x1F400] =	vst v63  }
0x51: {  	_ =	swait.ge [sflag:s15], $0x600  }
0x52: {  	[sflag:s15] =	ssyncset.done $0x0  }
0x53: {  	[sflag:s15] =	ssyncadd.s32 $0xFFFFFA00  }
0x54: {  	[tilespmem:s14], [sflag:$0x1] =	stream.indirect.gather [hbm4b:s4+s16], $0x10, s3, s16, $0xb8;
	[tilespmem:$0x1F400] =	vst v63  }
0x55: {  	_ =	swait.ge [sflag:s15], $0x6000  }
0x56: {  	[sflag:s15] =	ssyncset.done $0x0  }
0x57: {  	[sflag:s15] =	ssyncadd.s32 $0xFFFFA000  }
0x58: {  	[spmem:s2] =	stream.indirect.scatter.add.f32 [tilespmem:s14], [sflag:$0x1], $0x10, s16, s16, $0xb8;
	[tilespmem:$0x1F400] =	vst v63  }
0x59: {  	_ =	swait.ge [sflag:s15], $0x6000  }
0x5a: {  	s19 =	sadd.s32 $0x1, s19;
	[sflag:s15] =	ssyncset.done $0x0  }
0x5b: {  	p0 =	sne.s32 s19, s11;
	[sflag:s15] =	ssyncadd.s32 $0xFFFFA000  }
.Ltmp2:
0x5c: {  	[bflag:$0x0] =	sbarrier.arrive $0xFFFF;
	(pc) =	sbr.rel @p0 .LBB2_1-.Ltmp2, $4  }
0x5d: {  	[hbm:s10], [sflag:s17] =	dma.local [spmem:s18], $0x3100  }
0x5e: {  	_ =	swait.ge [sflag:s15], $0x3100  }
0x5f: {  	[sflag:s15] =	ssyncset.done $0x0  }
0x60: {  	[sflag:s15] =	ssyncadd.s32 $0xFFFFCF00  }
0x61: {  	_ =	sfence.sel $0x180000  }
0x62: {  	[bflag:$0x0] =	sbarrier.arrive $0xFFFF  }
0x63: {  	p0 =	sne.s32 s0, $0x0;
	_ =	strace $0x90000056  }
0x64: {  	s0 =	sadd.s32 @!p0 $0x100000, s1;
	[bflag:$0x2] =	sbarrier.arrive $0xFFFF  }
0x65: {  	[sflag:s0] =	ssyncadd.tile.s32 @!p0 $0x1;
	_ =	shalt  }
.Lfunc_end2:
_tile_overlayer_lowered:
.L_overlay_start_2:
0x66: {  	(tag) =	ssettag $0x2  }
0x67: {  	s0 =	rddreg [dreg:$0x0];
	s2 =	stileid.u32  }
0x68: {  	s1 =	rddreg [dreg:$0x1];
	p0 =	sne.s32 s2, $0x0  }
0x69: {  	s3 =	rddreg [dreg:$0x2];
	[bflag:$0x3] =	sbarrier.arrive $0xFFFF;
	s2 =	simm.s32 @!p0 $0x1C01  }
0x6a: {  	[timem:s3], [sflag:s2] =	dma.local @!p0 [hbm:s0], s1  }
0x6b: {  	s0 =	simm.s32 @!p0 $0x1  }
0x6c: {  	_ =	swait.ge @!p0 [sflag:s0], s1  }
0x6d: {  	s1 =	ssub.s32 @!p0 $0x0, s1;
	[sflag:s0] =	ssyncset.done @!p0 $0x0  }
0x6e: {  	[sflag:s0] =	ssyncadd.s32 @!p0 s1  }
0x6f: {  	[bflag:$0x3] =	sbarrier.arrive $0xFFFF  }
0x70: {  	_ =	shalt  }

</sc_bundles>
